<compile_context>
chip_gen: v7x
topology: tpu7x:2x2x1
jax: 0.10.2.dev20260603
libtpu: 0.0.44.dev20260713+nightly
codegen_flags: <defaults>
</compile_context>

<pallas_src>
import functools

import jax
import jax.numpy as jnp
from jax import lax
from jax.experimental import pallas as pl
from jax.experimental.pallas import tpu as pltpu
from jax.experimental.pallas import tpu_sc as plsc

N_NODES = 100016
N_EDGES = 3200512
N_GRAPHS = 2632

NC = 2
NS = 16
NW = NC * NS
L = 16

C = 2048
K = C // 128
MAIN_CHUNKS = 48
EPW = MAIN_CHUNKS * C
E_MAIN = EPW * NW
E_TAIL = N_EDGES - E_MAIN
TAILPAD = NW * C
NPAD = 100096
SLICE = NPAD // NS
XLAST = N_NODES - (NS - 1) * SLICE
NBUF = 4


def _sc_body(ei_hbm, ea2_hbm, tei_hbm, tea_hbm,
             x_hbm, wnn_hbm, bnn_hbm, out_hbm,
             exc_v0, exc_v1, exc_v2, exc_v3, ea_v0, ea_v1, ea_v2, ea_v3,
             dst_v0, dst_v1, dst_v2, dst_v3, msg_v0, msg_v1, msg_v2, msg_v3,
             xg_v0, xg_v1, xg_v2, xg_v3, sf_v0, sf_v1, sf_v2, sf_v3,
             zero_v, wnn_v, bnn_v, acc_sh, x_sh, sem_in, sem_g, sem_scat):
    exc_v = (exc_v0, exc_v1, exc_v2, exc_v3)
    ea_v = (ea_v0, ea_v1, ea_v2, ea_v3)
    dst_v = (dst_v0, dst_v1, dst_v2, dst_v3)
    msg_v = (msg_v0, msg_v1, msg_v2, msg_v3)
    xg_v = (xg_v0, xg_v1, xg_v2, xg_v3)
    sf_v = (sf_v0, sf_v1, sf_v2, sf_v3)
    cid = lax.axis_index("c")
    sid = lax.axis_index("s")
    wid = cid * NS + sid

    pltpu.sync_copy(wnn_hbm, wnn_v)
    pltpu.sync_copy(bnn_hbm, bnn_v)
    w = wnn_v[...]
    b = bnn_v[...]

    def _zero(i, carry):
        zero_v[pl.ds(i * L, L)] = jnp.zeros((L,), jnp.float32)
        return carry
    lax.fori_loop(0, SLICE // L, _zero, 0)
    pltpu.sync_copy(zero_v, acc_sh.at[pl.ds(sid * SLICE, SLICE)])

    xoff = pl.multiple_of(sid * SLICE, 8)

    @pl.when(sid < NS - 1)
    def _():
        pltpu.sync_copy(x_hbm.at[pl.ds(xoff, SLICE)], zero_v)
        pltpu.sync_copy(zero_v, x_sh.at[pl.ds(xoff, SLICE)])

    @pl.when(sid == NS - 1)
    def _():
        pltpu.sync_copy(x_hbm.at[pl.ds(xoff, XLAST)],
                        zero_v.at[pl.ds(0, XLAST)])
        pltpu.sync_copy(zero_v.at[pl.ds(0, XLAST)],
                        x_sh.at[pl.ds(xoff, XLAST)])
    plsc.subcore_barrier()

    ebase0 = wid * EPW

    def fire_in(ic, bb):
        eb = pl.multiple_of(ebase0 + ic * C, 8)
        pltpu.async_copy(ei_hbm.at[:, pl.ds(eb, C)], exc_v[bb], sem_in.at[bb])
        pltpu.async_copy(ea2_hbm.at[0, pl.ds(eb, C)], ea_v[bb],
                         sem_in.at[bb])

    def wait_in(ic, bb):
        eb = pl.multiple_of(ebase0 + ic * C, 8)
        pltpu.make_async_copy(ei_hbm.at[:, pl.ds(eb, C)], exc_v[bb],
                              sem_in.at[bb]).wait()
        pltpu.make_async_copy(ea2_hbm.at[0, pl.ds(eb, C)], ea_v[bb],
                              sem_in.at[bb]).wait()

    def repack(bb):
        def _row(k, c2):
            for g in range(8):
                off = k * 128 + g * L
                sf_v[bb][pl.ds(off, L)] = exc_v[bb][0, pl.ds(off, L)]
                dst_v[bb][pl.ds(off, L)] = exc_v[bb][1, pl.ds(off, L)]
            return c2
        lax.fori_loop(0, K, _row, 0)

    def fire_gather(bb):
        pltpu.async_copy(x_sh.at[sf_v[bb]], xg_v[bb], sem_g.at[bb])

    def wait_gather(bb):
        pltpu.make_async_copy(x_sh.at[sf_v[bb]], xg_v[bb],
                              sem_g.at[bb]).wait()

    def compute(bb):
        def _row(k, c2):
            for g in range(8):
                off = k * 128 + g * L
                xg = xg_v[bb][pl.ds(off, L)]
                a = ea_v[bb][pl.ds(off, L)]
                msg_v[bb][pl.ds(off, L)] = xg * (a * w + b)
            return c2
        lax.fori_loop(0, K, _row, 0)

    def fire_scat(bb):
        pltpu.async_copy(msg_v[bb], acc_sh.at[dst_v[bb]],
                         sem_scat.at[bb], add=True)

    def drain_scat(bb):
        pltpu.make_async_copy(msg_v[bb], acc_sh.at[dst_v[bb]],
                              sem_scat.at[bb]).wait()

    fire_in(0, 0)
    fire_in(1, 1)

    def _iter(i, carry):
        k0 = i * NBUF
        for d in range(NBUF):
            ic = k0 + d
            bb = d
            pb = (d - 1) % NBUF
            ppb = (d - 2) % NBUF
            wait_in(ic, bb)
            repack(bb)
            fire_gather(bb)

            @pl.when(ic >= 1)
            def _():
                wait_gather(pb)
                compute(pb)

            @pl.when(ic >= 2)
            def _():
                drain_scat(ppb)

            @pl.when(ic >= 1)
            def _():
                fire_scat(pb)

            @pl.when(ic + 2 < MAIN_CHUNKS)
            def _():
                fire_in(ic + 2, ppb)
        return carry
    lax.fori_loop(0, MAIN_CHUNKS // NBUF, _iter, 0)

    lb = (MAIN_CHUNKS - 1) % NBUF
    wait_gather(lb)
    compute(lb)
    drain_scat((MAIN_CHUNKS - 2) % NBUF)
    fire_scat(lb)
    drain_scat(lb)

    tb = pl.multiple_of(wid * C, 8)
    pltpu.sync_copy(tei_hbm.at[:, pl.ds(tb, C)], exc_v[0])
    pltpu.sync_copy(tea_hbm.at[pl.ds(tb, C)], ea_v[0])
    repack(0)
    fire_gather(0)
    wait_gather(0)
    compute(0)
    fire_scat(0)
    drain_scat(0)

    plsc.subcore_barrier()
    obase = pl.multiple_of(cid * NPAD + sid * SLICE, 8)
    pltpu.sync_copy(acc_sh.at[pl.ds(sid * SLICE, SLICE)], zero_v)
    pltpu.sync_copy(zero_v, out_hbm.at[pl.ds(obase, SLICE)])


@jax.jit
def _sc_scatter(ei, ea, tei, tea, xflat, wnn_v, bnn_v):
    mesh = plsc.VectorSubcoreMesh(core_axis_name="c", subcore_axis_name="s")
    return pl.kernel(
        _sc_body,
        out_type=jax.ShapeDtypeStruct((NC * NPAD,), jnp.float32),
        mesh=mesh,
        compiler_params=pltpu.CompilerParams(needs_layout_passes=False),
        scratch_types=[
            pltpu.VMEM((2, C), jnp.int32),
            pltpu.VMEM((2, C), jnp.int32),
            pltpu.VMEM((2, C), jnp.int32),
            pltpu.VMEM((2, C), jnp.int32),
            pltpu.VMEM((C,), jnp.float32),
            pltpu.VMEM((C,), jnp.float32),
            pltpu.VMEM((C,), jnp.float32),
            pltpu.VMEM((C,), jnp.float32),
            pltpu.VMEM((C,), jnp.int32),
            pltpu.VMEM((C,), jnp.int32),
            pltpu.VMEM((C,), jnp.int32),
            pltpu.VMEM((C,), jnp.int32),
            pltpu.VMEM((C,), jnp.float32),
            pltpu.VMEM((C,), jnp.float32),
            pltpu.VMEM((C,), jnp.float32),
            pltpu.VMEM((C,), jnp.float32),
            pltpu.VMEM((C,), jnp.float32),
            pltpu.VMEM((C,), jnp.float32),
            pltpu.VMEM((C,), jnp.float32),
            pltpu.VMEM((C,), jnp.float32),
            pltpu.VMEM((C,), jnp.int32),
            pltpu.VMEM((C,), jnp.int32),
            pltpu.VMEM((C,), jnp.int32),
            pltpu.VMEM((C,), jnp.int32),
            pltpu.VMEM((SLICE,), jnp.float32),
            pltpu.VMEM((L,), jnp.float32),
            pltpu.VMEM((L,), jnp.float32),
            pltpu.VMEM_SHARED((NPAD,), jnp.float32),
            pltpu.VMEM_SHARED((NPAD,), jnp.float32),
            pltpu.SemaphoreType.DMA((NBUF,)),
            pltpu.SemaphoreType.DMA((NBUF,)),
            pltpu.SemaphoreType.DMA((NBUF,)),
        ],
    )(ei, ea, tei, tea, xflat, wnn_v, bnn_v)


def _tc_body(p0, p1, x2d, root, cb, w1, b1, w2, b2, w3, b3, out):
    nodes = p0[...] + p1[...] + x2d[...] * root[...] + cb[...]
    h = lax.dot_general(nodes, w1[...], (((1,), (0,)), ((), ())),
                        preferred_element_type=jnp.float32) + b1[...]
    h = jnp.where(h > 0, h, 0.01 * h)
    h = lax.dot_general(h, w2[...], (((1,), (0,)), ((), ())),
                        preferred_element_type=jnp.float32) + b2[...]
    h = jnp.where(h > 0, h, 0.01 * h)
    h = lax.dot_general(h, w3[...], (((1,), (0,)), ((), ())),
                        preferred_element_type=jnp.float32) + b3[...]
    h = jnp.where(h > 0, h, 0.01 * h)
    m = jnp.max(h, axis=-1, keepdims=True)
    e = jnp.exp(h - m)
    out[...] = e / jnp.sum(e, axis=-1, keepdims=True)


@jax.jit
def _tc_tail(p0, p1, x2d, root, cb, w1, b1, w2, b2, w3, b3):
    return pl.pallas_call(
        _tc_body,
        out_shape=jax.ShapeDtypeStruct((N_GRAPHS, 12), jnp.float32),
    )(p0, p1, x2d, root, cb, w1, b1, w2, b2, w3, b3)


def kernel(x, edge_index, edge_attr, batch, Wnn, bnn, root, conv_bias,
           W1, b1, W2, b2, W3, b3):
    del batch
    npad = TAILPAD - E_TAIL
    pad_ei = jnp.stack([jnp.zeros((npad,), jnp.int32),
                        jnp.full((npad,), N_NODES, jnp.int32)])
    tei = jnp.concatenate([edge_index[:, E_MAIN:], pad_ei], axis=1)
    tea = jnp.concatenate([edge_attr[E_MAIN:, 0],
                           jnp.zeros((npad,), jnp.float32)])
    xflat = x.reshape(N_NODES)
    wnn_v = jnp.full((L,), Wnn[0, 0], jnp.float32)
    bnn_v = jnp.full((L,), bnn[0], jnp.float32)

    partial = _sc_scatter(edge_index, edge_attr.T, tei, tea,
                          xflat, wnn_v, bnn_v)

    p0 = partial[:N_NODES].reshape(N_GRAPHS, 38)
    p1 = partial[NPAD:NPAD + N_NODES].reshape(N_GRAPHS, 38)
    x2d = xflat.reshape(N_GRAPHS, 38)
    return _tc_tail(p0, p1, x2d,
                    root.reshape(1, 1), conv_bias.reshape(1, 1),
                    W1, b1.reshape(1, 4), W2, b2.reshape(1, 4),
                    W3, b3.reshape(1, 12))

# --- scband reference (transcript-rebuilt; emitter-appended) ---
"""Pipeline reference for scband-my-net2-16372415333131 (READ-ONLY COPY).

The authoritative reference and input builder live on the scoring server;
editing this copy changes nothing except your own understanding.
"""

import jax, jax.numpy as jnp
import numpy as np

N = 100016  # 2632 graphs * 38 nodes each
E = 3200512  # N * avg_degree 32
G = 2632


def setup_inputs(seed: int = 0) -> dict:
    key = jax.random.key(seed)
    ks = jax.random.split(key, 12)
    x = jax.random.normal(ks[0], (N, 1), dtype=jnp.float32)
    edge_index = jax.random.randint(ks[1], (2, E), 0, N, dtype=jnp.int32)
    edge_attr = jax.random.normal(ks[2], (E, 1), dtype=jnp.float32)
    batch = jnp.sort(jax.random.randint(ks[3], (N,), 0, G, dtype=jnp.int32))
    # NNConv(1, 1, Linear(1,1)) parameters
    Wnn = jax.random.normal(ks[4], (1, 1), dtype=jnp.float32) * 0.5
    bnn = jnp.zeros((1,), dtype=jnp.float32)
    root = jax.random.normal(ks[5], (1, 1), dtype=jnp.float32) * 0.5
    conv_bias = jnp.zeros((1,), dtype=jnp.float32)
    # MLP head: 38 -> 4 -> 4 -> 12
    W1 = jax.random.normal(ks[6], (38, 4), dtype=jnp.float32) * (1.0 / np.sqrt(38))
    b1 = jnp.zeros((4,), dtype=jnp.float32)
    W2 = jax.random.normal(ks[7], (4, 4), dtype=jnp.float32) * 0.5
    b2 = jnp.zeros((4,), dtype=jnp.float32)
    W3 = jax.random.normal(ks[8], (4, 12), dtype=jnp.float32) * 0.5
    b3 = jnp.zeros((12,), dtype=jnp.float32)
    return {"x": x, "edge_index": edge_index, "edge_attr": edge_attr, "batch": batch,
            "Wnn": Wnn, "bnn": bnn, "root": root, "conv_bias": conv_bias,
            "W1": W1, "b1": b1, "W2": W2, "b2": b2, "W3": W3, "b3": b3}


def reference(x, edge_index, edge_attr, batch, Wnn, bnn, root, conv_bias, W1, b1, W2, b2, W3, b3):
    # NNConv with in=out=1, nn=Linear(1,1), aggr='add' (PyG default)
    src = edge_index[0]
    dst = edge_index[1]
    # edge-conditioned weight: nn(edge_attr).view(E, in, out) -> [E,1]
    w = edge_attr @ Wnn + bnn  # [E, 1]
    # message: x_j @ W_e  (1x1 -> elementwise)
    msg = x[src] * w  # gather over E edges, [E, 1]
    agg = jax.ops.segment_sum(msg, dst, num_segments=x.shape[0])  # scatter-add
    nodes = agg + x @ root + conv_bias  # root weight + bias
    num_graphs = x.shape[0] // 38  # = len(unique(batch))
    h = nodes.reshape(num_graphs, 38)
    # Dropout layers are identity in eval mode
    h = jax.nn.leaky_relu(h @ W1 + b1, 0.01)
    h = jax.nn.leaky_relu(h @ W2 + b2, 0.01)
    h = jax.nn.leaky_relu(h @ W3 + b3, 0.01)
    return jax.nn.softmax(h, axis=-1)

if __name__ == "__main__":
    import jax
    _d = setup_inputs()
    print(jax.jit(kernel)(*tuple(_d.values())))

</pallas_src>

<mosaic_0001>
#map = affine_map<(d0, d1) -> (0, 0)>
#map1 = affine_map<(d0, d1) -> (0)>
module attributes {stable_mosaic.version = 14 : i64} {
  func.func @_sc_body(%arg0: i32, %arg1: i32, %arg2: memref<2x3200512xi32, #tpu.memory_space<hbm>>, %arg3: memref<1x3200512xf32, #tpu.memory_space<hbm>>, %arg4: memref<2x65536xi32, #tpu.memory_space<hbm>>, %arg5: memref<65536xf32, #tpu.memory_space<hbm>>, %arg6: memref<100016xf32, #tpu.memory_space<hbm>>, %arg7: memref<16xf32, #tpu.memory_space<hbm>>, %arg8: memref<16xf32, #tpu.memory_space<hbm>>, %arg9: memref<200192xf32, #tpu.memory_space<hbm>>, %arg10: memref<2x2048xi32, #tpu.memory_space<vmem>>, %arg11: memref<2x2048xi32, #tpu.memory_space<vmem>>, %arg12: memref<2x2048xi32, #tpu.memory_space<vmem>>, %arg13: memref<2x2048xi32, #tpu.memory_space<vmem>>, %arg14: memref<2048xf32, #tpu.memory_space<vmem>>, %arg15: memref<2048xf32, #tpu.memory_space<vmem>>, %arg16: memref<2048xf32, #tpu.memory_space<vmem>>, %arg17: memref<2048xf32, #tpu.memory_space<vmem>>, %arg18: memref<2048xi32, #tpu.memory_space<vmem>>, %arg19: memref<2048xi32, #tpu.memory_space<vmem>>, %arg20: memref<2048xi32, #tpu.memory_space<vmem>>, %arg21: memref<2048xi32, #tpu.memory_space<vmem>>, %arg22: memref<2048xf32, #tpu.memory_space<vmem>>, %arg23: memref<2048xf32, #tpu.memory_space<vmem>>, %arg24: memref<2048xf32, #tpu.memory_space<vmem>>, %arg25: memref<2048xf32, #tpu.memory_space<vmem>>, %arg26: memref<2048xf32, #tpu.memory_space<vmem>>, %arg27: memref<2048xf32, #tpu.memory_space<vmem>>, %arg28: memref<2048xf32, #tpu.memory_space<vmem>>, %arg29: memref<2048xf32, #tpu.memory_space<vmem>>, %arg30: memref<2048xi32, #tpu.memory_space<vmem>>, %arg31: memref<2048xi32, #tpu.memory_space<vmem>>, %arg32: memref<2048xi32, #tpu.memory_space<vmem>>, %arg33: memref<2048xi32, #tpu.memory_space<vmem>>, %arg34: memref<6256xf32, #tpu.memory_space<vmem>>, %arg35: memref<16xf32, #tpu.memory_space<vmem>>, %arg36: memref<16xf32, #tpu.memory_space<vmem>>, %arg37: memref<100096xf32, #tpu.memory_space<vmem_shared>>, %arg38: memref<100096xf32, #tpu.memory_space<vmem_shared>>, %arg39: memref<4x!tpu.dma_semaphore, #tpu.memory_space<semaphore_mem>>, %arg40: memref<4x!tpu.dma_semaphore, #tpu.memory_space<semaphore_mem>>, %arg41: memref<4x!tpu.dma_semaphore, #tpu.memory_space<semaphore_mem>>) attributes {dimension_semantics = [#tpu.dimension_semantics<core_parallel>, #tpu.dimension_semantics<subcore_parallel>], iteration_bounds = array<i64: 2, 16>, scalar_prefetch = 0 : i64, scratch_operands = 32 : i64, tpu.core_type = #tpu.core_type<sc_vector_subcore>, window_params = [{transform_indices = #map}, {transform_indices = #map}, {transform_indices = #map}, {transform_indices = #map1}, {transform_indices = #map1}, {transform_indices = #map1}, {transform_indices = #map1}, {transform_indices = #map1}]} {
    %mul3A = arith.constant 16 : i32
    %mul3A_0 = arith.muli %arg0, %mul3A : i32
    %add3A = arith.addi %mul3A_0, %arg1 : i32
    "tpu.region"() ({
      %run_scoped3A = tpu.sem_alloc : memref<!tpu.dma_semaphore, #tpu.memory_space<semaphore_mem>>
      tpu.enqueue_dma source(%arg7 : memref<16xf32, #tpu.memory_space<hbm>>) target(%arg35 : memref<16xf32, #tpu.memory_space<vmem>>) target_semaphore(%run_scoped3A : memref<!tpu.dma_semaphore, #tpu.memory_space<semaphore_mem>>)
      tpu.wait_dma2 semaphore(%run_scoped3A : memref<!tpu.dma_semaphore, #tpu.memory_space<semaphore_mem>>) src(%arg7 : memref<16xf32, #tpu.memory_space<hbm>>) dst(%arg35 : memref<16xf32, #tpu.memory_space<vmem>>)
      tpu.yield
    }) : () -> ()
    "tpu.region"() ({
      %run_scoped3A = tpu.sem_alloc : memref<!tpu.dma_semaphore, #tpu.memory_space<semaphore_mem>>
      tpu.enqueue_dma source(%arg8 : memref<16xf32, #tpu.memory_space<hbm>>) target(%arg36 : memref<16xf32, #tpu.memory_space<vmem>>) target_semaphore(%run_scoped3A : memref<!tpu.dma_semaphore, #tpu.memory_space<semaphore_mem>>)
      tpu.wait_dma2 semaphore(%run_scoped3A : memref<!tpu.dma_semaphore, #tpu.memory_space<semaphore_mem>>) src(%arg8 : memref<16xf32, #tpu.memory_space<hbm>>) dst(%arg36 : memref<16xf32, #tpu.memory_space<vmem>>)
      tpu.yield
    }) : () -> ()
    %get3A = arith.constant 0 : index
    %get3A_1 = tpu.vector_load %arg35[%get3A] {strides = array<i32>} : memref<16xf32, #tpu.memory_space<vmem>>, vector<16xf32>,
    %get3A_2 = arith.constant 0 : index
    %get3A_3 = tpu.vector_load %arg36[%get3A_2] {strides = array<i32>} : memref<16xf32, #tpu.memory_space<vmem>>, vector<16xf32>,
    %scan3A = arith.constant 0 : i32
    %scan3A_4 = arith.constant 0 : i32
    %scan3A_5 = arith.constant 391 : i32
    %scan3A_6 = arith.addi %scan3A_4, %scan3A_5 : i32
    %scan3A_7 = arith.constant 1 : i32
    scf.for %scan3A_131 = %scan3A_4 to %scan3A_6 step %scan3A_7  : i32 {
      %broadcast_in_dim3A = arith.constant 0.000000e+00 : f32
      %broadcast_in_dim3A_132 = vector.broadcast %broadcast_in_dim3A : f32 to vector<16xf32>
      %mul3A_133 = arith.constant 16 : i32
      %mul3A_134 = arith.muli %scan3A_131, %mul3A_133 : i32
      %swap3A = arith.index_cast %mul3A_134 : i32 to index
      %swap3A_135 = tpu.vector_load %arg34[%swap3A] {strides = array<i32>} : memref<6256xf32, #tpu.memory_space<vmem>>, vector<16xf32>,
      tpu.vector_store %arg34[%swap3A], %broadcast_in_dim3A_132 {strides = array<i32>} : memref<6256xf32, #tpu.memory_space<vmem>>, vector<16xf32>,
    }
    %scan3A_8 = arith.constant 391 : i32
    %mul3A_9 = arith.constant 6256 : i32
    %mul3A_10 = arith.muli %arg1, %mul3A_9 : i32
    "tpu.region"() ({
      %run_scoped3A = tpu.sem_alloc : memref<!tpu.dma_semaphore, #tpu.memory_space<semaphore_mem>>
      %dma_start3A_131 = tpu.memref_slice %arg37[%mul3A_10] : memref<100096xf32, #tpu.memory_space<vmem_shared>> -> memref<6256xf32, #tpu.memory_space<vmem_shared>>
      %dma_start3A_132 = tpu.memref_slice %arg37[%mul3A_10] : memref<100096xf32, #tpu.memory_space<vmem_shared>> -> memref<6256xf32, #tpu.memory_space<vmem_shared>>
      tpu.enqueue_dma source(%arg34 : memref<6256xf32, #tpu.memory_space<vmem>>) target(%dma_start3A_132 : memref<6256xf32, #tpu.memory_space<vmem_shared>>) target_semaphore(%run_scoped3A : memref<!tpu.dma_semaphore, #tpu.memory_space<semaphore_mem>>)
      %dma_wait3A_133 = tpu.memref_slice %arg37[%mul3A_10] : memref<100096xf32, #tpu.memory_space<vmem_shared>> -> memref<6256xf32, #tpu.memory_space<vmem_shared>>
      %dma_wait3A_134 = tpu.memref_slice %arg37[%mul3A_10] : memref<100096xf32, #tpu.memory_space<vmem_shared>> -> memref<6256xf32, #tpu.memory_space<vmem_shared>>
      tpu.wait_dma2 semaphore(%run_scoped3A : memref<!tpu.dma_semaphore, #tpu.memory_space<semaphore_mem>>) src(%arg34 : memref<6256xf32, #tpu.memory_space<vmem>>) dst(%dma_wait3A_134 : memref<6256xf32, #tpu.memory_space<vmem_shared>>)
      tpu.yield
    }) : () -> ()
    %mul3A_11 = arith.constant 6256 : i32
    %mul3A_12 = arith.muli %arg1, %mul3A_11 : i32
    %multiple_of3A = tpu.assume_multiple %mul3A_12, 8 : i32
    %lt3A = arith.constant 15 : i32
    %lt3A_13 = arith.cmpi slt, %arg1, %lt3A : i32
    %convert_element_type3A = arith.extui %lt3A_13 : i1 to i32
    %cond3A = arith.constant 0 : i32
    %cond3A_14 = arith.cmpi ne, %convert_element_type3A, %cond3A : i32
    scf.if %cond3A_14 {
      "tpu.region"() ({
        %run_scoped3A = tpu.sem_alloc : memref<!tpu.dma_semaphore, #tpu.memory_space<semaphore_mem>>
        %dma_start3A_131 = tpu.memref_slice %arg6[%multiple_of3A] : memref<100016xf32, #tpu.memory_space<hbm>> -> memref<6256xf32, #tpu.memory_space<hbm>>
        %dma_start3A_132 = tpu.memref_slice %arg6[%multiple_of3A] : memref<100016xf32, #tpu.memory_space<hbm>> -> memref<6256xf32, #tpu.memory_space<hbm>>
        tpu.enqueue_dma source(%dma_start3A_132 : memref<6256xf32, #tpu.memory_space<hbm>>) target(%arg34 : memref<6256xf32, #tpu.memory_space<vmem>>) target_semaphore(%run_scoped3A : memref<!tpu.dma_semaphore, #tpu.memory_space<semaphore_mem>>)
        %dma_wait3A_133 = tpu.memref_slice %arg6[%multiple_of3A] : memref<100016xf32, #tpu.memory_space<hbm>> -> memref<6256xf32, #tpu.memory_space<hbm>>
        %dma_wait3A_134 = tpu.memref_slice %arg6[%multiple_of3A] : memref<100016xf32, #tpu.memory_space<hbm>> -> memref<6256xf32, #tpu.memory_space<hbm>>
        tpu.wait_dma2 semaphore(%run_scoped3A : memref<!tpu.dma_semaphore, #tpu.memory_space<semaphore_mem>>) src(%dma_wait3A_134 : memref<6256xf32, #tpu.memory_space<hbm>>) dst(%arg34 : memref<6256xf32, #tpu.memory_space<vmem>>)
        tpu.yield
      }) : () -> ()
      "tpu.region"() ({
        %run_scoped3A = tpu.sem_alloc : memref<!tpu.dma_semaphore, #tpu.memory_space<semaphore_mem>>
        %dma_start3A_131 = tpu.memref_slice %arg38[%multiple_of3A] : memref<100096xf32, #tpu.memory_space<vmem_shared>> -> memref<6256xf32, #tpu.memory_space<vmem_shared>>
        %dma_start3A_132 = tpu.memref_slice %arg38[%multiple_of3A] : memref<100096xf32, #tpu.memory_space<vmem_shared>> -> memref<6256xf32, #tpu.memory_space<vmem_shared>>
        tpu.enqueue_dma source(%arg34 : memref<6256xf32, #tpu.memory_space<vmem>>) target(%dma_start3A_132 : memref<6256xf32, #tpu.memory_space<vmem_shared>>) target_semaphore(%run_scoped3A : memref<!tpu.dma_semaphore, #tpu.memory_space<semaphore_mem>>)
        %dma_wait3A_133 = tpu.memref_slice %arg38[%multiple_of3A] : memref<100096xf32, #tpu.memory_space<vmem_shared>> -> memref<6256xf32, #tpu.memory_space<vmem_shared>>
        %dma_wait3A_134 = tpu.memref_slice %arg38[%multiple_of3A] : memref<100096xf32, #tpu.memory_space<vmem_shared>> -> memref<6256xf32, #tpu.memory_space<vmem_shared>>
        tpu.wait_dma2 semaphore(%run_scoped3A : memref<!tpu.dma_semaphore, #tpu.memory_space<semaphore_mem>>) src(%arg34 : memref<6256xf32, #tpu.memory_space<vmem>>) dst(%dma_wait3A_134 : memref<6256xf32, #tpu.memory_space<vmem_shared>>)
        tpu.yield
      }) : () -> ()
    } else {
    }
    %eq3A = arith.constant 15 : i32
    %eq3A_15 = arith.cmpi eq, %arg1, %eq3A : i32
    %convert_element_type3A_16 = arith.extui %eq3A_15 : i1 to i32
    %cond3A_17 = arith.constant 0 : i32
    %cond3A_18 = arith.cmpi ne, %convert_element_type3A_16, %cond3A_17 : i32
    scf.if %cond3A_18 {
      "tpu.region"() ({
        %run_scoped3A = tpu.sem_alloc : memref<!tpu.dma_semaphore, #tpu.memory_space<semaphore_mem>>
        %dma_start3A_131 = arith.constant 0 : i32
        %dma_start3A_132 = tpu.memref_slice %arg34[%dma_start3A_131] : memref<6256xf32, #tpu.memory_space<vmem>> -> memref<6176xf32, #tpu.memory_space<vmem>>
        %dma_start3A_133 = tpu.memref_slice %arg6[%multiple_of3A] : memref<100016xf32, #tpu.memory_space<hbm>> -> memref<6176xf32, #tpu.memory_space<hbm>>
        %dma_start3A_134 = arith.constant 0 : i32
        %dma_start3A_135 = tpu.memref_slice %arg34[%dma_start3A_134] : memref<6256xf32, #tpu.memory_space<vmem>> -> memref<6176xf32, #tpu.memory_space<vmem>>
        %dma_start3A_136 = tpu.memref_slice %arg6[%multiple_of3A] : memref<100016xf32, #tpu.memory_space<hbm>> -> memref<6176xf32, #tpu.memory_space<hbm>>
        tpu.enqueue_dma source(%dma_start3A_136 : memref<6176xf32, #tpu.memory_space<hbm>>) target(%dma_start3A_135 : memref<6176xf32, #tpu.memory_space<vmem>>) target_semaphore(%run_scoped3A : memref<!tpu.dma_semaphore, #tpu.memory_space<semaphore_mem>>)
        %dma_wait3A_137 = arith.constant 0 : i32
        %dma_wait3A_138 = tpu.memref_slice %arg34[%dma_wait3A_137] : memref<6256xf32, #tpu.memory_space<vmem>> -> memref<6176xf32, #tpu.memory_space<vmem>>
        %dma_wait3A_139 = tpu.memref_slice %arg6[%multiple_of3A] : memref<100016xf32, #tpu.memory_space<hbm>> -> memref<6176xf32, #tpu.memory_space<hbm>>
        %dma_wait3A_140 = arith.constant 0 : i32
        %dma_wait3A_141 = tpu.memref_slice %arg34[%dma_wait3A_140] : memref<6256xf32, #tpu.memory_space<vmem>> -> memref<6176xf32, #tpu.memory_space<vmem>>
        %dma_wait3A_142 = tpu.memref_slice %arg6[%multiple_of3A] : memref<100016xf32, #tpu.memory_space<hbm>> -> memref<6176xf32, #tpu.memory_space<hbm>>
        tpu.wait_dma2 semaphore(%run_scoped3A : memref<!tpu.dma_semaphore, #tpu.memory_space<semaphore_mem>>) src(%dma_wait3A_142 : memref<6176xf32, #tpu.memory_space<hbm>>) dst(%dma_wait3A_141 : memref<6176xf32, #tpu.memory_space<vmem>>)
        tpu.yield
      }) : () -> ()
      "tpu.region"() ({
        %run_scoped3A = tpu.sem_alloc : memref<!tpu.dma_semaphore, #tpu.memory_space<semaphore_mem>>
        %dma_start3A_131 = arith.constant 0 : i32
        %dma_start3A_132 = tpu.memref_slice %arg34[%dma_start3A_131] : memref<6256xf32, #tpu.memory_space<vmem>> -> memref<6176xf32, #tpu.memory_space<vmem>>
        %dma_start3A_133 = tpu.memref_slice %arg38[%multiple_of3A] : memref<100096xf32, #tpu.memory_space<vmem_shared>> -> memref<6176xf32, #tpu.memory_space<vmem_shared>>
        %dma_start3A_134 = tpu.memref_slice %arg38[%multiple_of3A] : memref<100096xf32, #tpu.memory_space<vmem_shared>> -> memref<6176xf32, #tpu.memory_space<vmem_shared>>
        %dma_start3A_135 = arith.constant 0 : i32
        %dma_start3A_136 = tpu.memref_slice %arg34[%dma_start3A_135] : memref<6256xf32, #tpu.memory_space<vmem>> -> memref<6176xf32, #tpu.memory_space<vmem>>
        tpu.enqueue_dma source(%dma_start3A_136 : memref<6176xf32, #tpu.memory_space<vmem>>) target(%dma_start3A_134 : memref<6176xf32, #tpu.memory_space<vmem_shared>>) target_semaphore(%run_scoped3A : memref<!tpu.dma_semaphore, #tpu.memory_space<semaphore_mem>>)
        %dma_wait3A_137 = arith.constant 0 : i32
        %dma_wait3A_138 = tpu.memref_slice %arg34[%dma_wait3A_137] : memref<6256xf32, #tpu.memory_space<vmem>> -> memref<6176xf32, #tpu.memory_space<vmem>>
        %dma_wait3A_139 = tpu.memref_slice %arg38[%multiple_of3A] : memref<100096xf32, #tpu.memory_space<vmem_shared>> -> memref<6176xf32, #tpu.memory_space<vmem_shared>>
        %dma_wait3A_140 = tpu.memref_slice %arg38[%multiple_of3A] : memref<100096xf32, #tpu.memory_space<vmem_shared>> -> memref<6176xf32, #tpu.memory_space<vmem_shared>>
        %dma_wait3A_141 = arith.constant 0 : i32
        %dma_wait3A_142 = tpu.memref_slice %arg34[%dma_wait3A_141] : memref<6256xf32, #tpu.memory_space<vmem>> -> memref<6176xf32, #tpu.memory_space<vmem>>
        tpu.wait_dma2 semaphore(%run_scoped3A : memref<!tpu.dma_semaphore, #tpu.memory_space<semaphore_mem>>) src(%dma_wait3A_142 : memref<6176xf32, #tpu.memory_space<vmem>>) dst(%dma_wait3A_140 : memref<6176xf32, #tpu.memory_space<vmem_shared>>)
        tpu.yield
      }) : () -> ()
    } else {
    }
    %barrier3A = arith.constant 0 : index
    tpu.barrier barrier_id(%barrier3A)
    %mul3A_19 = arith.constant 98304 : i32
    %mul3A_20 = arith.muli %add3A, %mul3A_19 : i32
    %add3A_21 = arith.constant 0 : i32
    %add3A_22 = arith.addi %mul3A_20, %add3A_21 : i32
    %multiple_of3A_23 = tpu.assume_multiple %add3A_22, 8 : i32
    %dma_start3A = arith.constant 0 : i32
    %dma_start3A_24 = arith.constant 0 : i32
    %dma_start3A_25 = tpu.memref_slice %arg2[%dma_start3A_24, %multiple_of3A_23] : memref<2x3200512xi32, #tpu.memory_space<hbm>> -> memref<2x2048xi32, #tpu.memory_space<hbm>>
    %dma_start3A_26 = tpu.memref_slice %arg39[%dma_start3A] : memref<4x!tpu.dma_semaphore, #tpu.memory_space<semaphore_mem>> -> memref<1x!tpu.dma_semaphore, #tpu.memory_space<semaphore_mem>>
    %dma_start3A_27 = tpu.memref_squeeze %dma_start3A_26 : memref<1x!tpu.dma_semaphore, #tpu.memory_space<semaphore_mem>> -> memref<!tpu.dma_semaphore, #tpu.memory_space<semaphore_mem>>
    %dma_start3A_28 = arith.constant 0 : i32
    %dma_start3A_29 = tpu.memref_slice %arg2[%dma_start3A_28, %multiple_of3A_23] : memref<2x3200512xi32, #tpu.memory_space<hbm>> -> memref<2x2048xi32, #tpu.memory_space<hbm>>
    tpu.enqueue_dma source(%dma_start3A_29 : memref<2x2048xi32, #tpu.memory_space<hbm>>) target(%arg10 : memref<2x2048xi32, #tpu.memory_space<vmem>>) target_semaphore(%dma_start3A_27 : memref<!tpu.dma_semaphore, #tpu.memory_space<semaphore_mem>>)
    %dma_start3A_30 = arith.constant 0 : i32
    %dma_start3A_31 = arith.constant 0 : i32
    %dma_start3A_32 = tpu.memref_slice %arg3[%dma_start3A_30, %multiple_of3A_23] : memref<1x3200512xf32, #tpu.memory_space<hbm>> -> memref<1x2048xf32, #tpu.memory_space<hbm>>
    %dma_start3A_33 = tpu.memref_squeeze %dma_start3A_32 : memref<1x2048xf32, #tpu.memory_space<hbm>> -> memref<2048xf32, #tpu.memory_space<hbm>>
    %dma_start3A_34 = tpu.memref_slice %arg39[%dma_start3A_31] : memref<4x!tpu.dma_semaphore, #tpu.memory_space<semaphore_mem>> -> memref<1x!tpu.dma_semaphore, #tpu.memory_space<semaphore_mem>>
    %dma_start3A_35 = tpu.memref_squeeze %dma_start3A_34 : memref<1x!tpu.dma_semaphore, #tpu.memory_space<semaphore_mem>> -> memref<!tpu.dma_semaphore, #tpu.memory_space<semaphore_mem>>
    %dma_start3A_36 = tpu.memref_slice %arg3[%dma_start3A_30, %multiple_of3A_23] : memref<1x3200512xf32, #tpu.memory_space<hbm>> -> memref<1x2048xf32, #tpu.memory_space<hbm>>
    %dma_start3A_37 = tpu.memref_squeeze %dma_start3A_36 : memref<1x2048xf32, #tpu.memory_space<hbm>> -> memref<2048xf32, #tpu.memory_space<hbm>>
    tpu.enqueue_dma source(%dma_start3A_37 : memref<2048xf32, #tpu.memory_space<hbm>>) target(%arg14 : memref<2048xf32, #tpu.memory_space<vmem>>) target_semaphore(%dma_start3A_35 : memref<!tpu.dma_semaphore, #tpu.memory_space<semaphore_mem>>)
    %add3A_38 = arith.constant 2048 : i32
    %add3A_39 = arith.addi %mul3A_20, %add3A_38 : i32
    %multiple_of3A_40 = tpu.assume_multiple %add3A_39, 8 : i32
    %dma_start3A_41 = arith.constant 1 : i32
    %dma_start3A_42 = arith.constant 0 : i32
    %dma_start3A_43 = tpu.memref_slice %arg2[%dma_start3A_42, %multiple_of3A_40] : memref<2x3200512xi32, #tpu.memory_space<hbm>> -> memref<2x2048xi32, #tpu.memory_space<hbm>>
    %dma_start3A_44 = tpu.memref_slice %arg39[%dma_start3A_41] : memref<4x!tpu.dma_semaphore, #tpu.memory_space<semaphore_mem>> -> memref<1x!tpu.dma_semaphore, #tpu.memory_space<semaphore_mem>>
    %dma_start3A_45 = tpu.memref_squeeze %dma_start3A_44 : memref<1x!tpu.dma_semaphore, #tpu.memory_space<semaphore_mem>> -> memref<!tpu.dma_semaphore, #tpu.memory_space<semaphore_mem>>
    %dma_start3A_46 = arith.constant 0 : i32
    %dma_start3A_47 = tpu.memref_slice %arg2[%dma_start3A_46, %multiple_of3A_40] : memref<2x3200512xi32, #tpu.memory_space<hbm>> -> memref<2x2048xi32, #tpu.memory_space<hbm>>
    tpu.enqueue_dma source(%dma_start3A_47 : memref<2x2048xi32, #tpu.memory_space<hbm>>) target(%arg11 : memref<2x2048xi32, #tpu.memory_space<vmem>>) target_semaphore(%dma_start3A_45 : memref<!tpu.dma_semaphore, #tpu.memory_space<semaphore_mem>>)
    %dma_start3A_48 = arith.constant 0 : i32
    %dma_start3A_49 = arith.constant 1 : i32
    %dma_start3A_50 = tpu.memref_slice %arg3[%dma_start3A_48, %multiple_of3A_40] : memref<1x3200512xf32, #tpu.memory_space<hbm>> -> memref<1x2048xf32, #tpu.memory_space<hbm>>
    %dma_start3A_51 = tpu.memref_squeeze %dma_start3A_50 : memref<1x2048xf32, #tpu.memory_space<hbm>> -> memref<2048xf32, #tpu.memory_space<hbm>>
    %dma_start3A_52 = tpu.memref_slice %arg39[%dma_start3A_49] : memref<4x!tpu.dma_semaphore, #tpu.memory_space<semaphore_mem>> -> memref<1x!tpu.dma_semaphore, #tpu.memory_space<semaphore_mem>>
    %dma_start3A_53 = tpu.memref_squeeze %dma_start3A_52 : memref<1x!tpu.dma_semaphore, #tpu.memory_space<semaphore_mem>> -> memref<!tpu.dma_semaphore, #tpu.memory_space<semaphore_mem>>
    %dma_start3A_54 = tpu.memref_slice %arg3[%dma_start3A_48, %multiple_of3A_40] : memref<1x3200512xf32, #tpu.memory_space<hbm>> -> memref<1x2048xf32, #tpu.memory_space<hbm>>
    %dma_start3A_55 = tpu.memref_squeeze %dma_start3A_54 : memref<1x2048xf32, #tpu.memory_space<hbm>> -> memref<2048xf32, #tpu.memory_space<hbm>>
    tpu.enqueue_dma source(%dma_start3A_55 : memref<2048xf32, #tpu.memory_space<hbm>>) target(%arg15 : memref<2048xf32, #tpu.memory_space<vmem>>) target_semaphore(%dma_start3A_53 : memref<!tpu.dma_semaphore, #tpu.memory_space<semaphore_mem>>)
    %scan3A_56 = arith.constant 0 : i32
    %scan3A_57 = arith.constant 0 : i32
    %scan3A_58 = arith.constant 12 : i32
    %scan3A_59 = arith.addi %scan3A_57, %scan3A_58 : i32
    %scan3A_60 = arith.constant 1 : i32
    scf.for %scan3A_131 = %scan3A_57 to %scan3A_59 step %scan3A_60  : i32 {
      %mul3A_132 = arith.constant 4 : i32
      %mul3A_133 = arith.muli %scan3A_131, %mul3A_132 : i32
      %add3A_134 = arith.constant 0 : i32
      %add3A_135 = arith.addi %mul3A_133, %add3A_134 : i32
      %mul3A_136 = arith.constant 2048 : i32
      %mul3A_137 = arith.muli %add3A_135, %mul3A_136 : i32
      %add3A_138 = arith.addi %mul3A_20, %mul3A_137 : i32
      %multiple_of3A_139 = tpu.assume_multiple %add3A_138, 8 : i32
      %dma_wait3A_140 = arith.constant 0 : i32
      %dma_wait3A_141 = arith.constant 0 : i32
      %dma_wait3A_142 = tpu.memref_slice %arg2[%dma_wait3A_141, %multiple_of3A_139] : memref<2x3200512xi32, #tpu.memory_space<hbm>> -> memref<2x2048xi32, #tpu.memory_space<hbm>>
      %dma_wait3A_143 = tpu.memref_slice %arg39[%dma_wait3A_140] : memref<4x!tpu.dma_semaphore, #tpu.memory_space<semaphore_mem>> -> memref<1x!tpu.dma_semaphore, #tpu.memory_space<semaphore_mem>>
      %dma_wait3A_144 = tpu.memref_squeeze %dma_wait3A_143 : memref<1x!tpu.dma_semaphore, #tpu.memory_space<semaphore_mem>> -> memref<!tpu.dma_semaphore, #tpu.memory_space<semaphore_mem>>
      %dma_wait3A_145 = arith.constant 0 : i32
      %dma_wait3A_146 = tpu.memref_slice %arg2[%dma_wait3A_145, %multiple_of3A_139] : memref<2x3200512xi32, #tpu.memory_space<hbm>> -> memref<2x2048xi32, #tpu.memory_space<hbm>>
      tpu.wait_dma2 semaphore(%dma_wait3A_144 : memref<!tpu.dma_semaphore, #tpu.memory_space<semaphore_mem>>) src(%dma_wait3A_146 : memref<2x2048xi32, #tpu.memory_space<hbm>>) dst(%arg10 : memref<2x2048xi32, #tpu.memory_space<vmem>>)
      %dma_wait3A_147 = arith.constant 0 : i32
      %dma_wait3A_148 = arith.constant 0 : i32
      %dma_wait3A_149 = tpu.memref_slice %arg3[%dma_wait3A_147, %multiple_of3A_139] : memref<1x3200512xf32, #tpu.memory_space<hbm>> -> memref<1x2048xf32, #tpu.memory_space<hbm>>
      %dma_wait3A_150 = tpu.memref_squeeze %dma_wait3A_149 : memref<1x2048xf32, #tpu.memory_space<hbm>> -> memref<2048xf32, #tpu.memory_space<hbm>>
      %dma_wait3A_151 = tpu.memref_slice %arg39[%dma_wait3A_148] : memref<4x!tpu.dma_semaphore, #tpu.memory_space<semaphore_mem>> -> memref<1x!tpu.dma_semaphore, #tpu.memory_space<semaphore_mem>>
      %dma_wait3A_152 = tpu.memref_squeeze %dma_wait3A_151 : memref<1x!tpu.dma_semaphore, #tpu.memory_space<semaphore_mem>> -> memref<!tpu.dma_semaphore, #tpu.memory_space<semaphore_mem>>
      %dma_wait3A_153 = tpu.memref_slice %arg3[%dma_wait3A_147, %multiple_of3A_139] : memref<1x3200512xf32, #tpu.memory_space<hbm>> -> memref<1x2048xf32, #tpu.memory_space<hbm>>
      %dma_wait3A_154 = tpu.memref_squeeze %dma_wait3A_153 : memref<1x2048xf32, #tpu.memory_space<hbm>> -> memref<2048xf32, #tpu.memory_space<hbm>>
      tpu.wait_dma2 semaphore(%dma_wait3A_152 : memref<!tpu.dma_semaphore, #tpu.memory_space<semaphore_mem>>) src(%dma_wait3A_154 : memref<2048xf32, #tpu.memory_space<hbm>>) dst(%arg14 : memref<2048xf32, #tpu.memory_space<vmem>>)
      %scan3A_155 = arith.constant 0 : i32
      %scan3A_156 = arith.constant 0 : i32
      %scan3A_157 = arith.constant 16 : i32
      %scan3A_158 = arith.addi %scan3A_156, %scan3A_157 : i32
      %scan3A_159 = arith.constant 1 : i32
      scf.for %scan3A_349 = %scan3A_156 to %scan3A_158 step %scan3A_159  : i32 {
        %mul3A_350 = arith.constant 128 : i32
        %mul3A_351 = arith.muli %scan3A_349, %mul3A_350 : i32
        %add3A_352 = arith.constant 0 : i32
        %add3A_353 = arith.addi %mul3A_351, %add3A_352 : i32
        %get3A_354 = arith.constant 0 : i32
        %get3A_355 = arith.index_cast %get3A_354 : i32 to index
        %get3A_356 = arith.index_cast %add3A_353 : i32 to index
        %get3A_357 = tpu.vector_load %arg10[%get3A_355, %get3A_356] {strides = array<i32>} : memref<2x2048xi32, #tpu.memory_space<vmem>>, vector<16xi32>,
        %swap3A = arith.index_cast %add3A_353 : i32 to index
        %swap3A_358 = tpu.vector_load %arg30[%swap3A] {strides = array<i32>} : memref<2048xi32, #tpu.memory_space<vmem>>, vector<16xi32>,
        tpu.vector_store %arg30[%swap3A], %get3A_357 {strides = array<i32>} : memref<2048xi32, #tpu.memory_space<vmem>>, vector<16xi32>,
        %get3A_359 = arith.constant 1 : i32
        %get3A_360 = arith.index_cast %get3A_359 : i32 to index
        %get3A_361 = arith.index_cast %add3A_353 : i32 to index
        %get3A_362 = tpu.vector_load %arg10[%get3A_360, %get3A_361] {strides = array<i32>} : memref<2x2048xi32, #tpu.memory_space<vmem>>, vector<16xi32>,
        %swap3A_363 = arith.index_cast %add3A_353 : i32 to index
        %swap3A_364 = tpu.vector_load %arg18[%swap3A_363] {strides = array<i32>} : memref<2048xi32, #tpu.memory_space<vmem>>, vector<16xi32>,
        tpu.vector_store %arg18[%swap3A_363], %get3A_362 {strides = array<i32>} : memref<2048xi32, #tpu.memory_space<vmem>>, vector<16xi32>,
        %mul3A_365 = arith.constant 128 : i32
        %mul3A_366 = arith.muli %scan3A_349, %mul3A_365 : i32
        %add3A_367 = arith.constant 16 : i32
        %add3A_368 = arith.addi %mul3A_366, %add3A_367 : i32
        %get3A_369 = arith.constant 0 : i32
        %get3A_370 = arith.index_cast %get3A_369 : i32 to index
        %get3A_371 = arith.index_cast %add3A_368 : i32 to index
        %get3A_372 = tpu.vector_load %arg10[%get3A_370, %get3A_371] {strides = array<i32>} : memref<2x2048xi32, #tpu.memory_space<vmem>>, vector<16xi32>,
        %swap3A_373 = arith.index_cast %add3A_368 : i32 to index
        %swap3A_374 = tpu.vector_load %arg30[%swap3A_373] {strides = array<i32>} : memref<2048xi32, #tpu.memory_space<vmem>>, vector<16xi32>,
        tpu.vector_store %arg30[%swap3A_373], %get3A_372 {strides = array<i32>} : memref<2048xi32, #tpu.memory_space<vmem>>, vector<16xi32>,
        %get3A_375 = arith.constant 1 : i32
        %get3A_376 = arith.index_cast %get3A_375 : i32 to index
        %get3A_377 = arith.index_cast %add3A_368 : i32 to index
        %get3A_378 = tpu.vector_load %arg10[%get3A_376, %get3A_377] {strides = array<i32>} : memref<2x2048xi32, #tpu.memory_space<vmem>>, vector<16xi32>,
        %swap3A_379 = arith.index_cast %add3A_368 : i32 to index
        %swap3A_380 = tpu.vector_load %arg18[%swap3A_379] {strides = array<i32>} : memref<2048xi32, #tpu.memory_space<vmem>>, vector<16xi32>,
        tpu.vector_store %arg18[%swap3A_379], %get3A_378 {strides = array<i32>} : memref<2048xi32, #tpu.memory_space<vmem>>, vector<16xi32>,
        %mul3A_381 = arith.constant 128 : i32
        %mul3A_382 = arith.muli %scan3A_349, %mul3A_381 : i32
        %add3A_383 = arith.constant 32 : i32
        %add3A_384 = arith.addi %mul3A_382, %add3A_383 : i32
        %get3A_385 = arith.constant 0 : i32
        %get3A_386 = arith.index_cast %get3A_385 : i32 to index
        %get3A_387 = arith.index_cast %add3A_384 : i32 to index
        %get3A_388 = tpu.vector_load %arg10[%get3A_386, %get3A_387] {strides = array<i32>} : memref<2x2048xi32, #tpu.memory_space<vmem>>, vector<16xi32>,
        %swap3A_389 = arith.index_cast %add3A_384 : i32 to index
        %swap3A_390 = tpu.vector_load %arg30[%swap3A_389] {strides = array<i32>} : memref<2048xi32, #tpu.memory_space<vmem>>, vector<16xi32>,
        tpu.vector_store %arg30[%swap3A_389], %get3A_388 {strides = array<i32>} : memref<2048xi32, #tpu.memory_space<vmem>>, vector<16xi32>,
        %get3A_391 = arith.constant 1 : i32
        %get3A_392 = arith.index_cast %get3A_391 : i32 to index
        %get3A_393 = arith.index_cast %add3A_384 : i32 to index
        %get3A_394 = tpu.vector_load %arg10[%get3A_392, %get3A_393] {strides = array<i32>} : memref<2x2048xi32, #tpu.memory_space<vmem>>, vector<16xi32>,
        %swap3A_395 = arith.index_cast %add3A_384 : i32 to index
        %swap3A_396 = tpu.vector_load %arg18[%swap3A_395] {strides = array<i32>} : memref<2048xi32, #tpu.memory_space<vmem>>, vector<16xi32>,
        tpu.vector_store %arg18[%swap3A_395], %get3A_394 {strides = array<i32>} : memref<2048xi32, #tpu.memory_space<vmem>>, vector<16xi32>,
        %mul3A_397 = arith.constant 128 : i32
        %mul3A_398 = arith.muli %scan3A_349, %mul3A_397 : i32
        %add3A_399 = arith.constant 48 : i32
        %add3A_400 = arith.addi %mul3A_398, %add3A_399 : i32
        %get3A_401 = arith.constant 0 : i32
        %get3A_402 = arith.index_cast %get3A_401 : i32 to index
        %get3A_403 = arith.index_cast %add3A_400 : i32 to index
        %get3A_404 = tpu.vector_load %arg10[%get3A_402, %get3A_403] {strides = array<i32>} : memref<2x2048xi32, #tpu.memory_space<vmem>>, vector<16xi32>,
        %swap3A_405 = arith.index_cast %add3A_400 : i32 to index
        %swap3A_406 = tpu.vector_load %arg30[%swap3A_405] {strides = array<i32>} : memref<2048xi32, #tpu.memory_space<vmem>>, vector<16xi32>,
        tpu.vector_store %arg30[%swap3A_405], %get3A_404 {strides = array<i32>} : memref<2048xi32, #tpu.memory_space<vmem>>, vector<16xi32>,
        %get3A_407 = arith.constant 1 : i32
        %get3A_408 = arith.index_cast %get3A_407 : i32 to index
        %get3A_409 = arith.index_cast %add3A_400 : i32 to index
        %get3A_410 = tpu.vector_load %arg10[%get3A_408, %get3A_409] {strides = array<i32>} : memref<2x2048xi32, #tpu.memory_space<vmem>>, vector<16xi32>,
        %swap3A_411 = arith.index_cast %add3A_400 : i32 to index
        %swap3A_412 = tpu.vector_load %arg18[%swap3A_411] {strides = array<i32>} : memref<2048xi32, #tpu.memory_space<vmem>>, vector<16xi32>,
        tpu.vector_store %arg18[%swap3A_411], %get3A_410 {strides = array<i32>} : memref<2048xi32, #tpu.memory_space<vmem>>, vector<16xi32>,
        %mul3A_413 = arith.constant 128 : i32
        %mul3A_414 = arith.muli %scan3A_349, %mul3A_413 : i32
        %add3A_415 = arith.constant 64 : i32
        %add3A_416 = arith.addi %mul3A_414, %add3A_415 : i32
        %get3A_417 = arith.constant 0 : i32
        %get3A_418 = arith.index_cast %get3A_417 : i32 to index
        %get3A_419 = arith.index_cast %add3A_416 : i32 to index
        %get3A_420 = tpu.vector_load %arg10[%get3A_418, %get3A_419] {strides = array<i32>} : memref<2x2048xi32, #tpu.memory_space<vmem>>, vector<16xi32>,
        %swap3A_421 = arith.index_cast %add3A_416 : i32 to index
        %swap3A_422 = tpu.vector_load %arg30[%swap3A_421] {strides = array<i32>} : memref<2048xi32, #tpu.memory_space<vmem>>, vector<16xi32>,
        tpu.vector_store %arg30[%swap3A_421], %get3A_420 {strides = array<i32>} : memref<2048xi32, #tpu.memory_space<vmem>>, vector<16xi32>,
        %get3A_423 = arith.constant 1 : i32
        %get3A_424 = arith.index_cast %get3A_423 : i32 to index
        %get3A_425 = arith.index_cast %add3A_416 : i32 to index
        %get3A_426 = tpu.vector_load %arg10[%get3A_424, %get3A_425] {strides = array<i32>} : memref<2x2048xi32, #tpu.memory_space<vmem>>, vector<16xi32>,
        %swap3A_427 = arith.index_cast %add3A_416 : i32 to index
        %swap3A_428 = tpu.vector_load %arg18[%swap3A_427] {strides = array<i32>} : memref<2048xi32, #tpu.memory_space<vmem>>, vector<16xi32>,
        tpu.vector_store %arg18[%swap3A_427], %get3A_426 {strides = array<i32>} : memref<2048xi32, #tpu.memory_space<vmem>>, vector<16xi32>,
        %mul3A_429 = arith.constant 128 : i32
        %mul3A_430 = arith.muli %scan3A_349, %mul3A_429 : i32
        %add3A_431 = arith.constant 80 : i32
        %add3A_432 = arith.addi %mul3A_430, %add3A_431 : i32
        %get3A_433 = arith.constant 0 : i32
        %get3A_434 = arith.index_cast %get3A_433 : i32 to index
        %get3A_435 = arith.index_cast %add3A_432 : i32 to index
        %get3A_436 = tpu.vector_load %arg10[%get3A_434, %get3A_435] {strides = array<i32>} : memref<2x2048xi32, #tpu.memory_space<vmem>>, vector<16xi32>,
        %swap3A_437 = arith.index_cast %add3A_432 : i32 to index
        %swap3A_438 = tpu.vector_load %arg30[%swap3A_437] {strides = array<i32>} : memref<2048xi32, #tpu.memory_space<vmem>>, vector<16xi32>,
        tpu.vector_store %arg30[%swap3A_437], %get3A_436 {strides = array<i32>} : memref<2048xi32, #tpu.memory_space<vmem>>, vector<16xi32>,
        %get3A_439 = arith.constant 1 : i32
        %get3A_440 = arith.index_cast %get3A_439 : i32 to index
        %get3A_441 = arith.index_cast %add3A_432 : i32 to index
        %get3A_442 = tpu.vector_load %arg10[%get3A_440, %get3A_441] {strides = array<i32>} : memref<2x2048xi32, #tpu.memory_space<vmem>>, vector<16xi32>,
        %swap3A_443 = arith.index_cast %add3A_432 : i32 to index
        %swap3A_444 = tpu.vector_load %arg18[%swap3A_443] {strides = array<i32>} : memref<2048xi32, #tpu.memory_space<vmem>>, vector<16xi32>,
        tpu.vector_store %arg18[%swap3A_443], %get3A_442 {strides = array<i32>} : memref<2048xi32, #tpu.memory_space<vmem>>, vector<16xi32>,
        %mul3A_445 = arith.constant 128 : i32
        %mul3A_446 = arith.muli %scan3A_349, %mul3A_445 : i32
        %add3A_447 = arith.constant 96 : i32
        %add3A_448 = arith.addi %mul3A_446, %add3A_447 : i32
        %get3A_449 = arith.constant 0 : i32
        %get3A_450 = arith.index_cast %get3A_449 : i32 to index
        %get3A_451 = arith.index_cast %add3A_448 : i32 to index
        %get3A_452 = tpu.vector_load %arg10[%get3A_450, %get3A_451] {strides = array<i32>} : memref<2x2048xi32, #tpu.memory_space<vmem>>, vector<16xi32>,
        %swap3A_453 = arith.index_cast %add3A_448 : i32 to index
        %swap3A_454 = tpu.vector_load %arg30[%swap3A_453] {strides = array<i32>} : memref<2048xi32, #tpu.memory_space<vmem>>, vector<16xi32>,
        tpu.vector_store %arg30[%swap3A_453], %get3A_452 {strides = array<i32>} : memref<2048xi32, #tpu.memory_space<vmem>>, vector<16xi32>,
        %get3A_455 = arith.constant 1 : i32
        %get3A_456 = arith.index_cast %get3A_455 : i32 to index
        %get3A_457 = arith.index_cast %add3A_448 : i32 to index
        %get3A_458 = tpu.vector_load %arg10[%get3A_456, %get3A_457] {strides = array<i32>} : memref<2x2048xi32, #tpu.memory_space<vmem>>, vector<16xi32>,
        %swap3A_459 = arith.index_cast %add3A_448 : i32 to index
        %swap3A_460 = tpu.vector_load %arg18[%swap3A_459] {strides = array<i32>} : memref<2048xi32, #tpu.memory_space<vmem>>, vector<16xi32>,
        tpu.vector_store %arg18[%swap3A_459], %get3A_458 {strides = array<i32>} : memref<2048xi32, #tpu.memory_space<vmem>>, vector<16xi32>,
        %mul3A_461 = arith.constant 128 : i32
        %mul3A_462 = arith.muli %scan3A_349, %mul3A_461 : i32
        %add3A_463 = arith.constant 112 : i32
        %add3A_464 = arith.addi %mul3A_462, %add3A_463 : i32
        %get3A_465 = arith.constant 0 : i32
        %get3A_466 = arith.index_cast %get3A_465 : i32 to index
        %get3A_467 = arith.index_cast %add3A_464 : i32 to index
        %get3A_468 = tpu.vector_load %arg10[%get3A_466, %get3A_467] {strides = array<i32>} : memref<2x2048xi32, #tpu.memory_space<vmem>>, vector<16xi32>,
        %swap3A_469 = arith.index_cast %add3A_464 : i32 to index
        %swap3A_470 = tpu.vector_load %arg30[%swap3A_469] {strides = array<i32>} : memref<2048xi32, #tpu.memory_space<vmem>>, vector<16xi32>,
        tpu.vector_store %arg30[%swap3A_469], %get3A_468 {strides = array<i32>} : memref<2048xi32, #tpu.memory_space<vmem>>, vector<16xi32>,
        %get3A_471 = arith.constant 1 : i32
        %get3A_472 = arith.index_cast %get3A_471 : i32 to index
        %get3A_473 = arith.index_cast %add3A_464 : i32 to index
        %get3A_474 = tpu.vector_load %arg10[%get3A_472, %get3A_473] {strides = array<i32>} : memref<2x2048xi32, #tpu.memory_space<vmem>>, vector<16xi32>,
        %swap3A_475 = arith.index_cast %add3A_464 : i32 to index
        %swap3A_476 = tpu.vector_load %arg18[%swap3A_475] {strides = array<i32>} : memref<2048xi32, #tpu.memory_space<vmem>>, vector<16xi32>,
        tpu.vector_store %arg18[%swap3A_475], %get3A_474 {strides = array<i32>} : memref<2048xi32, #tpu.memory_space<vmem>>, vector<16xi32>,
      }
      %scan3A_160 = arith.constant 16 : i32
      %dma_start3A_161 = arith.constant 0 : i32
      %dma_start3A_162 = arith.constant 0 : i32
      %dma_start3A_163 = tpu.memref_slice %arg38[%dma_start3A_162] : memref<100096xf32, #tpu.memory_space<vmem_shared>> -> memref<100096xf32, #tpu.memory_space<vmem_shared>>
      %dma_start3A_164 = tpu.memref_slice %arg40[%dma_start3A_161] : memref<4x!tpu.dma_semaphore, #tpu.memory_space<semaphore_mem>> -> memref<1x!tpu.dma_semaphore, #tpu.memory_space<semaphore_mem>>
      %dma_start3A_165 = tpu.memref_squeeze %dma_start3A_164 : memref<1x!tpu.dma_semaphore, #tpu.memory_space<semaphore_mem>> -> memref<!tpu.dma_semaphore, #tpu.memory_space<semaphore_mem>>
      tpu.enqueue_indirect_dma source(%dma_start3A_163 : memref<100096xf32, #tpu.memory_space<vmem_shared>>) target(%arg26 : memref<2048xf32, #tpu.memory_space<vmem>>) offsets(%arg30 : memref<2048xi32, #tpu.memory_space<vmem>>) semaphore(%dma_start3A_165 : memref<!tpu.dma_semaphore, #tpu.memory_space<semaphore_mem>>)
      %ge3A = arith.constant 1 : i32
      %ge3A_166 = arith.cmpi sge, %add3A_135, %ge3A : i32
      %convert_element_type3A_167 = arith.extui %ge3A_166 : i1 to i32
      %cond3A_168 = arith.constant 0 : i32
      %cond3A_169 = arith.cmpi ne, %convert_element_type3A_167, %cond3A_168 : i32
      scf.if %cond3A_169 {
        %dma_wait3A_349 = arith.constant 3 : i32
        %dma_wait3A_350 = arith.constant 0 : i32
        %dma_wait3A_351 = tpu.memref_slice %arg38[%dma_wait3A_350] : memref<100096xf32, #tpu.memory_space<vmem_shared>> -> memref<100096xf32, #tpu.memory_space<vmem_shared>>
        %dma_wait3A_352 = tpu.memref_slice %arg40[%dma_wait3A_349] : memref<4x!tpu.dma_semaphore, #tpu.memory_space<semaphore_mem>> -> memref<1x!tpu.dma_semaphore, #tpu.memory_space<semaphore_mem>>
        %dma_wait3A_353 = tpu.memref_squeeze %dma_wait3A_352 : memref<1x!tpu.dma_semaphore, #tpu.memory_space<semaphore_mem>> -> memref<!tpu.dma_semaphore, #tpu.memory_space<semaphore_mem>>
        tpu.wait_indirect_dma semaphore(%dma_wait3A_353 : memref<!tpu.dma_semaphore, #tpu.memory_space<semaphore_mem>>) src(%dma_wait3A_351 : memref<100096xf32, #tpu.memory_space<vmem_shared>>) dst(%arg29 : memref<2048xf32, #tpu.memory_space<vmem>>)
        %scan3A_354 = arith.constant 0 : i32
        %scan3A_355 = arith.constant 0 : i32
        %scan3A_356 = arith.constant 16 : i32
        %scan3A_357 = arith.addi %scan3A_355, %scan3A_356 : i32
        %scan3A_358 = arith.constant 1 : i32
        scf.for %scan3A_360 = %scan3A_355 to %scan3A_357 step %scan3A_358  : i32 {
          %mul3A_361 = arith.constant 128 : i32
          %mul3A_362 = arith.muli %scan3A_360, %mul3A_361 : i32
          %add3A_363 = arith.constant 0 : i32
          %add3A_364 = arith.addi %mul3A_362, %add3A_363 : i32
          %get3A_365 = arith.index_cast %add3A_364 : i32 to index
          %get3A_366 = tpu.vector_load %arg29[%get3A_365] {strides = array<i32>} : memref<2048xf32, #tpu.memory_space<vmem>>, vector<16xf32>,
          %get3A_367 = arith.index_cast %add3A_364 : i32 to index
          %get3A_368 = tpu.vector_load %arg17[%get3A_367] {strides = array<i32>} : memref<2048xf32, #tpu.memory_space<vmem>>, vector<16xf32>,
          %mul3A_369 = arith.mulf %get3A_368, %get3A_1 : vector<16xf32>
          %add3A_370 = arith.addf %mul3A_369, %get3A_3 : vector<16xf32>
          %mul3A_371 = arith.mulf %get3A_366, %add3A_370 : vector<16xf32>
          %swap3A = arith.index_cast %add3A_364 : i32 to index
          %swap3A_372 = tpu.vector_load %arg25[%swap3A] {strides = array<i32>} : memref<2048xf32, #tpu.memory_space<vmem>>, vector<16xf32>,
          tpu.vector_store %arg25[%swap3A], %mul3A_371 {strides = array<i32>} : memref<2048xf32, #tpu.memory_space<vmem>>, vector<16xf32>,
          %mul3A_373 = arith.constant 128 : i32
          %mul3A_374 = arith.muli %scan3A_360, %mul3A_373 : i32
          %add3A_375 = arith.constant 16 : i32
          %add3A_376 = arith.addi %mul3A_374, %add3A_375 : i32
          %get3A_377 = arith.index_cast %add3A_376 : i32 to index
          %get3A_378 = tpu.vector_load %arg29[%get3A_377] {strides = array<i32>} : memref<2048xf32, #tpu.memory_space<vmem>>, vector<16xf32>,
          %get3A_379 = arith.index_cast %add3A_376 : i32 to index
          %get3A_380 = tpu.vector_load %arg17[%get3A_379] {strides = array<i32>} : memref<2048xf32, #tpu.memory_space<vmem>>, vector<16xf32>,
          %mul3A_381 = arith.mulf %get3A_380, %get3A_1 : vector<16xf32>
          %add3A_382 = arith.addf %mul3A_381, %get3A_3 : vector<16xf32>
          %mul3A_383 = arith.mulf %get3A_378, %add3A_382 : vector<16xf32>
          %swap3A_384 = arith.index_cast %add3A_376 : i32 to index
          %swap3A_385 = tpu.vector_load %arg25[%swap3A_384] {strides = array<i32>} : memref<2048xf32, #tpu.memory_space<vmem>>, vector<16xf32>,
          tpu.vector_store %arg25[%swap3A_384], %mul3A_383 {strides = array<i32>} : memref<2048xf32, #tpu.memory_space<vmem>>, vector<16xf32>,
          %mul3A_386 = arith.constant 128 : i32
          %mul3A_387 = arith.muli %scan3A_360, %mul3A_386 : i32
          %add3A_388 = arith.constant 32 : i32
          %add3A_389 = arith.addi %mul3A_387, %add3A_388 : i32
          %get3A_390 = arith.index_cast %add3A_389 : i32 to index
          %get3A_391 = tpu.vector_load %arg29[%get3A_390] {strides = array<i32>} : memref<2048xf32, #tpu.memory_space<vmem>>, vector<16xf32>,
          %get3A_392 = arith.index_cast %add3A_389 : i32 to index
          %get3A_393 = tpu.vector_load %arg17[%get3A_392] {strides = array<i32>} : memref<2048xf32, #tpu.memory_space<vmem>>, vector<16xf32>,
          %mul3A_394 = arith.mulf %get3A_393, %get3A_1 : vector<16xf32>
          %add3A_395 = arith.addf %mul3A_394, %get3A_3 : vector<16xf32>
          %mul3A_396 = arith.mulf %get3A_391, %add3A_395 : vector<16xf32>
          %swap3A_397 = arith.index_cast %add3A_389 : i32 to index
          %swap3A_398 = tpu.vector_load %arg25[%swap3A_397] {strides = array<i32>} : memref<2048xf32, #tpu.memory_space<vmem>>, vector<16xf32>,
          tpu.vector_store %arg25[%swap3A_397], %mul3A_396 {strides = array<i32>} : memref<2048xf32, #tpu.memory_space<vmem>>, vector<16xf32>,
          %mul3A_399 = arith.constant 128 : i32
          %mul3A_400 = arith.muli %scan3A_360, %mul3A_399 : i32
          %add3A_401 = arith.constant 48 : i32
          %add3A_402 = arith.addi %mul3A_400, %add3A_401 : i32
          %get3A_403 = arith.index_cast %add3A_402 : i32 to index
          %get3A_404 = tpu.vector_load %arg29[%get3A_403] {strides = array<i32>} : memref<2048xf32, #tpu.memory_space<vmem>>, vector<16xf32>,
          %get3A_405 = arith.index_cast %add3A_402 : i32 to index
          %get3A_406 = tpu.vector_load %arg17[%get3A_405] {strides = array<i32>} : memref<2048xf32, #tpu.memory_space<vmem>>, vector<16xf32>,
          %mul3A_407 = arith.mulf %get3A_406, %get3A_1 : vector<16xf32>
          %add3A_408 = arith.addf %mul3A_407, %get3A_3 : vector<16xf32>
          %mul3A_409 = arith.mulf %get3A_404, %add3A_408 : vector<16xf32>
          %swap3A_410 = arith.index_cast %add3A_402 : i32 to index
          %swap3A_411 = tpu.vector_load %arg25[%swap3A_410] {strides = array<i32>} : memref<2048xf32, #tpu.memory_space<vmem>>, vector<16xf32>,
          tpu.vector_store %arg25[%swap3A_410], %mul3A_409 {strides = array<i32>} : memref<2048xf32, #tpu.memory_space<vmem>>, vector<16xf32>,
          %mul3A_412 = arith.constant 128 : i32
          %mul3A_413 = arith.muli %scan3A_360, %mul3A_412 : i32
          %add3A_414 = arith.constant 64 : i32
          %add3A_415 = arith.addi %mul3A_413, %add3A_414 : i32
          %get3A_416 = arith.index_cast %add3A_415 : i32 to index
          %get3A_417 = tpu.vector_load %arg29[%get3A_416] {strides = array<i32>} : memref<2048xf32, #tpu.memory_space<vmem>>, vector<16xf32>,
          %get3A_418 = arith.index_cast %add3A_415 : i32 to index
          %get3A_419 = tpu.vector_load %arg17[%get3A_418] {strides = array<i32>} : memref<2048xf32, #tpu.memory_space<vmem>>, vector<16xf32>,
          %mul3A_420 = arith.mulf %get3A_419, %get3A_1 : vector<16xf32>
          %add3A_421 = arith.addf %mul3A_420, %get3A_3 : vector<16xf32>
          %mul3A_422 = arith.mulf %get3A_417, %add3A_421 : vector<16xf32>
          %swap3A_423 = arith.index_cast %add3A_415 : i32 to index
          %swap3A_424 = tpu.vector_load %arg25[%swap3A_423] {strides = array<i32>} : memref<2048xf32, #tpu.memory_space<vmem>>, vector<16xf32>,
          tpu.vector_store %arg25[%swap3A_423], %mul3A_422 {strides = array<i32>} : memref<2048xf32, #tpu.memory_space<vmem>>, vector<16xf32>,
          %mul3A_425 = arith.constant 128 : i32
          %mul3A_426 = arith.muli %scan3A_360, %mul3A_425 : i32
          %add3A_427 = arith.constant 80 : i32
          %add3A_428 = arith.addi %mul3A_426, %add3A_427 : i32
          %get3A_429 = arith.index_cast %add3A_428 : i32 to index
          %get3A_430 = tpu.vector_load %arg29[%get3A_429] {strides = array<i32>} : memref<2048xf32, #tpu.memory_space<vmem>>, vector<16xf32>,
          %get3A_431 = arith.index_cast %add3A_428 : i32 to index
          %get3A_432 = tpu.vector_load %arg17[%get3A_431] {strides = array<i32>} : memref<2048xf32, #tpu.memory_space<vmem>>, vector<16xf32>,
          %mul3A_433 = arith.mulf %get3A_432, %get3A_1 : vector<16xf32>
          %add3A_434 = arith.addf %mul3A_433, %get3A_3 : vector<16xf32>
          %mul3A_435 = arith.mulf %get3A_430, %add3A_434 : vector<16xf32>
          %swap3A_436 = arith.index_cast %add3A_428 : i32 to index
          %swap3A_437 = tpu.vector_load %arg25[%swap3A_436] {strides = array<i32>} : memref<2048xf32, #tpu.memory_space<vmem>>, vector<16xf32>,
          tpu.vector_store %arg25[%swap3A_436], %mul3A_435 {strides = array<i32>} : memref<2048xf32, #tpu.memory_space<vmem>>, vector<16xf32>,
          %mul3A_438 = arith.constant 128 : i32
          %mul3A_439 = arith.muli %scan3A_360, %mul3A_438 : i32
          %add3A_440 = arith.constant 96 : i32
          %add3A_441 = arith.addi %mul3A_439, %add3A_440 : i32
          %get3A_442 = arith.index_cast %add3A_441 : i32 to index
          %get3A_443 = tpu.vector_load %arg29[%get3A_442] {strides = array<i32>} : memref<2048xf32, #tpu.memory_space<vmem>>, vector<16xf32>,
          %get3A_444 = arith.index_cast %add3A_441 : i32 to index
          %get3A_445 = tpu.vector_load %arg17[%get3A_444] {strides = array<i32>} : memref<2048xf32, #tpu.memory_space<vmem>>, vector<16xf32>,
          %mul3A_446 = arith.mulf %get3A_445, %get3A_1 : vector<16xf32>
          %add3A_447 = arith.addf %mul3A_446, %get3A_3 : vector<16xf32>
          %mul3A_448 = arith.mulf %get3A_443, %add3A_447 : vector<16xf32>
          %swap3A_449 = arith.index_cast %add3A_441 : i32 to index
          %swap3A_450 = tpu.vector_load %arg25[%swap3A_449] {strides = array<i32>} : memref<2048xf32, #tpu.memory_space<vmem>>, vector<16xf32>,
          tpu.vector_store %arg25[%swap3A_449], %mul3A_448 {strides = array<i32>} : memref<2048xf32, #tpu.memory_space<vmem>>, vector<16xf32>,
          %mul3A_451 = arith.constant 128 : i32
          %mul3A_452 = arith.muli %scan3A_360, %mul3A_451 : i32
          %add3A_453 = arith.constant 112 : i32
          %add3A_454 = arith.addi %mul3A_452, %add3A_453 : i32
          %get3A_455 = arith.index_cast %add3A_454 : i32 to index
          %get3A_456 = tpu.vector_load %arg29[%get3A_455] {strides = array<i32>} : memref<2048xf32, #tpu.memory_space<vmem>>, vector<16xf32>,
          %get3A_457 = arith.index_cast %add3A_454 : i32 to index
          %get3A_458 = tpu.vector_load %arg17[%get3A_457] {strides = array<i32>} : memref<2048xf32, #tpu.memory_space<vmem>>, vector<16xf32>,
          %mul3A_459 = arith.mulf %get3A_458, %get3A_1 : vector<16xf32>
          %add3A_460 = arith.addf %mul3A_459, %get3A_3 : vector<16xf32>
          %mul3A_461 = arith.mulf %get3A_456, %add3A_460 : vector<16xf32>
          %swap3A_462 = arith.index_cast %add3A_454 : i32 to index
          %swap3A_463 = tpu.vector_load %arg25[%swap3A_462] {strides = array<i32>} : memref<2048xf32, #tpu.memory_space<vmem>>, vector<16xf32>,
          tpu.vector_store %arg25[%swap3A_462], %mul3A_461 {strides = array<i32>} : memref<2048xf32, #tpu.memory_space<vmem>>, vector<16xf32>,
        }
        %scan3A_359 = arith.constant 16 : i32
      } else {
      }
      %ge3A_170 = arith.constant 2 : i32
      %ge3A_171 = arith.cmpi sge, %add3A_135, %ge3A_170 : i32
      %convert_element_type3A_172 = arith.extui %ge3A_171 : i1 to i32
      %cond3A_173 = arith.constant 0 : i32
      %cond3A_174 = arith.cmpi ne, %convert_element_type3A_172, %cond3A_173 : i32
      scf.if %cond3A_174 {
        %dma_wait3A_349 = arith.constant 2 : i32
        %dma_wait3A_350 = arith.constant 0 : i32
        %dma_wait3A_351 = tpu.memref_slice %arg37[%dma_wait3A_350] : memref<100096xf32, #tpu.memory_space<vmem_shared>> -> memref<100096xf32, #tpu.memory_space<vmem_shared>>
        %dma_wait3A_352 = tpu.memref_slice %arg41[%dma_wait3A_349] : memref<4x!tpu.dma_semaphore, #tpu.memory_space<semaphore_mem>> -> memref<1x!tpu.dma_semaphore, #tpu.memory_space<semaphore_mem>>
        %dma_wait3A_353 = tpu.memref_squeeze %dma_wait3A_352 : memref<1x!tpu.dma_semaphore, #tpu.memory_space<semaphore_mem>> -> memref<!tpu.dma_semaphore, #tpu.memory_space<semaphore_mem>>
        tpu.wait_indirect_dma semaphore(%dma_wait3A_353 : memref<!tpu.dma_semaphore, #tpu.memory_space<semaphore_mem>>) src(%arg24 : memref<2048xf32, #tpu.memory_space<vmem>>) dst(%dma_wait3A_351 : memref<100096xf32, #tpu.memory_space<vmem_shared>>)
      } else {
      }
      %ge3A_175 = arith.constant 1 : i32
      %ge3A_176 = arith.cmpi sge, %add3A_135, %ge3A_175 : i32
      %convert_element_type3A_177 = arith.extui %ge3A_176 : i1 to i32
      %cond3A_178 = arith.constant 0 : i32
      %cond3A_179 = arith.cmpi ne, %convert_element_type3A_177, %cond3A_178 : i32
      scf.if %cond3A_179 {
        %dma_start3A_349 = arith.constant 3 : i32
        %dma_start3A_350 = arith.constant 0 : i32
        %dma_start3A_351 = tpu.memref_slice %arg37[%dma_start3A_350] : memref<100096xf32, #tpu.memory_space<vmem_shared>> -> memref<100096xf32, #tpu.memory_space<vmem_shared>>
        %dma_start3A_352 = tpu.memref_slice %arg41[%dma_start3A_349] : memref<4x!tpu.dma_semaphore, #tpu.memory_space<semaphore_mem>> -> memref<1x!tpu.dma_semaphore, #tpu.memory_space<semaphore_mem>>
        %dma_start3A_353 = tpu.memref_squeeze %dma_start3A_352 : memref<1x!tpu.dma_semaphore, #tpu.memory_space<semaphore_mem>> -> memref<!tpu.dma_semaphore, #tpu.memory_space<semaphore_mem>>
        tpu.enqueue_indirect_dma source(%arg25 : memref<2048xf32, #tpu.memory_space<vmem>>) target(%dma_start3A_351 : memref<100096xf32, #tpu.memory_space<vmem_shared>>) offsets(%arg21 : memref<2048xi32, #tpu.memory_space<vmem>>) semaphore(%dma_start3A_353 : memref<!tpu.dma_semaphore, #tpu.memory_space<semaphore_mem>>) {add = true}
      } else {
      }
      %add3A_180 = arith.constant 2 : i32
      %add3A_181 = arith.addi %add3A_135, %add3A_180 : i32
      %lt3A_182 = arith.constant 48 : i32
      %lt3A_183 = arith.cmpi slt, %add3A_181, %lt3A_182 : i32
      %convert_element_type3A_184 = arith.extui %lt3A_183 : i1 to i32
      %cond3A_185 = arith.constant 0 : i32
      %cond3A_186 = arith.cmpi ne, %convert_element_type3A_184, %cond3A_185 : i32
      scf.if %cond3A_186 {
        %add3A_349 = arith.constant 2 : i32
        %add3A_350 = arith.addi %add3A_135, %add3A_349 : i32
        %mul3A_351 = arith.constant 2048 : i32
        %mul3A_352 = arith.muli %add3A_350, %mul3A_351 : i32
        %add3A_353 = arith.addi %mul3A_20, %mul3A_352 : i32
        %multiple_of3A_354 = tpu.assume_multiple %add3A_353, 8 : i32
        %dma_start3A_355 = arith.constant 2 : i32
        %dma_start3A_356 = arith.constant 0 : i32
        %dma_start3A_357 = tpu.memref_slice %arg2[%dma_start3A_356, %multiple_of3A_354] : memref<2x3200512xi32, #tpu.memory_space<hbm>> -> memref<2x2048xi32, #tpu.memory_space<hbm>>
        %dma_start3A_358 = tpu.memref_slice %arg39[%dma_start3A_355] : memref<4x!tpu.dma_semaphore, #tpu.memory_space<semaphore_mem>> -> memref<1x!tpu.dma_semaphore, #tpu.memory_space<semaphore_mem>>
        %dma_start3A_359 = tpu.memref_squeeze %dma_start3A_358 : memref<1x!tpu.dma_semaphore, #tpu.memory_space<semaphore_mem>> -> memref<!tpu.dma_semaphore, #tpu.memory_space<semaphore_mem>>
        %dma_start3A_360 = arith.constant 0 : i32
        %dma_start3A_361 = tpu.memref_slice %arg2[%dma_start3A_360, %multiple_of3A_354] : memref<2x3200512xi32, #tpu.memory_space<hbm>> -> memref<2x2048xi32, #tpu.memory_space<hbm>>
        tpu.enqueue_dma source(%dma_start3A_361 : memref<2x2048xi32, #tpu.memory_space<hbm>>) target(%arg12 : memref<2x2048xi32, #tpu.memory_space<vmem>>) target_semaphore(%dma_start3A_359 : memref<!tpu.dma_semaphore, #tpu.memory_space<semaphore_mem>>)
        %dma_start3A_362 = arith.constant 0 : i32
        %dma_start3A_363 = arith.constant 2 : i32
        %dma_start3A_364 = tpu.memref_slice %arg3[%dma_start3A_362, %multiple_of3A_354] : memref<1x3200512xf32, #tpu.memory_space<hbm>> -> memref<1x2048xf32, #tpu.memory_space<hbm>>
        %dma_start3A_365 = tpu.memref_squeeze %dma_start3A_364 : memref<1x2048xf32, #tpu.memory_space<hbm>> -> memref<2048xf32, #tpu.memory_space<hbm>>
        %dma_start3A_366 = tpu.memref_slice %arg39[%dma_start3A_363] : memref<4x!tpu.dma_semaphore, #tpu.memory_space<semaphore_mem>> -> memref<1x!tpu.dma_semaphore, #tpu.memory_space<semaphore_mem>>
        %dma_start3A_367 = tpu.memref_squeeze %dma_start3A_366 : memref<1x!tpu.dma_semaphore, #tpu.memory_space<semaphore_mem>> -> memref<!tpu.dma_semaphore, #tpu.memory_space<semaphore_mem>>
        %dma_start3A_368 = tpu.memref_slice %arg3[%dma_start3A_362, %multiple_of3A_354] : memref<1x3200512xf32, #tpu.memory_space<hbm>> -> memref<1x2048xf32, #tpu.memory_space<hbm>>
        %dma_start3A_369 = tpu.memref_squeeze %dma_start3A_368 : memref<1x2048xf32, #tpu.memory_space<hbm>> -> memref<2048xf32, #tpu.memory_space<hbm>>
        tpu.enqueue_dma source(%dma_start3A_369 : memref<2048xf32, #tpu.memory_space<hbm>>) target(%arg16 : memref<2048xf32, #tpu.memory_space<vmem>>) target_semaphore(%dma_start3A_367 : memref<!tpu.dma_semaphore, #tpu.memory_space<semaphore_mem>>)
      } else {
      }
      %add3A_187 = arith.constant 1 : i32
      %add3A_188 = arith.addi %mul3A_133, %add3A_187 : i32
      %mul3A_189 = arith.constant 2048 : i32
      %mul3A_190 = arith.muli %add3A_188, %mul3A_189 : i32
      %add3A_191 = arith.addi %mul3A_20, %mul3A_190 : i32
      %multiple_of3A_192 = tpu.assume_multiple %add3A_191, 8 : i32
      %dma_wait3A_193 = arith.constant 1 : i32
      %dma_wait3A_194 = arith.constant 0 : i32
      %dma_wait3A_195 = tpu.memref_slice %arg2[%dma_wait3A_194, %multiple_of3A_192] : memref<2x3200512xi32, #tpu.memory_space<hbm>> -> memref<2x2048xi32, #tpu.memory_space<hbm>>
      %dma_wait3A_196 = tpu.memref_slice %arg39[%dma_wait3A_193] : memref<4x!tpu.dma_semaphore, #tpu.memory_space<semaphore_mem>> -> memref<1x!tpu.dma_semaphore, #tpu.memory_space<semaphore_mem>>
      %dma_wait3A_197 = tpu.memref_squeeze %dma_wait3A_196 : memref<1x!tpu.dma_semaphore, #tpu.memory_space<semaphore_mem>> -> memref<!tpu.dma_semaphore, #tpu.memory_space<semaphore_mem>>
      %dma_wait3A_198 = arith.constant 0 : i32
      %dma_wait3A_199 = tpu.memref_slice %arg2[%dma_wait3A_198, %multiple_of3A_192] : memref<2x3200512xi32, #tpu.memory_space<hbm>> -> memref<2x2048xi32, #tpu.memory_space<hbm>>
      tpu.wait_dma2 semaphore(%dma_wait3A_197 : memref<!tpu.dma_semaphore, #tpu.memory_space<semaphore_mem>>) src(%dma_wait3A_199 : memref<2x2048xi32, #tpu.memory_space<hbm>>) dst(%arg11 : memref<2x2048xi32, #tpu.memory_space<vmem>>)
      %dma_wait3A_200 = arith.constant 0 : i32
      %dma_wait3A_201 = arith.constant 1 : i32
      %dma_wait3A_202 = tpu.memref_slice %arg3[%dma_wait3A_200, %multiple_of3A_192] : memref<1x3200512xf32, #tpu.memory_space<hbm>> -> memref<1x2048xf32, #tpu.memory_space<hbm>>
      %dma_wait3A_203 = tpu.memref_squeeze %dma_wait3A_202 : memref<1x2048xf32, #tpu.memory_space<hbm>> -> memref<2048xf32, #tpu.memory_space<hbm>>
      %dma_wait3A_204 = tpu.memref_slice %arg39[%dma_wait3A_201] : memref<4x!tpu.dma_semaphore, #tpu.memory_space<semaphore_mem>> -> memref<1x!tpu.dma_semaphore, #tpu.memory_space<semaphore_mem>>
      %dma_wait3A_205 = tpu.memref_squeeze %dma_wait3A_204 : memref<1x!tpu.dma_semaphore, #tpu.memory_space<semaphore_mem>> -> memref<!tpu.dma_semaphore, #tpu.memory_space<semaphore_mem>>
      %dma_wait3A_206 = tpu.memref_slice %arg3[%dma_wait3A_200, %multiple_of3A_192] : memref<1x3200512xf32, #tpu.memory_space<hbm>> -> memref<1x2048xf32, #tpu.memory_space<hbm>>
      %dma_wait3A_207 = tpu.memref_squeeze %dma_wait3A_206 : memref<1x2048xf32, #tpu.memory_space<hbm>> -> memref<2048xf32, #tpu.memory_space<hbm>>
      tpu.wait_dma2 semaphore(%dma_wait3A_205 : memref<!tpu.dma_semaphore, #tpu.memory_space<semaphore_mem>>) src(%dma_wait3A_207 : memref<2048xf32, #tpu.memory_space<hbm>>) dst(%arg15 : memref<2048xf32, #tpu.memory_space<vmem>>)
      %scan3A_208 = arith.constant 0 : i32
      %scan3A_209 = arith.constant 0 : i32
      %scan3A_210 = arith.constant 16 : i32
      %scan3A_211 = arith.addi %scan3A_209, %scan3A_210 : i32
      %scan3A_212 = arith.constant 1 : i32
      scf.for %scan3A_349 = %scan3A_209 to %scan3A_211 step %scan3A_212  : i32 {
        %mul3A_350 = arith.constant 128 : i32
        %mul3A_351 = arith.muli %scan3A_349, %mul3A_350 : i32
        %add3A_352 = arith.constant 0 : i32
        %add3A_353 = arith.addi %mul3A_351, %add3A_352 : i32
        %get3A_354 = arith.constant 0 : i32
        %get3A_355 = arith.index_cast %get3A_354 : i32 to index
        %get3A_356 = arith.index_cast %add3A_353 : i32 to index
        %get3A_357 = tpu.vector_load %arg11[%get3A_355, %get3A_356] {strides = array<i32>} : memref<2x2048xi32, #tpu.memory_space<vmem>>, vector<16xi32>,
        %swap3A = arith.index_cast %add3A_353 : i32 to index
        %swap3A_358 = tpu.vector_load %arg31[%swap3A] {strides = array<i32>} : memref<2048xi32, #tpu.memory_space<vmem>>, vector<16xi32>,
        tpu.vector_store %arg31[%swap3A], %get3A_357 {strides = array<i32>} : memref<2048xi32, #tpu.memory_space<vmem>>, vector<16xi32>,
        %get3A_359 = arith.constant 1 : i32
        %get3A_360 = arith.index_cast %get3A_359 : i32 to index
        %get3A_361 = arith.index_cast %add3A_353 : i32 to index
        %get3A_362 = tpu.vector_load %arg11[%get3A_360, %get3A_361] {strides = array<i32>} : memref<2x2048xi32, #tpu.memory_space<vmem>>, vector<16xi32>,
        %swap3A_363 = arith.index_cast %add3A_353 : i32 to index
        %swap3A_364 = tpu.vector_load %arg19[%swap3A_363] {strides = array<i32>} : memref<2048xi32, #tpu.memory_space<vmem>>, vector<16xi32>,
        tpu.vector_store %arg19[%swap3A_363], %get3A_362 {strides = array<i32>} : memref<2048xi32, #tpu.memory_space<vmem>>, vector<16xi32>,
        %mul3A_365 = arith.constant 128 : i32
        %mul3A_366 = arith.muli %scan3A_349, %mul3A_365 : i32
        %add3A_367 = arith.constant 16 : i32
        %add3A_368 = arith.addi %mul3A_366, %add3A_367 : i32
        %get3A_369 = arith.constant 0 : i32
        %get3A_370 = arith.index_cast %get3A_369 : i32 to index
        %get3A_371 = arith.index_cast %add3A_368 : i32 to index
        %get3A_372 = tpu.vector_load %arg11[%get3A_370, %get3A_371] {strides = array<i32>} : memref<2x2048xi32, #tpu.memory_space<vmem>>, vector<16xi32>,
        %swap3A_373 = arith.index_cast %add3A_368 : i32 to index
        %swap3A_374 = tpu.vector_load %arg31[%swap3A_373] {strides = array<i32>} : memref<2048xi32, #tpu.memory_space<vmem>>, vector<16xi32>,
        tpu.vector_store %arg31[%swap3A_373], %get3A_372 {strides = array<i32>} : memref<2048xi32, #tpu.memory_space<vmem>>, vector<16xi32>,
        %get3A_375 = arith.constant 1 : i32
        %get3A_376 = arith.index_cast %get3A_375 : i32 to index
        %get3A_377 = arith.index_cast %add3A_368 : i32 to index
        %get3A_378 = tpu.vector_load %arg11[%get3A_376, %get3A_377] {strides = array<i32>} : memref<2x2048xi32, #tpu.memory_space<vmem>>, vector<16xi32>,
        %swap3A_379 = arith.index_cast %add3A_368 : i32 to index
        %swap3A_380 = tpu.vector_load %arg19[%swap3A_379] {strides = array<i32>} : memref<2048xi32, #tpu.memory_space<vmem>>, vector<16xi32>,
        tpu.vector_store %arg19[%swap3A_379], %get3A_378 {strides = array<i32>} : memref<2048xi32, #tpu.memory_space<vmem>>, vector<16xi32>,
        %mul3A_381 = arith.constant 128 : i32
        %mul3A_382 = arith.muli %scan3A_349, %mul3A_381 : i32
        %add3A_383 = arith.constant 32 : i32
        %add3A_384 = arith.addi %mul3A_382, %add3A_383 : i32
        %get3A_385 = arith.constant 0 : i32
        %get3A_386 = arith.index_cast %get3A_385 : i32 to index
        %get3A_387 = arith.index_cast %add3A_384 : i32 to index
        %get3A_388 = tpu.vector_load %arg11[%get3A_386, %get3A_387] {strides = array<i32>} : memref<2x2048xi32, #tpu.memory_space<vmem>>, vector<16xi32>,
        %swap3A_389 = arith.index_cast %add3A_384 : i32 to index
        %swap3A_390 = tpu.vector_load %arg31[%swap3A_389] {strides = array<i32>} : memref<2048xi32, #tpu.memory_space<vmem>>, vector<16xi32>,
        tpu.vector_store %arg31[%swap3A_389], %get3A_388 {strides = array<i32>} : memref<2048xi32, #tpu.memory_space<vmem>>, vector<16xi32>,
        %get3A_391 = arith.constant 1 : i32
        %get3A_392 = arith.index_cast %get3A_391 : i32 to index
        %get3A_393 = arith.index_cast %add3A_384 : i32 to index
        %get3A_394 = tpu.vector_load %arg11[%get3A_392, %get3A_393] {strides = array<i32>} : memref<2x2048xi32, #tpu.memory_space<vmem>>, vector<16xi32>,
        %swap3A_395 = arith.index_cast %add3A_384 : i32 to index
        %swap3A_396 = tpu.vector_load %arg19[%swap3A_395] {strides = array<i32>} : memref<2048xi32, #tpu.memory_space<vmem>>, vector<16xi32>,
        tpu.vector_store %arg19[%swap3A_395], %get3A_394 {strides = array<i32>} : memref<2048xi32, #tpu.memory_space<vmem>>, vector<16xi32>,
        %mul3A_397 = arith.constant 128 : i32
        %mul3A_398 = arith.muli %scan3A_349, %mul3A_397 : i32
        %add3A_399 = arith.constant 48 : i32
        %add3A_400 = arith.addi %mul3A_398, %add3A_399 : i32
        %get3A_401 = arith.constant 0 : i32
        %get3A_402 = arith.index_cast %get3A_401 : i32 to index
        %get3A_403 = arith.index_cast %add3A_400 : i32 to index
        %get3A_404 = tpu.vector_load %arg11[%get3A_402, %get3A_403] {strides = array<i32>} : memref<2x2048xi32, #tpu.memory_space<vmem>>, vector<16xi32>,
        %swap3A_405 = arith.index_cast %add3A_400 : i32 to index
        %swap3A_406 = tpu.vector_load %arg31[%swap3A_405] {strides = array<i32>} : memref<2048xi32, #tpu.memory_space<vmem>>, vector<16xi32>,
        tpu.vector_store %arg31[%swap3A_405], %get3A_404 {strides = array<i32>} : memref<2048xi32, #tpu.memory_space<vmem>>, vector<16xi32>,
        %get3A_407 = arith.constant 1 : i32
        %get3A_408 = arith.index_cast %get3A_407 : i32 to index
        %get3A_409 = arith.index_cast %add3A_400 : i32 to index
        %get3A_410 = tpu.vector_load %arg11[%get3A_408, %get3A_409] {strides = array<i32>} : memref<2x2048xi32, #tpu.memory_space<vmem>>, vector<16xi32>,
        %swap3A_411 = arith.index_cast %add3A_400 : i32 to index
        %swap3A_412 = tpu.vector_load %arg19[%swap3A_411] {strides = array<i32>} : memref<2048xi32, #tpu.memory_space<vmem>>, vector<16xi32>,
        tpu.vector_store %arg19[%swap3A_411], %get3A_410 {strides = array<i32>} : memref<2048xi32, #tpu.memory_space<vmem>>, vector<16xi32>,
        %mul3A_413 = arith.constant 128 : i32
        %mul3A_414 = arith.muli %scan3A_349, %mul3A_413 : i32
        %add3A_415 = arith.constant 64 : i32
        %add3A_416 = arith.addi %mul3A_414, %add3A_415 : i32
        %get3A_417 = arith.constant 0 : i32
        %get3A_418 = arith.index_cast %get3A_417 : i32 to index
        %get3A_419 = arith.index_cast %add3A_416 : i32 to index
        %get3A_420 = tpu.vector_load %arg11[%get3A_418, %get3A_419] {strides = array<i32>} : memref<2x2048xi32, #tpu.memory_space<vmem>>, vector<16xi32>,
        %swap3A_421 = arith.index_cast %add3A_416 : i32 to index
        %swap3A_422 = tpu.vector_load %arg31[%swap3A_421] {strides = array<i32>} : memref<2048xi32, #tpu.memory_space<vmem>>, vector<16xi32>,
        tpu.vector_store %arg31[%swap3A_421], %get3A_420 {strides = array<i32>} : memref<2048xi32, #tpu.memory_space<vmem>>, vector<16xi32>,
        %get3A_423 = arith.constant 1 : i32
        %get3A_424 = arith.index_cast %get3A_423 : i32 to index
        %get3A_425 = arith.index_cast %add3A_416 : i32 to index
        %get3A_426 = tpu.vector_load %arg11[%get3A_424, %get3A_425] {strides = array<i32>} : memref<2x2048xi32, #tpu.memory_space<vmem>>, vector<16xi32>,
        %swap3A_427 = arith.index_cast %add3A_416 : i32 to index
        %swap3A_428 = tpu.vector_load %arg19[%swap3A_427] {strides = array<i32>} : memref<2048xi32, #tpu.memory_space<vmem>>, vector<16xi32>,
        tpu.vector_store %arg19[%swap3A_427], %get3A_426 {strides = array<i32>} : memref<2048xi32, #tpu.memory_space<vmem>>, vector<16xi32>,
        %mul3A_429 = arith.constant 128 : i32
        %mul3A_430 = arith.muli %scan3A_349, %mul3A_429 : i32
        %add3A_431 = arith.constant 80 : i32
        %add3A_432 = arith.addi %mul3A_430, %add3A_431 : i32
        %get3A_433 = arith.constant 0 : i32
        %get3A_434 = arith.index_cast %get3A_433 : i32 to index
        %get3A_435 = arith.index_cast %add3A_432 : i32 to index
        %get3A_436 = tpu.vector_load %arg11[%get3A_434, %get3A_435] {strides = array<i32>} : memref<2x2048xi32, #tpu.memory_space<vmem>>, vector<16xi32>,
        %swap3A_437 = arith.index_cast %add3A_432 : i32 to index
        %swap3A_438 = tpu.vector_load %arg31[%swap3A_437] {strides = array<i32>} : memref<2048xi32, #tpu.memory_space<vmem>>, vector<16xi32>,
        tpu.vector_store %arg31[%swap3A_437], %get3A_436 {strides = array<i32>} : memref<2048xi32, #tpu.memory_space<vmem>>, vector<16xi32>,
        %get3A_439 = arith.constant 1 : i32
        %get3A_440 = arith.index_cast %get3A_439 : i32 to index
        %get3A_441 = arith.index_cast %add3A_432 : i32 to index
        %get3A_442 = tpu.vector_load %arg11[%get3A_440, %get3A_441] {strides = array<i32>} : memref<2x2048xi32, #tpu.memory_space<vmem>>, vector<16xi32>,
        %swap3A_443 = arith.index_cast %add3A_432 : i32 to index
        %swap3A_444 = tpu.vector_load %arg19[%swap3A_443] {strides = array<i32>} : memref<2048xi32, #tpu.memory_space<vmem>>, vector<16xi32>,
        tpu.vector_store %arg19[%swap3A_443], %get3A_442 {strides = array<i32>} : memref<2048xi32, #tpu.memory_space<vmem>>, vector<16xi32>,
        %mul3A_445 = arith.constant 128 : i32
        %mul3A_446 = arith.muli %scan3A_349, %mul3A_445 : i32
        %add3A_447 = arith.constant 96 : i32
        %add3A_448 = arith.addi %mul3A_446, %add3A_447 : i32
        %get3A_449 = arith.constant 0 : i32
        %get3A_450 = arith.index_cast %get3A_449 : i32 to index
        %get3A_451 = arith.index_cast %add3A_448 : i32 to index
        %get3A_452 = tpu.vector_load %arg11[%get3A_450, %get3A_451] {strides = array<i32>} : memref<2x2048xi32, #tpu.memory_space<vmem>>, vector<16xi32>,
        %swap3A_453 = arith.index_cast %add3A_448 : i32 to index
        %swap3A_454 = tpu.vector_load %arg31[%swap3A_453] {strides = array<i32>} : memref<2048xi32, #tpu.memory_space<vmem>>, vector<16xi32>,
        tpu.vector_store %arg31[%swap3A_453], %get3A_452 {strides = array<i32>} : memref<2048xi32, #tpu.memory_space<vmem>>, vector<16xi32>,
        %get3A_455 = arith.constant 1 : i32
        %get3A_456 = arith.index_cast %get3A_455 : i32 to index
        %get3A_457 = arith.index_cast %add3A_448 : i32 to index
        %get3A_458 = tpu.vector_load %arg11[%get3A_456, %get3A_457] {strides = array<i32>} : memref<2x2048xi32, #tpu.memory_space<vmem>>, vector<16xi32>,
        %swap3A_459 = arith.index_cast %add3A_448 : i32 to index
        %swap3A_460 = tpu.vector_load %arg19[%swap3A_459] {strides = array<i32>} : memref<2048xi32, #tpu.memory_space<vmem>>, vector<16xi32>,
        tpu.vector_store %arg19[%swap3A_459], %get3A_458 {strides = array<i32>} : memref<2048xi32, #tpu.memory_space<vmem>>, vector<16xi32>,
        %mul3A_461 = arith.constant 128 : i32
        %mul3A_462 = arith.muli %scan3A_349, %mul3A_461 : i32
        %add3A_463 = arith.constant 112 : i32
        %add3A_464 = arith.addi %mul3A_462, %add3A_463 : i32
        %get3A_465 = arith.constant 0 : i32
        %get3A_466 = arith.index_cast %get3A_465 : i32 to index
        %get3A_467 = arith.index_cast %add3A_464 : i32 to index
        %get3A_468 = tpu.vector_load %arg11[%get3A_466, %get3A_467] {strides = array<i32>} : memref<2x2048xi32, #tpu.memory_space<vmem>>, vector<16xi32>,
        %swap3A_469 = arith.index_cast %add3A_464 : i32 to index
        %swap3A_470 = tpu.vector_load %arg31[%swap3A_469] {strides = array<i32>} : memref<2048xi32, #tpu.memory_space<vmem>>, vector<16xi32>,
        tpu.vector_store %arg31[%swap3A_469], %get3A_468 {strides = array<i32>} : memref<2048xi32, #tpu.memory_space<vmem>>, vector<16xi32>,
        %get3A_471 = arith.constant 1 : i32
        %get3A_472 = arith.index_cast %get3A_471 : i32 to index
        %get3A_473 = arith.index_cast %add3A_464 : i32 to index
        %get3A_474 = tpu.vector_load %arg11[%get3A_472, %get3A_473] {strides = array<i32>} : memref<2x2048xi32, #tpu.memory_space<vmem>>, vector<16xi32>,
        %swap3A_475 = arith.index_cast %add3A_464 : i32 to index
        %swap3A_476 = tpu.vector_load %arg19[%swap3A_475] {strides = array<i32>} : memref<2048xi32, #tpu.memory_space<vmem>>, vector<16xi32>,
        tpu.vector_store %arg19[%swap3A_475], %get3A_474 {strides = array<i32>} : memref<2048xi32, #tpu.memory_space<vmem>>, vector<16xi32>,
      }
      %scan3A_213 = arith.constant 16 : i32
      %dma_start3A_214 = arith.constant 1 : i32
      %dma_start3A_215 = arith.constant 0 : i32
      %dma_start3A_216 = tpu.memref_slice %arg38[%dma_start3A_215] : memref<100096xf32, #tpu.memory_space<vmem_shared>> -> memref<100096xf32, #tpu.memory_space<vmem_shared>>
      %dma_start3A_217 = tpu.memref_slice %arg40[%dma_start3A_214] : memref<4x!tpu.dma_semaphore, #tpu.memory_space<semaphore_mem>> -> memref<1x!tpu.dma_semaphore, #tpu.memory_space<semaphore_mem>>
      %dma_start3A_218 = tpu.memref_squeeze %dma_start3A_217 : memref<1x!tpu.dma_semaphore, #tpu.memory_space<semaphore_mem>> -> memref<!tpu.dma_semaphore, #tpu.memory_space<semaphore_mem>>
      tpu.enqueue_indirect_dma source(%dma_start3A_216 : memref<100096xf32, #tpu.memory_space<vmem_shared>>) target(%arg27 : memref<2048xf32, #tpu.memory_space<vmem>>) offsets(%arg31 : memref<2048xi32, #tpu.memory_space<vmem>>) semaphore(%dma_start3A_218 : memref<!tpu.dma_semaphore, #tpu.memory_space<semaphore_mem>>)
      %ge3A_219 = arith.constant 1 : i32
      %ge3A_220 = arith.cmpi sge, %add3A_188, %ge3A_219 : i32
      %convert_element_type3A_221 = arith.extui %ge3A_220 : i1 to i32
      %cond3A_222 = arith.constant 0 : i32
      %cond3A_223 = arith.cmpi ne, %convert_element_type3A_221, %cond3A_222 : i32
      scf.if %cond3A_223 {
        %dma_wait3A_349 = arith.constant 0 : i32
        %dma_wait3A_350 = arith.constant 0 : i32
        %dma_wait3A_351 = tpu.memref_slice %arg38[%dma_wait3A_350] : memref<100096xf32, #tpu.memory_space<vmem_shared>> -> memref<100096xf32, #tpu.memory_space<vmem_shared>>
        %dma_wait3A_352 = tpu.memref_slice %arg40[%dma_wait3A_349] : memref<4x!tpu.dma_semaphore, #tpu.memory_space<semaphore_mem>> -> memref<1x!tpu.dma_semaphore, #tpu.memory_space<semaphore_mem>>
        %dma_wait3A_353 = tpu.memref_squeeze %dma_wait3A_352 : memref<1x!tpu.dma_semaphore, #tpu.memory_space<semaphore_mem>> -> memref<!tpu.dma_semaphore, #tpu.memory_space<semaphore_mem>>
        tpu.wait_indirect_dma semaphore(%dma_wait3A_353 : memref<!tpu.dma_semaphore, #tpu.memory_space<semaphore_mem>>) src(%dma_wait3A_351 : memref<100096xf32, #tpu.memory_space<vmem_shared>>) dst(%arg26 : memref<2048xf32, #tpu.memory_space<vmem>>)
        %scan3A_354 = arith.constant 0 : i32
        %scan3A_355 = arith.constant 0 : i32
        %scan3A_356 = arith.constant 16 : i32
        %scan3A_357 = arith.addi %scan3A_355, %scan3A_356 : i32
        %scan3A_358 = arith.constant 1 : i32
        scf.for %scan3A_360 = %scan3A_355 to %scan3A_357 step %scan3A_358  : i32 {
          %mul3A_361 = arith.constant 128 : i32
          %mul3A_362 = arith.muli %scan3A_360, %mul3A_361 : i32
          %add3A_363 = arith.constant 0 : i32
          %add3A_364 = arith.addi %mul3A_362, %add3A_363 : i32
          %get3A_365 = arith.index_cast %add3A_364 : i32 to index
          %get3A_366 = tpu.vector_load %arg26[%get3A_365] {strides = array<i32>} : memref<2048xf32, #tpu.memory_space<vmem>>, vector<16xf32>,
          %get3A_367 = arith.index_cast %add3A_364 : i32 to index
          %get3A_368 = tpu.vector_load %arg14[%get3A_367] {strides = array<i32>} : memref<2048xf32, #tpu.memory_space<vmem>>, vector<16xf32>,
          %mul3A_369 = arith.mulf %get3A_368, %get3A_1 : vector<16xf32>
          %add3A_370 = arith.addf %mul3A_369, %get3A_3 : vector<16xf32>
          %mul3A_371 = arith.mulf %get3A_366, %add3A_370 : vector<16xf32>
          %swap3A = arith.index_cast %add3A_364 : i32 to index
          %swap3A_372 = tpu.vector_load %arg22[%swap3A] {strides = array<i32>} : memref<2048xf32, #tpu.memory_space<vmem>>, vector<16xf32>,
          tpu.vector_store %arg22[%swap3A], %mul3A_371 {strides = array<i32>} : memref<2048xf32, #tpu.memory_space<vmem>>, vector<16xf32>,
          %mul3A_373 = arith.constant 128 : i32
          %mul3A_374 = arith.muli %scan3A_360, %mul3A_373 : i32
          %add3A_375 = arith.constant 16 : i32
          %add3A_376 = arith.addi %mul3A_374, %add3A_375 : i32
          %get3A_377 = arith.index_cast %add3A_376 : i32 to index
          %get3A_378 = tpu.vector_load %arg26[%get3A_377] {strides = array<i32>} : memref<2048xf32, #tpu.memory_space<vmem>>, vector<16xf32>,
          %get3A_379 = arith.index_cast %add3A_376 : i32 to index
          %get3A_380 = tpu.vector_load %arg14[%get3A_379] {strides = array<i32>} : memref<2048xf32, #tpu.memory_space<vmem>>, vector<16xf32>,
          %mul3A_381 = arith.mulf %get3A_380, %get3A_1 : vector<16xf32>
          %add3A_382 = arith.addf %mul3A_381, %get3A_3 : vector<16xf32>
          %mul3A_383 = arith.mulf %get3A_378, %add3A_382 : vector<16xf32>
          %swap3A_384 = arith.index_cast %add3A_376 : i32 to index
          %swap3A_385 = tpu.vector_load %arg22[%swap3A_384] {strides = array<i32>} : memref<2048xf32, #tpu.memory_space<vmem>>, vector<16xf32>,
          tpu.vector_store %arg22[%swap3A_384], %mul3A_383 {strides = array<i32>} : memref<2048xf32, #tpu.memory_space<vmem>>, vector<16xf32>,
          %mul3A_386 = arith.constant 128 : i32
          %mul3A_387 = arith.muli %scan3A_360, %mul3A_386 : i32
          %add3A_388 = arith.constant 32 : i32
          %add3A_389 = arith.addi %mul3A_387, %add3A_388 : i32
          %get3A_390 = arith.index_cast %add3A_389 : i32 to index
          %get3A_391 = tpu.vector_load %arg26[%get3A_390] {strides = array<i32>} : memref<2048xf32, #tpu.memory_space<vmem>>, vector<16xf32>,
          %get3A_392 = arith.index_cast %add3A_389 : i32 to index
          %get3A_393 = tpu.vector_load %arg14[%get3A_392] {strides = array<i32>} : memref<2048xf32, #tpu.memory_space<vmem>>, vector<16xf32>,
          %mul3A_394 = arith.mulf %get3A_393, %get3A_1 : vector<16xf32>
          %add3A_395 = arith.addf %mul3A_394, %get3A_3 : vector<16xf32>
          %mul3A_396 = arith.mulf %get3A_391, %add3A_395 : vector<16xf32>
          %swap3A_397 = arith.index_cast %add3A_389 : i32 to index
          %swap3A_398 = tpu.vector_load %arg22[%swap3A_397] {strides = array<i32>} : memref<2048xf32, #tpu.memory_space<vmem>>, vector<16xf32>,
          tpu.vector_store %arg22[%swap3A_397], %mul3A_396 {strides = array<i32>} : memref<2048xf32, #tpu.memory_space<vmem>>, vector<16xf32>,
          %mul3A_399 = arith.constant 128 : i32
          %mul3A_400 = arith.muli %scan3A_360, %mul3A_399 : i32
          %add3A_401 = arith.constant 48 : i32
          %add3A_402 = arith.addi %mul3A_400, %add3A_401 : i32
          %get3A_403 = arith.index_cast %add3A_402 : i32 to index
          %get3A_404 = tpu.vector_load %arg26[%get3A_403] {strides = array<i32>} : memref<2048xf32, #tpu.memory_space<vmem>>, vector<16xf32>,
          %get3A_405 = arith.index_cast %add3A_402 : i32 to index
          %get3A_406 = tpu.vector_load %arg14[%get3A_405] {strides = array<i32>} : memref<2048xf32, #tpu.memory_space<vmem>>, vector<16xf32>,
          %mul3A_407 = arith.mulf %get3A_406, %get3A_1 : vector<16xf32>
          %add3A_408 = arith.addf %mul3A_407, %get3A_3 : vector<16xf32>
          %mul3A_409 = arith.mulf %get3A_404, %add3A_408 : vector<16xf32>
          %swap3A_410 = arith.index_cast %add3A_402 : i32 to index
          %swap3A_411 = tpu.vector_load %arg22[%swap3A_410] {strides = array<i32>} : memref<2048xf32, #tpu.memory_space<vmem>>, vector<16xf32>,
          tpu.vector_store %arg22[%swap3A_410], %mul3A_409 {strides = array<i32>} : memref<2048xf32, #tpu.memory_space<vmem>>, vector<16xf32>,
          %mul3A_412 = arith.constant 128 : i32
          %mul3A_413 = arith.muli %scan3A_360, %mul3A_412 : i32
          %add3A_414 = arith.constant 64 : i32
          %add3A_415 = arith.addi %mul3A_413, %add3A_414 : i32
          %get3A_416 = arith.index_cast %add3A_415 : i32 to index
          %get3A_417 = tpu.vector_load %arg26[%get3A_416] {strides = array<i32>} : memref<2048xf32, #tpu.memory_space<vmem>>, vector<16xf32>,
          %get3A_418 = arith.index_cast %add3A_415 : i32 to index
          %get3A_419 = tpu.vector_load %arg14[%get3A_418] {strides = array<i32>} : memref<2048xf32, #tpu.memory_space<vmem>>, vector<16xf32>,
          %mul3A_420 = arith.mulf %get3A_419, %get3A_1 : vector<16xf32>
          %add3A_421 = arith.addf %mul3A_420, %get3A_3 : vector<16xf32>
          %mul3A_422 = arith.mulf %get3A_417, %add3A_421 : vector<16xf32>
          %swap3A_423 = arith.index_cast %add3A_415 : i32 to index
          %swap3A_424 = tpu.vector_load %arg22[%swap3A_423] {strides = array<i32>} : memref<2048xf32, #tpu.memory_space<vmem>>, vector<16xf32>,
          tpu.vector_store %arg22[%swap3A_423], %mul3A_422 {strides = array<i32>} : memref<2048xf32, #tpu.memory_space<vmem>>, vector<16xf32>,
          %mul3A_425 = arith.constant 128 : i32
          %mul3A_426 = arith.muli %scan3A_360, %mul3A_425 : i32
          %add3A_427 = arith.constant 80 : i32
          %add3A_428 = arith.addi %mul3A_426, %add3A_427 : i32
          %get3A_429 = arith.index_cast %add3A_428 : i32 to index
          %get3A_430 = tpu.vector_load %arg26[%get3A_429] {strides = array<i32>} : memref<2048xf32, #tpu.memory_space<vmem>>, vector<16xf32>,
          %get3A_431 = arith.index_cast %add3A_428 : i32 to index
          %get3A_432 = tpu.vector_load %arg14[%get3A_431] {strides = array<i32>} : memref<2048xf32, #tpu.memory_space<vmem>>, vector<16xf32>,
          %mul3A_433 = arith.mulf %get3A_432, %get3A_1 : vector<16xf32>
          %add3A_434 = arith.addf %mul3A_433, %get3A_3 : vector<16xf32>
          %mul3A_435 = arith.mulf %get3A_430, %add3A_434 : vector<16xf32>
          %swap3A_436 = arith.index_cast %add3A_428 : i32 to index
          %swap3A_437 = tpu.vector_load %arg22[%swap3A_436] {strides = array<i32>} : memref<2048xf32, #tpu.memory_space<vmem>>, vector<16xf32>,
          tpu.vector_store %arg22[%swap3A_436], %mul3A_435 {strides = array<i32>} : memref<2048xf32, #tpu.memory_space<vmem>>, vector<16xf32>,
          %mul3A_438 = arith.constant 128 : i32
          %mul3A_439 = arith.muli %scan3A_360, %mul3A_438 : i32
          %add3A_440 = arith.constant 96 : i32
          %add3A_441 = arith.addi %mul3A_439, %add3A_440 : i32
          %get3A_442 = arith.index_cast %add3A_441 : i32 to index
          %get3A_443 = tpu.vector_load %arg26[%get3A_442] {strides = array<i32>} : memref<2048xf32, #tpu.memory_space<vmem>>, vector<16xf32>,
          %get3A_444 = arith.index_cast %add3A_441 : i32 to index
          %get3A_445 = tpu.vector_load %arg14[%get3A_444] {strides = array<i32>} : memref<2048xf32, #tpu.memory_space<vmem>>, vector<16xf32>,
          %mul3A_446 = arith.mulf %get3A_445, %get3A_1 : vector<16xf32>
          %add3A_447 = arith.addf %mul3A_446, %get3A_3 : vector<16xf32>
          %mul3A_448 = arith.mulf %get3A_443, %add3A_447 : vector<16xf32>
          %swap3A_449 = arith.index_cast %add3A_441 : i32 to index
          %swap3A_450 = tpu.vector_load %arg22[%swap3A_449] {strides = array<i32>} : memref<2048xf32, #tpu.memory_space<vmem>>, vector<16xf32>,
          tpu.vector_store %arg22[%swap3A_449], %mul3A_448 {strides = array<i32>} : memref<2048xf32, #tpu.memory_space<vmem>>, vector<16xf32>,
          %mul3A_451 = arith.constant 128 : i32
          %mul3A_452 = arith.muli %scan3A_360, %mul3A_451 : i32
          %add3A_453 = arith.constant 112 : i32
          %add3A_454 = arith.addi %mul3A_452, %add3A_453 : i32
          %get3A_455 = arith.index_cast %add3A_454 : i32 to index
          %get3A_456 = tpu.vector_load %arg26[%get3A_455] {strides = array<i32>} : memref<2048xf32, #tpu.memory_space<vmem>>, vector<16xf32>,
          %get3A_457 = arith.index_cast %add3A_454 : i32 to index
          %get3A_458 = tpu.vector_load %arg14[%get3A_457] {strides = array<i32>} : memref<2048xf32, #tpu.memory_space<vmem>>, vector<16xf32>,
          %mul3A_459 = arith.mulf %get3A_458, %get3A_1 : vector<16xf32>
          %add3A_460 = arith.addf %mul3A_459, %get3A_3 : vector<16xf32>
          %mul3A_461 = arith.mulf %get3A_456, %add3A_460 : vector<16xf32>
          %swap3A_462 = arith.index_cast %add3A_454 : i32 to index
          %swap3A_463 = tpu.vector_load %arg22[%swap3A_462] {strides = array<i32>} : memref<2048xf32, #tpu.memory_space<vmem>>, vector<16xf32>,
          tpu.vector_store %arg22[%swap3A_462], %mul3A_461 {strides = array<i32>} : memref<2048xf32, #tpu.memory_space<vmem>>, vector<16xf32>,
        }
        %scan3A_359 = arith.constant 16 : i32
      } else {
      }
      %ge3A_224 = arith.constant 2 : i32
      %ge3A_225 = arith.cmpi sge, %add3A_188, %ge3A_224 : i32
      %convert_element_type3A_226 = arith.extui %ge3A_225 : i1 to i32
      %cond3A_227 = arith.constant 0 : i32
      %cond3A_228 = arith.cmpi ne, %convert_element_type3A_226, %cond3A_227 : i32
      scf.if %cond3A_228 {
        %dma_wait3A_349 = arith.constant 3 : i32
        %dma_wait3A_350 = arith.constant 0 : i32
        %dma_wait3A_351 = tpu.memref_slice %arg37[%dma_wait3A_350] : memref<100096xf32, #tpu.memory_space<vmem_shared>> -> memref<100096xf32, #tpu.memory_space<vmem_shared>>
        %dma_wait3A_352 = tpu.memref_slice %arg41[%dma_wait3A_349] : memref<4x!tpu.dma_semaphore, #tpu.memory_space<semaphore_mem>> -> memref<1x!tpu.dma_semaphore, #tpu.memory_space<semaphore_mem>>
        %dma_wait3A_353 = tpu.memref_squeeze %dma_wait3A_352 : memref<1x!tpu.dma_semaphore, #tpu.memory_space<semaphore_mem>> -> memref<!tpu.dma_semaphore, #tpu.memory_space<semaphore_mem>>
        tpu.wait_indirect_dma semaphore(%dma_wait3A_353 : memref<!tpu.dma_semaphore, #tpu.memory_space<semaphore_mem>>) src(%arg25 : memref<2048xf32, #tpu.memory_space<vmem>>) dst(%dma_wait3A_351 : memref<100096xf32, #tpu.memory_space<vmem_shared>>)
      } else {
      }
      %ge3A_229 = arith.constant 1 : i32
      %ge3A_230 = arith.cmpi sge, %add3A_188, %ge3A_229 : i32
      %convert_element_type3A_231 = arith.extui %ge3A_230 : i1 to i32
      %cond3A_232 = arith.constant 0 : i32
      %cond3A_233 = arith.cmpi ne, %convert_element_type3A_231, %cond3A_232 : i32
      scf.if %cond3A_233 {
        %dma_start3A_349 = arith.constant 0 : i32
        %dma_start3A_350 = arith.constant 0 : i32
        %dma_start3A_351 = tpu.memref_slice %arg37[%dma_start3A_350] : memref<100096xf32, #tpu.memory_space<vmem_shared>> -> memref<100096xf32, #tpu.memory_space<vmem_shared>>
        %dma_start3A_352 = tpu.memref_slice %arg41[%dma_start3A_349] : memref<4x!tpu.dma_semaphore, #tpu.memory_space<semaphore_mem>> -> memref<1x!tpu.dma_semaphore, #tpu.memory_space<semaphore_mem>>
        %dma_start3A_353 = tpu.memref_squeeze %dma_start3A_352 : memref<1x!tpu.dma_semaphore, #tpu.memory_space<semaphore_mem>> -> memref<!tpu.dma_semaphore, #tpu.memory_space<semaphore_mem>>
        tpu.enqueue_indirect_dma source(%arg22 : memref<2048xf32, #tpu.memory_space<vmem>>) target(%dma_start3A_351 : memref<100096xf32, #tpu.memory_space<vmem_shared>>) offsets(%arg18 : memref<2048xi32, #tpu.memory_space<vmem>>) semaphore(%dma_start3A_353 : memref<!tpu.dma_semaphore, #tpu.memory_space<semaphore_mem>>) {add = true}
      } else {
      }
      %add3A_234 = arith.constant 2 : i32
      %add3A_235 = arith.addi %add3A_188, %add3A_234 : i32
      %lt3A_236 = arith.constant 48 : i32
      %lt3A_237 = arith.cmpi slt, %add3A_235, %lt3A_236 : i32
      %convert_element_type3A_238 = arith.extui %lt3A_237 : i1 to i32
      %cond3A_239 = arith.constant 0 : i32
      %cond3A_240 = arith.cmpi ne, %convert_element_type3A_238, %cond3A_239 : i32
      scf.if %cond3A_240 {
        %add3A_349 = arith.constant 2 : i32
        %add3A_350 = arith.addi %add3A_188, %add3A_349 : i32
        %mul3A_351 = arith.constant 2048 : i32
        %mul3A_352 = arith.muli %add3A_350, %mul3A_351 : i32
        %add3A_353 = arith.addi %mul3A_20, %mul3A_352 : i32
        %multiple_of3A_354 = tpu.assume_multiple %add3A_353, 8 : i32
        %dma_start3A_355 = arith.constant 3 : i32
        %dma_start3A_356 = arith.constant 0 : i32
        %dma_start3A_357 = tpu.memref_slice %arg2[%dma_start3A_356, %multiple_of3A_354] : memref<2x3200512xi32, #tpu.memory_space<hbm>> -> memref<2x2048xi32, #tpu.memory_space<hbm>>
        %dma_start3A_358 = tpu.memref_slice %arg39[%dma_start3A_355] : memref<4x!tpu.dma_semaphore, #tpu.memory_space<semaphore_mem>> -> memref<1x!tpu.dma_semaphore, #tpu.memory_space<semaphore_mem>>
        %dma_start3A_359 = tpu.memref_squeeze %dma_start3A_358 : memref<1x!tpu.dma_semaphore, #tpu.memory_space<semaphore_mem>> -> memref<!tpu.dma_semaphore, #tpu.memory_space<semaphore_mem>>
        %dma_start3A_360 = arith.constant 0 : i32
        %dma_start3A_361 = tpu.memref_slice %arg2[%dma_start3A_360, %multiple_of3A_354] : memref<2x3200512xi32, #tpu.memory_space<hbm>> -> memref<2x2048xi32, #tpu.memory_space<hbm>>
        tpu.enqueue_dma source(%dma_start3A_361 : memref<2x2048xi32, #tpu.memory_space<hbm>>) target(%arg13 : memref<2x2048xi32, #tpu.memory_space<vmem>>) target_semaphore(%dma_start3A_359 : memref<!tpu.dma_semaphore, #tpu.memory_space<semaphore_mem>>)
        %dma_start3A_362 = arith.constant 0 : i32
        %dma_start3A_363 = arith.constant 3 : i32
        %dma_start3A_364 = tpu.memref_slice %arg3[%dma_start3A_362, %multiple_of3A_354] : memref<1x3200512xf32, #tpu.memory_space<hbm>> -> memref<1x2048xf32, #tpu.memory_space<hbm>>
        %dma_start3A_365 = tpu.memref_squeeze %dma_start3A_364 : memref<1x2048xf32, #tpu.memory_space<hbm>> -> memref<2048xf32, #tpu.memory_space<hbm>>
        %dma_start3A_366 = tpu.memref_slice %arg39[%dma_start3A_363] : memref<4x!tpu.dma_semaphore, #tpu.memory_space<semaphore_mem>> -> memref<1x!tpu.dma_semaphore, #tpu.memory_space<semaphore_mem>>
        %dma_start3A_367 = tpu.memref_squeeze %dma_start3A_366 : memref<1x!tpu.dma_semaphore, #tpu.memory_space<semaphore_mem>> -> memref<!tpu.dma_semaphore, #tpu.memory_space<semaphore_mem>>
        %dma_start3A_368 = tpu.memref_slice %arg3[%dma_start3A_362, %multiple_of3A_354] : memref<1x3200512xf32, #tpu.memory_space<hbm>> -> memref<1x2048xf32, #tpu.memory_space<hbm>>
        %dma_start3A_369 = tpu.memref_squeeze %dma_start3A_368 : memref<1x2048xf32, #tpu.memory_space<hbm>> -> memref<2048xf32, #tpu.memory_space<hbm>>
        tpu.enqueue_dma source(%dma_start3A_369 : memref<2048xf32, #tpu.memory_space<hbm>>) target(%arg17 : memref<2048xf32, #tpu.memory_space<vmem>>) target_semaphore(%dma_start3A_367 : memref<!tpu.dma_semaphore, #tpu.memory_space<semaphore_mem>>)
      } else {
      }
      %add3A_241 = arith.constant 2 : i32
      %add3A_242 = arith.addi %mul3A_133, %add3A_241 : i32
      %mul3A_243 = arith.constant 2048 : i32
      %mul3A_244 = arith.muli %add3A_242, %mul3A_243 : i32
      %add3A_245 = arith.addi %mul3A_20, %mul3A_244 : i32
      %multiple_of3A_246 = tpu.assume_multiple %add3A_245, 8 : i32
      %dma_wait3A_247 = arith.constant 2 : i32
      %dma_wait3A_248 = arith.constant 0 : i32
      %dma_wait3A_249 = tpu.memref_slice %arg2[%dma_wait3A_248, %multiple_of3A_246] : memref<2x3200512xi32, #tpu.memory_space<hbm>> -> memref<2x2048xi32, #tpu.memory_space<hbm>>
      %dma_wait3A_250 = tpu.memref_slice %arg39[%dma_wait3A_247] : memref<4x!tpu.dma_semaphore, #tpu.memory_space<semaphore_mem>> -> memref<1x!tpu.dma_semaphore, #tpu.memory_space<semaphore_mem>>
      %dma_wait3A_251 = tpu.memref_squeeze %dma_wait3A_250 : memref<1x!tpu.dma_semaphore, #tpu.memory_space<semaphore_mem>> -> memref<!tpu.dma_semaphore, #tpu.memory_space<semaphore_mem>>
      %dma_wait3A_252 = arith.constant 0 : i32
      %dma_wait3A_253 = tpu.memref_slice %arg2[%dma_wait3A_252, %multiple_of3A_246] : memref<2x3200512xi32, #tpu.memory_space<hbm>> -> memref<2x2048xi32, #tpu.memory_space<hbm>>
      tpu.wait_dma2 semaphore(%dma_wait3A_251 : memref<!tpu.dma_semaphore, #tpu.memory_space<semaphore_mem>>) src(%dma_wait3A_253 : memref<2x2048xi32, #tpu.memory_space<hbm>>) dst(%arg12 : memref<2x2048xi32, #tpu.memory_space<vmem>>)
      %dma_wait3A_254 = arith.constant 0 : i32
      %dma_wait3A_255 = arith.constant 2 : i32
      %dma_wait3A_256 = tpu.memref_slice %arg3[%dma_wait3A_254, %multiple_of3A_246] : memref<1x3200512xf32, #tpu.memory_space<hbm>> -> memref<1x2048xf32, #tpu.memory_space<hbm>>
      %dma_wait3A_257 = tpu.memref_squeeze %dma_wait3A_256 : memref<1x2048xf32, #tpu.memory_space<hbm>> -> memref<2048xf32, #tpu.memory_space<hbm>>
      %dma_wait3A_258 = tpu.memref_slice %arg39[%dma_wait3A_255] : memref<4x!tpu.dma_semaphore, #tpu.memory_space<semaphore_mem>> -> memref<1x!tpu.dma_semaphore, #tpu.memory_space<semaphore_mem>>
      %dma_wait3A_259 = tpu.memref_squeeze %dma_wait3A_258 : memref<1x!tpu.dma_semaphore, #tpu.memory_space<semaphore_mem>> -> memref<!tpu.dma_semaphore, #tpu.memory_space<semaphore_mem>>
      %dma_wait3A_260 = tpu.memref_slice %arg3[%dma_wait3A_254, %multiple_of3A_246] : memref<1x3200512xf32, #tpu.memory_space<hbm>> -> memref<1x2048xf32, #tpu.memory_space<hbm>>
      %dma_wait3A_261 = tpu.memref_squeeze %dma_wait3A_260 : memref<1x2048xf32, #tpu.memory_space<hbm>> -> memref<2048xf32, #tpu.memory_space<hbm>>
      tpu.wait_dma2 semaphore(%dma_wait3A_259 : memref<!tpu.dma_semaphore, #tpu.memory_space<semaphore_mem>>) src(%dma_wait3A_261 : memref<2048xf32, #tpu.memory_space<hbm>>) dst(%arg16 : memref<2048xf32, #tpu.memory_space<vmem>>)
      %scan3A_262 = arith.constant 0 : i32
      %scan3A_263 = arith.constant 0 : i32
      %scan3A_264 = arith.constant 16 : i32
      %scan3A_265 = arith.addi %scan3A_263, %scan3A_264 : i32
      %scan3A_266 = arith.constant 1 : i32
      scf.for %scan3A_349 = %scan3A_263 to %scan3A_265 step %scan3A_266  : i32 {
        %mul3A_350 = arith.constant 128 : i32
        %mul3A_351 = arith.muli %scan3A_349, %mul3A_350 : i32
        %add3A_352 = arith.constant 0 : i32
        %add3A_353 = arith.addi %mul3A_351, %add3A_352 : i32
        %get3A_354 = arith.constant 0 : i32
        %get3A_355 = arith.index_cast %get3A_354 : i32 to index
        %get3A_356 = arith.index_cast %add3A_353 : i32 to index
        %get3A_357 = tpu.vector_load %arg12[%get3A_355, %get3A_356] {strides = array<i32>} : memref<2x2048xi32, #tpu.memory_space<vmem>>, vector<16xi32>,
        %swap3A = arith.index_cast %add3A_353 : i32 to index
        %swap3A_358 = tpu.vector_load %arg32[%swap3A] {strides = array<i32>} : memref<2048xi32, #tpu.memory_space<vmem>>, vector<16xi32>,
        tpu.vector_store %arg32[%swap3A], %get3A_357 {strides = array<i32>} : memref<2048xi32, #tpu.memory_space<vmem>>, vector<16xi32>,
        %get3A_359 = arith.constant 1 : i32
        %get3A_360 = arith.index_cast %get3A_359 : i32 to index
        %get3A_361 = arith.index_cast %add3A_353 : i32 to index
        %get3A_362 = tpu.vector_load %arg12[%get3A_360, %get3A_361] {strides = array<i32>} : memref<2x2048xi32, #tpu.memory_space<vmem>>, vector<16xi32>,
        %swap3A_363 = arith.index_cast %add3A_353 : i32 to index
        %swap3A_364 = tpu.vector_load %arg20[%swap3A_363] {strides = array<i32>} : memref<2048xi32, #tpu.memory_space<vmem>>, vector<16xi32>,
        tpu.vector_store %arg20[%swap3A_363], %get3A_362 {strides = array<i32>} : memref<2048xi32, #tpu.memory_space<vmem>>, vector<16xi32>,
        %mul3A_365 = arith.constant 128 : i32
        %mul3A_366 = arith.muli %scan3A_349, %mul3A_365 : i32
        %add3A_367 = arith.constant 16 : i32
        %add3A_368 = arith.addi %mul3A_366, %add3A_367 : i32
        %get3A_369 = arith.constant 0 : i32
        %get3A_370 = arith.index_cast %get3A_369 : i32 to index
        %get3A_371 = arith.index_cast %add3A_368 : i32 to index
        %get3A_372 = tpu.vector_load %arg12[%get3A_370, %get3A_371] {strides = array<i32>} : memref<2x2048xi32, #tpu.memory_space<vmem>>, vector<16xi32>,
        %swap3A_373 = arith.index_cast %add3A_368 : i32 to index
        %swap3A_374 = tpu.vector_load %arg32[%swap3A_373] {strides = array<i32>} : memref<2048xi32, #tpu.memory_space<vmem>>, vector<16xi32>,
        tpu.vector_store %arg32[%swap3A_373], %get3A_372 {strides = array<i32>} : memref<2048xi32, #tpu.memory_space<vmem>>, vector<16xi32>,
        %get3A_375 = arith.constant 1 : i32
        %get3A_376 = arith.index_cast %get3A_375 : i32 to index
        %get3A_377 = arith.index_cast %add3A_368 : i32 to index
        %get3A_378 = tpu.vector_load %arg12[%get3A_376, %get3A_377] {strides = array<i32>} : memref<2x2048xi32, #tpu.memory_space<vmem>>, vector<16xi32>,
        %swap3A_379 = arith.index_cast %add3A_368 : i32 to index
        %swap3A_380 = tpu.vector_load %arg20[%swap3A_379] {strides = array<i32>} : memref<2048xi32, #tpu.memory_space<vmem>>, vector<16xi32>,
        tpu.vector_store %arg20[%swap3A_379], %get3A_378 {strides = array<i32>} : memref<2048xi32, #tpu.memory_space<vmem>>, vector<16xi32>,
        %mul3A_381 = arith.constant 128 : i32
        %mul3A_382 = arith.muli %scan3A_349, %mul3A_381 : i32
        %add3A_383 = arith.constant 32 : i32
        %add3A_384 = arith.addi %mul3A_382, %add3A_383 : i32
        %get3A_385 = arith.constant 0 : i32
        %get3A_386 = arith.index_cast %get3A_385 : i32 to index
        %get3A_387 = arith.index_cast %add3A_384 : i32 to index
        %get3A_388 = tpu.vector_load %arg12[%get3A_386, %get3A_387] {strides = array<i32>} : memref<2x2048xi32, #tpu.memory_space<vmem>>, vector<16xi32>,
        %swap3A_389 = arith.index_cast %add3A_384 : i32 to index
        %swap3A_390 = tpu.vector_load %arg32[%swap3A_389] {strides = array<i32>} : memref<2048xi32, #tpu.memory_space<vmem>>, vector<16xi32>,
        tpu.vector_store %arg32[%swap3A_389], %get3A_388 {strides = array<i32>} : memref<2048xi32, #tpu.memory_space<vmem>>, vector<16xi32>,
        %get3A_391 = arith.constant 1 : i32
        %get3A_392 = arith.index_cast %get3A_391 : i32 to index
        %get3A_393 = arith.index_cast %add3A_384 : i32 to index
        %get3A_394 = tpu.vector_load %arg12[%get3A_392, %get3A_393] {strides = array<i32>} : memref<2x2048xi32, #tpu.memory_space<vmem>>, vector<16xi32>,
        %swap3A_395 = arith.index_cast %add3A_384 : i32 to index
        %swap3A_396 = tpu.vector_load %arg20[%swap3A_395] {strides = array<i32>} : memref<2048xi32, #tpu.memory_space<vmem>>, vector<16xi32>,
        tpu.vector_store %arg20[%swap3A_395], %get3A_394 {strides = array<i32>} : memref<2048xi32, #tpu.memory_space<vmem>>, vector<16xi32>,
        %mul3A_397 = arith.constant 128 : i32
        %mul3A_398 = arith.muli %scan3A_349, %mul3A_397 : i32
        %add3A_399 = arith.constant 48 : i32
        %add3A_400 = arith.addi %mul3A_398, %add3A_399 : i32
        %get3A_401 = arith.constant 0 : i32
        %get3A_402 = arith.index_cast %get3A_401 : i32 to index
        %get3A_403 = arith.index_cast %add3A_400 : i32 to index
        %get3A_404 = tpu.vector_load %arg12[%get3A_402, %get3A_403] {strides = array<i32>} : memref<2x2048xi32, #tpu.memory_space<vmem>>, vector<16xi32>,
        %swap3A_405 = arith.index_cast %add3A_400 : i32 to index
        %swap3A_406 = tpu.vector_load %arg32[%swap3A_405] {strides = array<i32>} : memref<2048xi32, #tpu.memory_space<vmem>>, vector<16xi32>,
        tpu.vector_store %arg32[%swap3A_405], %get3A_404 {strides = array<i32>} : memref<2048xi32, #tpu.memory_space<vmem>>, vector<16xi32>,
        %get3A_407 = arith.constant 1 : i32
        %get3A_408 = arith.index_cast %get3A_407 : i32 to index
        %get3A_409 = arith.index_cast %add3A_400 : i32 to index
        %get3A_410 = tpu.vector_load %arg12[%get3A_408, %get3A_409] {strides = array<i32>} : memref<2x2048xi32, #tpu.memory_space<vmem>>, vector<16xi32>,
        %swap3A_411 = arith.index_cast %add3A_400 : i32 to index
        %swap3A_412 = tpu.vector_load %arg20[%swap3A_411] {strides = array<i32>} : memref<2048xi32, #tpu.memory_space<vmem>>, vector<16xi32>,
        tpu.vector_store %arg20[%swap3A_411], %get3A_410 {strides = array<i32>} : memref<2048xi32, #tpu.memory_space<vmem>>, vector<16xi32>,
        %mul3A_413 = arith.constant 128 : i32
        %mul3A_414 = arith.muli %scan3A_349, %mul3A_413 : i32
        %add3A_415 = arith.constant 64 : i32
        %add3A_416 = arith.addi %mul3A_414, %add3A_415 : i32
        %get3A_417 = arith.constant 0 : i32
        %get3A_418 = arith.index_cast %get3A_417 : i32 to index
        %get3A_419 = arith.index_cast %add3A_416 : i32 to index
        %get3A_420 = tpu.vector_load %arg12[%get3A_418, %get3A_419] {strides = array<i32>} : memref<2x2048xi32, #tpu.memory_space<vmem>>, vector<16xi32>,
        %swap3A_421 = arith.index_cast %add3A_416 : i32 to index
        %swap3A_422 = tpu.vector_load %arg32[%swap3A_421] {strides = array<i32>} : memref<2048xi32, #tpu.memory_space<vmem>>, vector<16xi32>,
        tpu.vector_store %arg32[%swap3A_421], %get3A_420 {strides = array<i32>} : memref<2048xi32, #tpu.memory_space<vmem>>, vector<16xi32>,
        %get3A_423 = arith.constant 1 : i32
        %get3A_424 = arith.index_cast %get3A_423 : i32 to index
        %get3A_425 = arith.index_cast %add3A_416 : i32 to index
        %get3A_426 = tpu.vector_load %arg12[%get3A_424, %get3A_425] {strides = array<i32>} : memref<2x2048xi32, #tpu.memory_space<vmem>>, vector<16xi32>,
        %swap3A_427 = arith.index_cast %add3A_416 : i32 to index
        %swap3A_428 = tpu.vector_load %arg20[%swap3A_427] {strides = array<i32>} : memref<2048xi32, #tpu.memory_space<vmem>>, vector<16xi32>,
        tpu.vector_store %arg20[%swap3A_427], %get3A_426 {strides = array<i32>} : memref<2048xi32, #tpu.memory_space<vmem>>, vector<16xi32>,
        %mul3A_429 = arith.constant 128 : i32
        %mul3A_430 = arith.muli %scan3A_349, %mul3A_429 : i32
        %add3A_431 = arith.constant 80 : i32
        %add3A_432 = arith.addi %mul3A_430, %add3A_431 : i32
        %get3A_433 = arith.constant 0 : i32
        %get3A_434 = arith.index_cast %get3A_433 : i32 to index
        %get3A_435 = arith.index_cast %add3A_432 : i32 to index
        %get3A_436 = tpu.vector_load %arg12[%get3A_434, %get3A_435] {strides = array<i32>} : memref<2x2048xi32, #tpu.memory_space<vmem>>, vector<16xi32>,
        %swap3A_437 = arith.index_cast %add3A_432 : i32 to index
        %swap3A_438 = tpu.vector_load %arg32[%swap3A_437] {strides = array<i32>} : memref<2048xi32, #tpu.memory_space<vmem>>, vector<16xi32>,
        tpu.vector_store %arg32[%swap3A_437], %get3A_436 {strides = array<i32>} : memref<2048xi32, #tpu.memory_space<vmem>>, vector<16xi32>,
        %get3A_439 = arith.constant 1 : i32
        %get3A_440 = arith.index_cast %get3A_439 : i32 to index
        %get3A_441 = arith.index_cast %add3A_432 : i32 to index
        %get3A_442 = tpu.vector_load %arg12[%get3A_440, %get3A_441] {strides = array<i32>} : memref<2x2048xi32, #tpu.memory_space<vmem>>, vector<16xi32>,
        %swap3A_443 = arith.index_cast %add3A_432 : i32 to index
        %swap3A_444 = tpu.vector_load %arg20[%swap3A_443] {strides = array<i32>} : memref<2048xi32, #tpu.memory_space<vmem>>, vector<16xi32>,
        tpu.vector_store %arg20[%swap3A_443], %get3A_442 {strides = array<i32>} : memref<2048xi32, #tpu.memory_space<vmem>>, vector<16xi32>,
        %mul3A_445 = arith.constant 128 : i32
        %mul3A_446 = arith.muli %scan3A_349, %mul3A_445 : i32
        %add3A_447 = arith.constant 96 : i32
        %add3A_448 = arith.addi %mul3A_446, %add3A_447 : i32
        %get3A_449 = arith.constant 0 : i32
        %get3A_450 = arith.index_cast %get3A_449 : i32 to index
        %get3A_451 = arith.index_cast %add3A_448 : i32 to index
        %get3A_452 = tpu.vector_load %arg12[%get3A_450, %get3A_451] {strides = array<i32>} : memref<2x2048xi32, #tpu.memory_space<vmem>>, vector<16xi32>,
        %swap3A_453 = arith.index_cast %add3A_448 : i32 to index
        %swap3A_454 = tpu.vector_load %arg32[%swap3A_453] {strides = array<i32>} : memref<2048xi32, #tpu.memory_space<vmem>>, vector<16xi32>,
        tpu.vector_store %arg32[%swap3A_453], %get3A_452 {strides = array<i32>} : memref<2048xi32, #tpu.memory_space<vmem>>, vector<16xi32>,
        %get3A_455 = arith.constant 1 : i32
        %get3A_456 = arith.index_cast %get3A_455 : i32 to index
        %get3A_457 = arith.index_cast %add3A_448 : i32 to index
        %get3A_458 = tpu.vector_load %arg12[%get3A_456, %get3A_457] {strides = array<i32>} : memref<2x2048xi32, #tpu.memory_space<vmem>>, vector<16xi32>,
        %swap3A_459 = arith.index_cast %add3A_448 : i32 to index
        %swap3A_460 = tpu.vector_load %arg20[%swap3A_459] {strides = array<i32>} : memref<2048xi32, #tpu.memory_space<vmem>>, vector<16xi32>,
        tpu.vector_store %arg20[%swap3A_459], %get3A_458 {strides = array<i32>} : memref<2048xi32, #tpu.memory_space<vmem>>, vector<16xi32>,
        %mul3A_461 = arith.constant 128 : i32
        %mul3A_462 = arith.muli %scan3A_349, %mul3A_461 : i32
        %add3A_463 = arith.constant 112 : i32
        %add3A_464 = arith.addi %mul3A_462, %add3A_463 : i32
        %get3A_465 = arith.constant 0 : i32
        %get3A_466 = arith.index_cast %get3A_465 : i32 to index
        %get3A_467 = arith.index_cast %add3A_464 : i32 to index
        %get3A_468 = tpu.vector_load %arg12[%get3A_466, %get3A_467] {strides = array<i32>} : memref<2x2048xi32, #tpu.memory_space<vmem>>, vector<16xi32>,
        %swap3A_469 = arith.index_cast %add3A_464 : i32 to index
        %swap3A_470 = tpu.vector_load %arg32[%swap3A_469] {strides = array<i32>} : memref<2048xi32, #tpu.memory_space<vmem>>, vector<16xi32>,
        tpu.vector_store %arg32[%swap3A_469], %get3A_468 {strides = array<i32>} : memref<2048xi32, #tpu.memory_space<vmem>>, vector<16xi32>,
        %get3A_471 = arith.constant 1 : i32
        %get3A_472 = arith.index_cast %get3A_471 : i32 to index
        %get3A_473 = arith.index_cast %add3A_464 : i32 to index
        %get3A_474 = tpu.vector_load %arg12[%get3A_472, %get3A_473] {strides = array<i32>} : memref<2x2048xi32, #tpu.memory_space<vmem>>, vector<16xi32>,
        %swap3A_475 = arith.index_cast %add3A_464 : i32 to index
        %swap3A_476 = tpu.vector_load %arg20[%swap3A_475] {strides = array<i32>} : memref<2048xi32, #tpu.memory_space<vmem>>, vector<16xi32>,
        tpu.vector_store %arg20[%swap3A_475], %get3A_474 {strides = array<i32>} : memref<2048xi32, #tpu.memory_space<vmem>>, vector<16xi32>,
      }
      %scan3A_267 = arith.constant 16 : i32
      %dma_start3A_268 = arith.constant 2 : i32
      %dma_start3A_269 = arith.constant 0 : i32
      %dma_start3A_270 = tpu.memref_slice %arg38[%dma_start3A_269] : memref<100096xf32, #tpu.memory_space<vmem_shared>> -> memref<100096xf32, #tpu.memory_space<vmem_shared>>
      %dma_start3A_271 = tpu.memref_slice %arg40[%dma_start3A_268] : memref<4x!tpu.dma_semaphore, #tpu.memory_space<semaphore_mem>> -> memref<1x!tpu.dma_semaphore, #tpu.memory_space<semaphore_mem>>
      %dma_start3A_272 = tpu.memref_squeeze %dma_start3A_271 : memref<1x!tpu.dma_semaphore, #tpu.memory_space<semaphore_mem>> -> memref<!tpu.dma_semaphore, #tpu.memory_space<semaphore_mem>>
      tpu.enqueue_indirect_dma source(%dma_start3A_270 : memref<100096xf32, #tpu.memory_space<vmem_shared>>) target(%arg28 : memref<2048xf32, #tpu.memory_space<vmem>>) offsets(%arg32 : memref<2048xi32, #tpu.memory_space<vmem>>) semaphore(%dma_start3A_272 : memref<!tpu.dma_semaphore, #tpu.memory_space<semaphore_mem>>)
      %ge3A_273 = arith.constant 1 : i32
      %ge3A_274 = arith.cmpi sge, %add3A_242, %ge3A_273 : i32
      %convert_element_type3A_275 = arith.extui %ge3A_274 : i1 to i32
      %cond3A_276 = arith.constant 0 : i32
      %cond3A_277 = arith.cmpi ne, %convert_element_type3A_275, %cond3A_276 : i32
      scf.if %cond3A_277 {
        %dma_wait3A_349 = arith.constant 1 : i32
        %dma_wait3A_350 = arith.constant 0 : i32
        %dma_wait3A_351 = tpu.memref_slice %arg38[%dma_wait3A_350] : memref<100096xf32, #tpu.memory_space<vmem_shared>> -> memref<100096xf32, #tpu.memory_space<vmem_shared>>
        %dma_wait3A_352 = tpu.memref_slice %arg40[%dma_wait3A_349] : memref<4x!tpu.dma_semaphore, #tpu.memory_space<semaphore_mem>> -> memref<1x!tpu.dma_semaphore, #tpu.memory_space<semaphore_mem>>
        %dma_wait3A_353 = tpu.memref_squeeze %dma_wait3A_352 : memref<1x!tpu.dma_semaphore, #tpu.memory_space<semaphore_mem>> -> memref<!tpu.dma_semaphore, #tpu.memory_space<semaphore_mem>>
        tpu.wait_indirect_dma semaphore(%dma_wait3A_353 : memref<!tpu.dma_semaphore, #tpu.memory_space<semaphore_mem>>) src(%dma_wait3A_351 : memref<100096xf32, #tpu.memory_space<vmem_shared>>) dst(%arg27 : memref<2048xf32, #tpu.memory_space<vmem>>)
        %scan3A_354 = arith.constant 0 : i32
        %scan3A_355 = arith.constant 0 : i32
        %scan3A_356 = arith.constant 16 : i32
        %scan3A_357 = arith.addi %scan3A_355, %scan3A_356 : i32
        %scan3A_358 = arith.constant 1 : i32
        scf.for %scan3A_360 = %scan3A_355 to %scan3A_357 step %scan3A_358  : i32 {
          %mul3A_361 = arith.constant 128 : i32
          %mul3A_362 = arith.muli %scan3A_360, %mul3A_361 : i32
          %add3A_363 = arith.constant 0 : i32
          %add3A_364 = arith.addi %mul3A_362, %add3A_363 : i32
          %get3A_365 = arith.index_cast %add3A_364 : i32 to index
          %get3A_366 = tpu.vector_load %arg27[%get3A_365] {strides = array<i32>} : memref<2048xf32, #tpu.memory_space<vmem>>, vector<16xf32>,
          %get3A_367 = arith.index_cast %add3A_364 : i32 to index
          %get3A_368 = tpu.vector_load %arg15[%get3A_367] {strides = array<i32>} : memref<2048xf32, #tpu.memory_space<vmem>>, vector<16xf32>,
          %mul3A_369 = arith.mulf %get3A_368, %get3A_1 : vector<16xf32>
          %add3A_370 = arith.addf %mul3A_369, %get3A_3 : vector<16xf32>
          %mul3A_371 = arith.mulf %get3A_366, %add3A_370 : vector<16xf32>
          %swap3A = arith.index_cast %add3A_364 : i32 to index
          %swap3A_372 = tpu.vector_load %arg23[%swap3A] {strides = array<i32>} : memref<2048xf32, #tpu.memory_space<vmem>>, vector<16xf32>,
          tpu.vector_store %arg23[%swap3A], %mul3A_371 {strides = array<i32>} : memref<2048xf32, #tpu.memory_space<vmem>>, vector<16xf32>,
          %mul3A_373 = arith.constant 128 : i32
          %mul3A_374 = arith.muli %scan3A_360, %mul3A_373 : i32
          %add3A_375 = arith.constant 16 : i32
          %add3A_376 = arith.addi %mul3A_374, %add3A_375 : i32
          %get3A_377 = arith.index_cast %add3A_376 : i32 to index
          %get3A_378 = tpu.vector_load %arg27[%get3A_377] {strides = array<i32>} : memref<2048xf32, #tpu.memory_space<vmem>>, vector<16xf32>,
          %get3A_379 = arith.index_cast %add3A_376 : i32 to index
          %get3A_380 = tpu.vector_load %arg15[%get3A_379] {strides = array<i32>} : memref<2048xf32, #tpu.memory_space<vmem>>, vector<16xf32>,
          %mul3A_381 = arith.mulf %get3A_380, %get3A_1 : vector<16xf32>
          %add3A_382 = arith.addf %mul3A_381, %get3A_3 : vector<16xf32>
          %mul3A_383 = arith.mulf %get3A_378, %add3A_382 : vector<16xf32>
          %swap3A_384 = arith.index_cast %add3A_376 : i32 to index
          %swap3A_385 = tpu.vector_load %arg23[%swap3A_384] {strides = array<i32>} : memref<2048xf32, #tpu.memory_space<vmem>>, vector<16xf32>,
          tpu.vector_store %arg23[%swap3A_384], %mul3A_383 {strides = array<i32>} : memref<2048xf32, #tpu.memory_space<vmem>>, vector<16xf32>,
          %mul3A_386 = arith.constant 128 : i32
          %mul3A_387 = arith.muli %scan3A_360, %mul3A_386 : i32
          %add3A_388 = arith.constant 32 : i32
          %add3A_389 = arith.addi %mul3A_387, %add3A_388 : i32
          %get3A_390 = arith.index_cast %add3A_389 : i32 to index
          %get3A_391 = tpu.vector_load %arg27[%get3A_390] {strides = array<i32>} : memref<2048xf32, #tpu.memory_space<vmem>>, vector<16xf32>,
          %get3A_392 = arith.index_cast %add3A_389 : i32 to index
          %get3A_393 = tpu.vector_load %arg15[%get3A_392] {strides = array<i32>} : memref<2048xf32, #tpu.memory_space<vmem>>, vector<16xf32>,
          %mul3A_394 = arith.mulf %get3A_393, %get3A_1 : vector<16xf32>
          %add3A_395 = arith.addf %mul3A_394, %get3A_3 : vector<16xf32>
          %mul3A_396 = arith.mulf %get3A_391, %add3A_395 : vector<16xf32>
          %swap3A_397 = arith.index_cast %add3A_389 : i32 to index
          %swap3A_398 = tpu.vector_load %arg23[%swap3A_397] {strides = array<i32>} : memref<2048xf32, #tpu.memory_space<vmem>>, vector<16xf32>,
          tpu.vector_store %arg23[%swap3A_397], %mul3A_396 {strides = array<i32>} : memref<2048xf32, #tpu.memory_space<vmem>>, vector<16xf32>,
          %mul3A_399 = arith.constant 128 : i32
          %mul3A_400 = arith.muli %scan3A_360, %mul3A_399 : i32
          %add3A_401 = arith.constant 48 : i32
          %add3A_402 = arith.addi %mul3A_400, %add3A_401 : i32
          %get3A_403 = arith.index_cast %add3A_402 : i32 to index
          %get3A_404 = tpu.vector_load %arg27[%get3A_403] {strides = array<i32>} : memref<2048xf32, #tpu.memory_space<vmem>>, vector<16xf32>,
          %get3A_405 = arith.index_cast %add3A_402 : i32 to index
          %get3A_406 = tpu.vector_load %arg15[%get3A_405] {strides = array<i32>} : memref<2048xf32, #tpu.memory_space<vmem>>, vector<16xf32>,
          %mul3A_407 = arith.mulf %get3A_406, %get3A_1 : vector<16xf32>
          %add3A_408 = arith.addf %mul3A_407, %get3A_3 : vector<16xf32>
          %mul3A_409 = arith.mulf %get3A_404, %add3A_408 : vector<16xf32>
          %swap3A_410 = arith.index_cast %add3A_402 : i32 to index
          %swap3A_411 = tpu.vector_load %arg23[%swap3A_410] {strides = array<i32>} : memref<2048xf32, #tpu.memory_space<vmem>>, vector<16xf32>,
          tpu.vector_store %arg23[%swap3A_410], %mul3A_409 {strides = array<i32>} : memref<2048xf32, #tpu.memory_space<vmem>>, vector<16xf32>,
          %mul3A_412 = arith.constant 128 : i32
          %mul3A_413 = arith.muli %scan3A_360, %mul3A_412 : i32
          %add3A_414 = arith.constant 64 : i32
          %add3A_415 = arith.addi %mul3A_413, %add3A_414 : i32
          %get3A_416 = arith.index_cast %add3A_415 : i32 to index
          %get3A_417 = tpu.vector_load %arg27[%get3A_416] {strides = array<i32>} : memref<2048xf32, #tpu.memory_space<vmem>>, vector<16xf32>,
          %get3A_418 = arith.index_cast %add3A_415 : i32 to index
          %get3A_419 = tpu.vector_load %arg15[%get3A_418] {strides = array<i32>} : memref<2048xf32, #tpu.memory_space<vmem>>, vector<16xf32>,
          %mul3A_420 = arith.mulf %get3A_419, %get3A_1 : vector<16xf32>
          %add3A_421 = arith.addf %mul3A_420, %get3A_3 : vector<16xf32>
          %mul3A_422 = arith.mulf %get3A_417, %add3A_421 : vector<16xf32>
          %swap3A_423 = arith.index_cast %add3A_415 : i32 to index
          %swap3A_424 = tpu.vector_load %arg23[%swap3A_423] {strides = array<i32>} : memref<2048xf32, #tpu.memory_space<vmem>>, vector<16xf32>,
          tpu.vector_store %arg23[%swap3A_423], %mul3A_422 {strides = array<i32>} : memref<2048xf32, #tpu.memory_space<vmem>>, vector<16xf32>,
          %mul3A_425 = arith.constant 128 : i32
          %mul3A_426 = arith.muli %scan3A_360, %mul3A_425 : i32
          %add3A_427 = arith.constant 80 : i32
          %add3A_428 = arith.addi %mul3A_426, %add3A_427 : i32
          %get3A_429 = arith.index_cast %add3A_428 : i32 to index
          %get3A_430 = tpu.vector_load %arg27[%get3A_429] {strides = array<i32>} : memref<2048xf32, #tpu.memory_space<vmem>>, vector<16xf32>,
          %get3A_431 = arith.index_cast %add3A_428 : i32 to index
          %get3A_432 = tpu.vector_load %arg15[%get3A_431] {strides = array<i32>} : memref<2048xf32, #tpu.memory_space<vmem>>, vector<16xf32>,
          %mul3A_433 = arith.mulf %get3A_432, %get3A_1 : vector<16xf32>
          %add3A_434 = arith.addf %mul3A_433, %get3A_3 : vector<16xf32>
          %mul3A_435 = arith.mulf %get3A_430, %add3A_434 : vector<16xf32>
          %swap3A_436 = arith.index_cast %add3A_428 : i32 to index
          %swap3A_437 = tpu.vector_load %arg23[%swap3A_436] {strides = array<i32>} : memref<2048xf32, #tpu.memory_space<vmem>>, vector<16xf32>,
          tpu.vector_store %arg23[%swap3A_436], %mul3A_435 {strides = array<i32>} : memref<2048xf32, #tpu.memory_space<vmem>>, vector<16xf32>,
          %mul3A_438 = arith.constant 128 : i32
          %mul3A_439 = arith.muli %scan3A_360, %mul3A_438 : i32
          %add3A_440 = arith.constant 96 : i32
          %add3A_441 = arith.addi %mul3A_439, %add3A_440 : i32
          %get3A_442 = arith.index_cast %add3A_441 : i32 to index
          %get3A_443 = tpu.vector_load %arg27[%get3A_442] {strides = array<i32>} : memref<2048xf32, #tpu.memory_space<vmem>>, vector<16xf32>,
          %get3A_444 = arith.index_cast %add3A_441 : i32 to index
          %get3A_445 = tpu.vector_load %arg15[%get3A_444] {strides = array<i32>} : memref<2048xf32, #tpu.memory_space<vmem>>, vector<16xf32>,
          %mul3A_446 = arith.mulf %get3A_445, %get3A_1 : vector<16xf32>
          %add3A_447 = arith.addf %mul3A_446, %get3A_3 : vector<16xf32>
          %mul3A_448 = arith.mulf %get3A_443, %add3A_447 : vector<16xf32>
          %swap3A_449 = arith.index_cast %add3A_441 : i32 to index
          %swap3A_450 = tpu.vector_load %arg23[%swap3A_449] {strides = array<i32>} : memref<2048xf32, #tpu.memory_space<vmem>>, vector<16xf32>,
          tpu.vector_store %arg23[%swap3A_449], %mul3A_448 {strides = array<i32>} : memref<2048xf32, #tpu.memory_space<vmem>>, vector<16xf32>,
          %mul3A_451 = arith.constant 128 : i32
          %mul3A_452 = arith.muli %scan3A_360, %mul3A_451 : i32
          %add3A_453 = arith.constant 112 : i32
          %add3A_454 = arith.addi %mul3A_452, %add3A_453 : i32
          %get3A_455 = arith.index_cast %add3A_454 : i32 to index
          %get3A_456 = tpu.vector_load %arg27[%get3A_455] {strides = array<i32>} : memref<2048xf32, #tpu.memory_space<vmem>>, vector<16xf32>,
          %get3A_457 = arith.index_cast %add3A_454 : i32 to index
          %get3A_458 = tpu.vector_load %arg15[%get3A_457] {strides = array<i32>} : memref<2048xf32, #tpu.memory_space<vmem>>, vector<16xf32>,
          %mul3A_459 = arith.mulf %get3A_458, %get3A_1 : vector<16xf32>
          %add3A_460 = arith.addf %mul3A_459, %get3A_3 : vector<16xf32>
          %mul3A_461 = arith.mulf %get3A_456, %add3A_460 : vector<16xf32>
          %swap3A_462 = arith.index_cast %add3A_454 : i32 to index
          %swap3A_463 = tpu.vector_load %arg23[%swap3A_462] {strides = array<i32>} : memref<2048xf32, #tpu.memory_space<vmem>>, vector<16xf32>,
          tpu.vector_store %arg23[%swap3A_462], %mul3A_461 {strides = array<i32>} : memref<2048xf32, #tpu.memory_space<vmem>>, vector<16xf32>,
        }
        %scan3A_359 = arith.constant 16 : i32
      } else {
      }
      %ge3A_278 = arith.constant 2 : i32
      %ge3A_279 = arith.cmpi sge, %add3A_242, %ge3A_278 : i32
      %convert_element_type3A_280 = arith.extui %ge3A_279 : i1 to i32
      %cond3A_281 = arith.constant 0 : i32
      %cond3A_282 = arith.cmpi ne, %convert_element_type3A_280, %cond3A_281 : i32
      scf.if %cond3A_282 {
        %dma_wait3A_349 = arith.constant 0 : i32
        %dma_wait3A_350 = arith.constant 0 : i32
        %dma_wait3A_351 = tpu.memref_slice %arg37[%dma_wait3A_350] : memref<100096xf32, #tpu.memory_space<vmem_shared>> -> memref<100096xf32, #tpu.memory_space<vmem_shared>>
        %dma_wait3A_352 = tpu.memref_slice %arg41[%dma_wait3A_349] : memref<4x!tpu.dma_semaphore, #tpu.memory_space<semaphore_mem>> -> memref<1x!tpu.dma_semaphore, #tpu.memory_space<semaphore_mem>>
        %dma_wait3A_353 = tpu.memref_squeeze %dma_wait3A_352 : memref<1x!tpu.dma_semaphore, #tpu.memory_space<semaphore_mem>> -> memref<!tpu.dma_semaphore, #tpu.memory_space<semaphore_mem>>
        tpu.wait_indirect_dma semaphore(%dma_wait3A_353 : memref<!tpu.dma_semaphore, #tpu.memory_space<semaphore_mem>>) src(%arg22 : memref<2048xf32, #tpu.memory_space<vmem>>) dst(%dma_wait3A_351 : memref<100096xf32, #tpu.memory_space<vmem_shared>>)
      } else {
      }
      %ge3A_283 = arith.constant 1 : i32
      %ge3A_284 = arith.cmpi sge, %add3A_242, %ge3A_283 : i32
      %convert_element_type3A_285 = arith.extui %ge3A_284 : i1 to i32
      %cond3A_286 = arith.constant 0 : i32
      %cond3A_287 = arith.cmpi ne, %convert_element_type3A_285, %cond3A_286 : i32
      scf.if %cond3A_287 {
        %dma_start3A_349 = arith.constant 1 : i32
        %dma_start3A_350 = arith.constant 0 : i32
        %dma_start3A_351 = tpu.memref_slice %arg37[%dma_start3A_350] : memref<100096xf32, #tpu.memory_space<vmem_shared>> -> memref<100096xf32, #tpu.memory_space<vmem_shared>>
        %dma_start3A_352 = tpu.memref_slice %arg41[%dma_start3A_349] : memref<4x!tpu.dma_semaphore, #tpu.memory_space<semaphore_mem>> -> memref<1x!tpu.dma_semaphore, #tpu.memory_space<semaphore_mem>>
        %dma_start3A_353 = tpu.memref_squeeze %dma_start3A_352 : memref<1x!tpu.dma_semaphore, #tpu.memory_space<semaphore_mem>> -> memref<!tpu.dma_semaphore, #tpu.memory_space<semaphore_mem>>
        tpu.enqueue_indirect_dma source(%arg23 : memref<2048xf32, #tpu.memory_space<vmem>>) target(%dma_start3A_351 : memref<100096xf32, #tpu.memory_space<vmem_shared>>) offsets(%arg19 : memref<2048xi32, #tpu.memory_space<vmem>>) semaphore(%dma_start3A_353 : memref<!tpu.dma_semaphore, #tpu.memory_space<semaphore_mem>>) {add = true}
      } else {
      }
      %add3A_288 = arith.constant 2 : i32
      %add3A_289 = arith.addi %add3A_242, %add3A_288 : i32
      %lt3A_290 = arith.constant 48 : i32
      %lt3A_291 = arith.cmpi slt, %add3A_289, %lt3A_290 : i32
      %convert_element_type3A_292 = arith.extui %lt3A_291 : i1 to i32
      %cond3A_293 = arith.constant 0 : i32
      %cond3A_294 = arith.cmpi ne, %convert_element_type3A_292, %cond3A_293 : i32
      scf.if %cond3A_294 {
        %add3A_349 = arith.constant 2 : i32
        %add3A_350 = arith.addi %add3A_242, %add3A_349 : i32
        %mul3A_351 = arith.constant 2048 : i32
        %mul3A_352 = arith.muli %add3A_350, %mul3A_351 : i32
        %add3A_353 = arith.addi %mul3A_20, %mul3A_352 : i32
        %multiple_of3A_354 = tpu.assume_multiple %add3A_353, 8 : i32
        %dma_start3A_355 = arith.constant 0 : i32
        %dma_start3A_356 = arith.constant 0 : i32
        %dma_start3A_357 = tpu.memref_slice %arg2[%dma_start3A_356, %multiple_of3A_354] : memref<2x3200512xi32, #tpu.memory_space<hbm>> -> memref<2x2048xi32, #tpu.memory_space<hbm>>
        %dma_start3A_358 = tpu.memref_slice %arg39[%dma_start3A_355] : memref<4x!tpu.dma_semaphore, #tpu.memory_space<semaphore_mem>> -> memref<1x!tpu.dma_semaphore, #tpu.memory_space<semaphore_mem>>
        %dma_start3A_359 = tpu.memref_squeeze %dma_start3A_358 : memref<1x!tpu.dma_semaphore, #tpu.memory_space<semaphore_mem>> -> memref<!tpu.dma_semaphore, #tpu.memory_space<semaphore_mem>>
        %dma_start3A_360 = arith.constant 0 : i32
        %dma_start3A_361 = tpu.memref_slice %arg2[%dma_start3A_360, %multiple_of3A_354] : memref<2x3200512xi32, #tpu.memory_space<hbm>> -> memref<2x2048xi32, #tpu.memory_space<hbm>>
        tpu.enqueue_dma source(%dma_start3A_361 : memref<2x2048xi32, #tpu.memory_space<hbm>>) target(%arg10 : memref<2x2048xi32, #tpu.memory_space<vmem>>) target_semaphore(%dma_start3A_359 : memref<!tpu.dma_semaphore, #tpu.memory_space<semaphore_mem>>)
        %dma_start3A_362 = arith.constant 0 : i32
        %dma_start3A_363 = arith.constant 0 : i32
        %dma_start3A_364 = tpu.memref_slice %arg3[%dma_start3A_362, %multiple_of3A_354] : memref<1x3200512xf32, #tpu.memory_space<hbm>> -> memref<1x2048xf32, #tpu.memory_space<hbm>>
        %dma_start3A_365 = tpu.memref_squeeze %dma_start3A_364 : memref<1x2048xf32, #tpu.memory_space<hbm>> -> memref<2048xf32, #tpu.memory_space<hbm>>
        %dma_start3A_366 = tpu.memref_slice %arg39[%dma_start3A_363] : memref<4x!tpu.dma_semaphore, #tpu.memory_space<semaphore_mem>> -> memref<1x!tpu.dma_semaphore, #tpu.memory_space<semaphore_mem>>
        %dma_start3A_367 = tpu.memref_squeeze %dma_start3A_366 : memref<1x!tpu.dma_semaphore, #tpu.memory_space<semaphore_mem>> -> memref<!tpu.dma_semaphore, #tpu.memory_space<semaphore_mem>>
        %dma_start3A_368 = tpu.memref_slice %arg3[%dma_start3A_362, %multiple_of3A_354] : memref<1x3200512xf32, #tpu.memory_space<hbm>> -> memref<1x2048xf32, #tpu.memory_space<hbm>>
        %dma_start3A_369 = tpu.memref_squeeze %dma_start3A_368 : memref<1x2048xf32, #tpu.memory_space<hbm>> -> memref<2048xf32, #tpu.memory_space<hbm>>
        tpu.enqueue_dma source(%dma_start3A_369 : memref<2048xf32, #tpu.memory_space<hbm>>) target(%arg14 : memref<2048xf32, #tpu.memory_space<vmem>>) target_semaphore(%dma_start3A_367 : memref<!tpu.dma_semaphore, #tpu.memory_space<semaphore_mem>>)
      } else {
      }
      %add3A_295 = arith.constant 3 : i32
      %add3A_296 = arith.addi %mul3A_133, %add3A_295 : i32
      %mul3A_297 = arith.constant 2048 : i32
      %mul3A_298 = arith.muli %add3A_296, %mul3A_297 : i32
      %add3A_299 = arith.addi %mul3A_20, %mul3A_298 : i32
      %multiple_of3A_300 = tpu.assume_multiple %add3A_299, 8 : i32
      %dma_wait3A_301 = arith.constant 3 : i32
      %dma_wait3A_302 = arith.constant 0 : i32
      %dma_wait3A_303 = tpu.memref_slice %arg2[%dma_wait3A_302, %multiple_of3A_300] : memref<2x3200512xi32, #tpu.memory_space<hbm>> -> memref<2x2048xi32, #tpu.memory_space<hbm>>
      %dma_wait3A_304 = tpu.memref_slice %arg39[%dma_wait3A_301] : memref<4x!tpu.dma_semaphore, #tpu.memory_space<semaphore_mem>> -> memref<1x!tpu.dma_semaphore, #tpu.memory_space<semaphore_mem>>
      %dma_wait3A_305 = tpu.memref_squeeze %dma_wait3A_304 : memref<1x!tpu.dma_semaphore, #tpu.memory_space<semaphore_mem>> -> memref<!tpu.dma_semaphore, #tpu.memory_space<semaphore_mem>>
      %dma_wait3A_306 = arith.constant 0 : i32
      %dma_wait3A_307 = tpu.memref_slice %arg2[%dma_wait3A_306, %multiple_of3A_300] : memref<2x3200512xi32, #tpu.memory_space<hbm>> -> memref<2x2048xi32, #tpu.memory_space<hbm>>
      tpu.wait_dma2 semaphore(%dma_wait3A_305 : memref<!tpu.dma_semaphore, #tpu.memory_space<semaphore_mem>>) src(%dma_wait3A_307 : memref<2x2048xi32, #tpu.memory_space<hbm>>) dst(%arg13 : memref<2x2048xi32, #tpu.memory_space<vmem>>)
      %dma_wait3A_308 = arith.constant 0 : i32
      %dma_wait3A_309 = arith.constant 3 : i32
      %dma_wait3A_310 = tpu.memref_slice %arg3[%dma_wait3A_308, %multiple_of3A_300] : memref<1x3200512xf32, #tpu.memory_space<hbm>> -> memref<1x2048xf32, #tpu.memory_space<hbm>>
      %dma_wait3A_311 = tpu.memref_squeeze %dma_wait3A_310 : memref<1x2048xf32, #tpu.memory_space<hbm>> -> memref<2048xf32, #tpu.memory_space<hbm>>
      %dma_wait3A_312 = tpu.memref_slice %arg39[%dma_wait3A_309] : memref<4x!tpu.dma_semaphore, #tpu.memory_space<semaphore_mem>> -> memref<1x!tpu.dma_semaphore, #tpu.memory_space<semaphore_mem>>
      %dma_wait3A_313 = tpu.memref_squeeze %dma_wait3A_312 : memref<1x!tpu.dma_semaphore, #tpu.memory_space<semaphore_mem>> -> memref<!tpu.dma_semaphore, #tpu.memory_space<semaphore_mem>>
      %dma_wait3A_314 = tpu.memref_slice %arg3[%dma_wait3A_308, %multiple_of3A_300] : memref<1x3200512xf32, #tpu.memory_space<hbm>> -> memref<1x2048xf32, #tpu.memory_space<hbm>>
      %dma_wait3A_315 = tpu.memref_squeeze %dma_wait3A_314 : memref<1x2048xf32, #tpu.memory_space<hbm>> -> memref<2048xf32, #tpu.memory_space<hbm>>
      tpu.wait_dma2 semaphore(%dma_wait3A_313 : memref<!tpu.dma_semaphore, #tpu.memory_space<semaphore_mem>>) src(%dma_wait3A_315 : memref<2048xf32, #tpu.memory_space<hbm>>) dst(%arg17 : memref<2048xf32, #tpu.memory_space<vmem>>)
      %scan3A_316 = arith.constant 0 : i32
      %scan3A_317 = arith.constant 0 : i32
      %scan3A_318 = arith.constant 16 : i32
      %scan3A_319 = arith.addi %scan3A_317, %scan3A_318 : i32
      %scan3A_320 = arith.constant 1 : i32
      scf.for %scan3A_349 = %scan3A_317 to %scan3A_319 step %scan3A_320  : i32 {
        %mul3A_350 = arith.constant 128 : i32
        %mul3A_351 = arith.muli %scan3A_349, %mul3A_350 : i32
        %add3A_352 = arith.constant 0 : i32
        %add3A_353 = arith.addi %mul3A_351, %add3A_352 : i32
        %get3A_354 = arith.constant 0 : i32
        %get3A_355 = arith.index_cast %get3A_354 : i32 to index
        %get3A_356 = arith.index_cast %add3A_353 : i32 to index
        %get3A_357 = tpu.vector_load %arg13[%get3A_355, %get3A_356] {strides = array<i32>} : memref<2x2048xi32, #tpu.memory_space<vmem>>, vector<16xi32>,
        %swap3A = arith.index_cast %add3A_353 : i32 to index
        %swap3A_358 = tpu.vector_load %arg33[%swap3A] {strides = array<i32>} : memref<2048xi32, #tpu.memory_space<vmem>>, vector<16xi32>,
        tpu.vector_store %arg33[%swap3A], %get3A_357 {strides = array<i32>} : memref<2048xi32, #tpu.memory_space<vmem>>, vector<16xi32>,
        %get3A_359 = arith.constant 1 : i32
        %get3A_360 = arith.index_cast %get3A_359 : i32 to index
        %get3A_361 = arith.index_cast %add3A_353 : i32 to index
        %get3A_362 = tpu.vector_load %arg13[%get3A_360, %get3A_361] {strides = array<i32>} : memref<2x2048xi32, #tpu.memory_space<vmem>>, vector<16xi32>,
        %swap3A_363 = arith.index_cast %add3A_353 : i32 to index
        %swap3A_364 = tpu.vector_load %arg21[%swap3A_363] {strides = array<i32>} : memref<2048xi32, #tpu.memory_space<vmem>>, vector<16xi32>,
        tpu.vector_store %arg21[%swap3A_363], %get3A_362 {strides = array<i32>} : memref<2048xi32, #tpu.memory_space<vmem>>, vector<16xi32>,
        %mul3A_365 = arith.constant 128 : i32
        %mul3A_366 = arith.muli %scan3A_349, %mul3A_365 : i32
        %add3A_367 = arith.constant 16 : i32
        %add3A_368 = arith.addi %mul3A_366, %add3A_367 : i32
        %get3A_369 = arith.constant 0 : i32
        %get3A_370 = arith.index_cast %get3A_369 : i32 to index
        %get3A_371 = arith.index_cast %add3A_368 : i32 to index
        %get3A_372 = tpu.vector_load %arg13[%get3A_370, %get3A_371] {strides = array<i32>} : memref<2x2048xi32, #tpu.memory_space<vmem>>, vector<16xi32>,
        %swap3A_373 = arith.index_cast %add3A_368 : i32 to index
        %swap3A_374 = tpu.vector_load %arg33[%swap3A_373] {strides = array<i32>} : memref<2048xi32, #tpu.memory_space<vmem>>, vector<16xi32>,
        tpu.vector_store %arg33[%swap3A_373], %get3A_372 {strides = array<i32>} : memref<2048xi32, #tpu.memory_space<vmem>>, vector<16xi32>,
        %get3A_375 = arith.constant 1 : i32
        %get3A_376 = arith.index_cast %get3A_375 : i32 to index
        %get3A_377 = arith.index_cast %add3A_368 : i32 to index
        %get3A_378 = tpu.vector_load %arg13[%get3A_376, %get3A_377] {strides = array<i32>} : memref<2x2048xi32, #tpu.memory_space<vmem>>, vector<16xi32>,
        %swap3A_379 = arith.index_cast %add3A_368 : i32 to index
        %swap3A_380 = tpu.vector_load %arg21[%swap3A_379] {strides = array<i32>} : memref<2048xi32, #tpu.memory_space<vmem>>, vector<16xi32>,
        tpu.vector_store %arg21[%swap3A_379], %get3A_378 {strides = array<i32>} : memref<2048xi32, #tpu.memory_space<vmem>>, vector<16xi32>,
        %mul3A_381 = arith.constant 128 : i32
        %mul3A_382 = arith.muli %scan3A_349, %mul3A_381 : i32
        %add3A_383 = arith.constant 32 : i32
        %add3A_384 = arith.addi %mul3A_382, %add3A_383 : i32
        %get3A_385 = arith.constant 0 : i32
        %get3A_386 = arith.index_cast %get3A_385 : i32 to index
        %get3A_387 = arith.index_cast %add3A_384 : i32 to index
        %get3A_388 = tpu.vector_load %arg13[%get3A_386, %get3A_387] {strides = array<i32>} : memref<2x2048xi32, #tpu.memory_space<vmem>>, vector<16xi32>,
        %swap3A_389 = arith.index_cast %add3A_384 : i32 to index
        %swap3A_390 = tpu.vector_load %arg33[%swap3A_389] {strides = array<i32>} : memref<2048xi32, #tpu.memory_space<vmem>>, vector<16xi32>,
        tpu.vector_store %arg33[%swap3A_389], %get3A_388 {strides = array<i32>} : memref<2048xi32, #tpu.memory_space<vmem>>, vector<16xi32>,
        %get3A_391 = arith.constant 1 : i32
        %get3A_392 = arith.index_cast %get3A_391 : i32 to index
        %get3A_393 = arith.index_cast %add3A_384 : i32 to index
        %get3A_394 = tpu.vector_load %arg13[%get3A_392, %get3A_393] {strides = array<i32>} : memref<2x2048xi32, #tpu.memory_space<vmem>>, vector<16xi32>,
        %swap3A_395 = arith.index_cast %add3A_384 : i32 to index
        %swap3A_396 = tpu.vector_load %arg21[%swap3A_395] {strides = array<i32>} : memref<2048xi32, #tpu.memory_space<vmem>>, vector<16xi32>,
        tpu.vector_store %arg21[%swap3A_395], %get3A_394 {strides = array<i32>} : memref<2048xi32, #tpu.memory_space<vmem>>, vector<16xi32>,
        %mul3A_397 = arith.constant 128 : i32
        %mul3A_398 = arith.muli %scan3A_349, %mul3A_397 : i32
        %add3A_399 = arith.constant 48 : i32
        %add3A_400 = arith.addi %mul3A_398, %add3A_399 : i32
        %get3A_401 = arith.constant 0 : i32
        %get3A_402 = arith.index_cast %get3A_401 : i32 to index
        %get3A_403 = arith.index_cast %add3A_400 : i32 to index
        %get3A_404 = tpu.vector_load %arg13[%get3A_402, %get3A_403] {strides = array<i32>} : memref<2x2048xi32, #tpu.memory_space<vmem>>, vector<16xi32>,
        %swap3A_405 = arith.index_cast %add3A_400 : i32 to index
        %swap3A_406 = tpu.vector_load %arg33[%swap3A_405] {strides = array<i32>} : memref<2048xi32, #tpu.memory_space<vmem>>, vector<16xi32>,
        tpu.vector_store %arg33[%swap3A_405], %get3A_404 {strides = array<i32>} : memref<2048xi32, #tpu.memory_space<vmem>>, vector<16xi32>,
        %get3A_407 = arith.constant 1 : i32
        %get3A_408 = arith.index_cast %get3A_407 : i32 to index
        %get3A_409 = arith.index_cast %add3A_400 : i32 to index
        %get3A_410 = tpu.vector_load %arg13[%get3A_408, %get3A_409] {strides = array<i32>} : memref<2x2048xi32, #tpu.memory_space<vmem>>, vector<16xi32>,
        %swap3A_411 = arith.index_cast %add3A_400 : i32 to index
        %swap3A_412 = tpu.vector_load %arg21[%swap3A_411] {strides = array<i32>} : memref<2048xi32, #tpu.memory_space<vmem>>, vector<16xi32>,
        tpu.vector_store %arg21[%swap3A_411], %get3A_410 {strides = array<i32>} : memref<2048xi32, #tpu.memory_space<vmem>>, vector<16xi32>,
        %mul3A_413 = arith.constant 128 : i32
        %mul3A_414 = arith.muli %scan3A_349, %mul3A_413 : i32
        %add3A_415 = arith.constant 64 : i32
        %add3A_416 = arith.addi %mul3A_414, %add3A_415 : i32
        %get3A_417 = arith.constant 0 : i32
        %get3A_418 = arith.index_cast %get3A_417 : i32 to index
        %get3A_419 = arith.index_cast %add3A_416 : i32 to index
        %get3A_420 = tpu.vector_load %arg13[%get3A_418, %get3A_419] {strides = array<i32>} : memref<2x2048xi32, #tpu.memory_space<vmem>>, vector<16xi32>,
        %swap3A_421 = arith.index_cast %add3A_416 : i32 to index
        %swap3A_422 = tpu.vector_load %arg33[%swap3A_421] {strides = array<i32>} : memref<2048xi32, #tpu.memory_space<vmem>>, vector<16xi32>,
        tpu.vector_store %arg33[%swap3A_421], %get3A_420 {strides = array<i32>} : memref<2048xi32, #tpu.memory_space<vmem>>, vector<16xi32>,
        %get3A_423 = arith.constant 1 : i32
        %get3A_424 = arith.index_cast %get3A_423 : i32 to index
        %get3A_425 = arith.index_cast %add3A_416 : i32 to index
        %get3A_426 = tpu.vector_load %arg13[%get3A_424, %get3A_425] {strides = array<i32>} : memref<2x2048xi32, #tpu.memory_space<vmem>>, vector<16xi32>,
        %swap3A_427 = arith.index_cast %add3A_416 : i32 to index
        %swap3A_428 = tpu.vector_load %arg21[%swap3A_427] {strides = array<i32>} : memref<2048xi32, #tpu.memory_space<vmem>>, vector<16xi32>,
        tpu.vector_store %arg21[%swap3A_427], %get3A_426 {strides = array<i32>} : memref<2048xi32, #tpu.memory_space<vmem>>, vector<16xi32>,
        %mul3A_429 = arith.constant 128 : i32
        %mul3A_430 = arith.muli %scan3A_349, %mul3A_429 : i32
        %add3A_431 = arith.constant 80 : i32
        %add3A_432 = arith.addi %mul3A_430, %add3A_431 : i32
        %get3A_433 = arith.constant 0 : i32
        %get3A_434 = arith.index_cast %get3A_433 : i32 to index
        %get3A_435 = arith.index_cast %add3A_432 : i32 to index
        %get3A_436 = tpu.vector_load %arg13[%get3A_434, %get3A_435] {strides = array<i32>} : memref<2x2048xi32, #tpu.memory_space<vmem>>, vector<16xi32>,
        %swap3A_437 = arith.index_cast %add3A_432 : i32 to index
        %swap3A_438 = tpu.vector_load %arg33[%swap3A_437] {strides = array<i32>} : memref<2048xi32, #tpu.memory_space<vmem>>, vector<16xi32>,
        tpu.vector_store %arg33[%swap3A_437], %get3A_436 {strides = array<i32>} : memref<2048xi32, #tpu.memory_space<vmem>>, vector<16xi32>,
        %get3A_439 = arith.constant 1 : i32
        %get3A_440 = arith.index_cast %get3A_439 : i32 to index
        %get3A_441 = arith.index_cast %add3A_432 : i32 to index
        %get3A_442 = tpu.vector_load %arg13[%get3A_440, %get3A_441] {strides = array<i32>} : memref<2x2048xi32, #tpu.memory_space<vmem>>, vector<16xi32>,
        %swap3A_443 = arith.index_cast %add3A_432 : i32 to index
        %swap3A_444 = tpu.vector_load %arg21[%swap3A_443] {strides = array<i32>} : memref<2048xi32, #tpu.memory_space<vmem>>, vector<16xi32>,
        tpu.vector_store %arg21[%swap3A_443], %get3A_442 {strides = array<i32>} : memref<2048xi32, #tpu.memory_space<vmem>>, vector<16xi32>,
        %mul3A_445 = arith.constant 128 : i32
        %mul3A_446 = arith.muli %scan3A_349, %mul3A_445 : i32
        %add3A_447 = arith.constant 96 : i32
        %add3A_448 = arith.addi %mul3A_446, %add3A_447 : i32
        %get3A_449 = arith.constant 0 : i32
        %get3A_450 = arith.index_cast %get3A_449 : i32 to index
        %get3A_451 = arith.index_cast %add3A_448 : i32 to index
        %get3A_452 = tpu.vector_load %arg13[%get3A_450, %get3A_451] {strides = array<i32>} : memref<2x2048xi32, #tpu.memory_space<vmem>>, vector<16xi32>,
        %swap3A_453 = arith.index_cast %add3A_448 : i32 to index
        %swap3A_454 = tpu.vector_load %arg33[%swap3A_453] {strides = array<i32>} : memref<2048xi32, #tpu.memory_space<vmem>>, vector<16xi32>,
        tpu.vector_store %arg33[%swap3A_453], %get3A_452 {strides = array<i32>} : memref<2048xi32, #tpu.memory_space<vmem>>, vector<16xi32>,
        %get3A_455 = arith.constant 1 : i32
        %get3A_456 = arith.index_cast %get3A_455 : i32 to index
        %get3A_457 = arith.index_cast %add3A_448 : i32 to index
        %get3A_458 = tpu.vector_load %arg13[%get3A_456, %get3A_457] {strides = array<i32>} : memref<2x2048xi32, #tpu.memory_space<vmem>>, vector<16xi32>,
        %swap3A_459 = arith.index_cast %add3A_448 : i32 to index
        %swap3A_460 = tpu.vector_load %arg21[%swap3A_459] {strides = array<i32>} : memref<2048xi32, #tpu.memory_space<vmem>>, vector<16xi32>,
        tpu.vector_store %arg21[%swap3A_459], %get3A_458 {strides = array<i32>} : memref<2048xi32, #tpu.memory_space<vmem>>, vector<16xi32>,
        %mul3A_461 = arith.constant 128 : i32
        %mul3A_462 = arith.muli %scan3A_349, %mul3A_461 : i32
        %add3A_463 = arith.constant 112 : i32
        %add3A_464 = arith.addi %mul3A_462, %add3A_463 : i32
        %get3A_465 = arith.constant 0 : i32
        %get3A_466 = arith.index_cast %get3A_465 : i32 to index
        %get3A_467 = arith.index_cast %add3A_464 : i32 to index
        %get3A_468 = tpu.vector_load %arg13[%get3A_466, %get3A_467] {strides = array<i32>} : memref<2x2048xi32, #tpu.memory_space<vmem>>, vector<16xi32>,
        %swap3A_469 = arith.index_cast %add3A_464 : i32 to index
        %swap3A_470 = tpu.vector_load %arg33[%swap3A_469] {strides = array<i32>} : memref<2048xi32, #tpu.memory_space<vmem>>, vector<16xi32>,
        tpu.vector_store %arg33[%swap3A_469], %get3A_468 {strides = array<i32>} : memref<2048xi32, #tpu.memory_space<vmem>>, vector<16xi32>,
        %get3A_471 = arith.constant 1 : i32
        %get3A_472 = arith.index_cast %get3A_471 : i32 to index
        %get3A_473 = arith.index_cast %add3A_464 : i32 to index
        %get3A_474 = tpu.vector_load %arg13[%get3A_472, %get3A_473] {strides = array<i32>} : memref<2x2048xi32, #tpu.memory_space<vmem>>, vector<16xi32>,
        %swap3A_475 = arith.index_cast %add3A_464 : i32 to index
        %swap3A_476 = tpu.vector_load %arg21[%swap3A_475] {strides = array<i32>} : memref<2048xi32, #tpu.memory_space<vmem>>, vector<16xi32>,
        tpu.vector_store %arg21[%swap3A_475], %get3A_474 {strides = array<i32>} : memref<2048xi32, #tpu.memory_space<vmem>>, vector<16xi32>,
      }
      %scan3A_321 = arith.constant 16 : i32
      %dma_start3A_322 = arith.constant 3 : i32
      %dma_start3A_323 = arith.constant 0 : i32
      %dma_start3A_324 = tpu.memref_slice %arg38[%dma_start3A_323] : memref<100096xf32, #tpu.memory_space<vmem_shared>> -> memref<100096xf32, #tpu.memory_space<vmem_shared>>
      %dma_start3A_325 = tpu.memref_slice %arg40[%dma_start3A_322] : memref<4x!tpu.dma_semaphore, #tpu.memory_space<semaphore_mem>> -> memref<1x!tpu.dma_semaphore, #tpu.memory_space<semaphore_mem>>
      %dma_start3A_326 = tpu.memref_squeeze %dma_start3A_325 : memref<1x!tpu.dma_semaphore, #tpu.memory_space<semaphore_mem>> -> memref<!tpu.dma_semaphore, #tpu.memory_space<semaphore_mem>>
      tpu.enqueue_indirect_dma source(%dma_start3A_324 : memref<100096xf32, #tpu.memory_space<vmem_shared>>) target(%arg29 : memref<2048xf32, #tpu.memory_space<vmem>>) offsets(%arg33 : memref<2048xi32, #tpu.memory_space<vmem>>) semaphore(%dma_start3A_326 : memref<!tpu.dma_semaphore, #tpu.memory_space<semaphore_mem>>)
      %ge3A_327 = arith.constant 1 : i32
      %ge3A_328 = arith.cmpi sge, %add3A_296, %ge3A_327 : i32
      %convert_element_type3A_329 = arith.extui %ge3A_328 : i1 to i32
      %cond3A_330 = arith.constant 0 : i32
      %cond3A_331 = arith.cmpi ne, %convert_element_type3A_329, %cond3A_330 : i32
      scf.if %cond3A_331 {
        %dma_wait3A_349 = arith.constant 2 : i32
        %dma_wait3A_350 = arith.constant 0 : i32
        %dma_wait3A_351 = tpu.memref_slice %arg38[%dma_wait3A_350] : memref<100096xf32, #tpu.memory_space<vmem_shared>> -> memref<100096xf32, #tpu.memory_space<vmem_shared>>
        %dma_wait3A_352 = tpu.memref_slice %arg40[%dma_wait3A_349] : memref<4x!tpu.dma_semaphore, #tpu.memory_space<semaphore_mem>> -> memref<1x!tpu.dma_semaphore, #tpu.memory_space<semaphore_mem>>
        %dma_wait3A_353 = tpu.memref_squeeze %dma_wait3A_352 : memref<1x!tpu.dma_semaphore, #tpu.memory_space<semaphore_mem>> -> memref<!tpu.dma_semaphore, #tpu.memory_space<semaphore_mem>>
        tpu.wait_indirect_dma semaphore(%dma_wait3A_353 : memref<!tpu.dma_semaphore, #tpu.memory_space<semaphore_mem>>) src(%dma_wait3A_351 : memref<100096xf32, #tpu.memory_space<vmem_shared>>) dst(%arg28 : memref<2048xf32, #tpu.memory_space<vmem>>)
        %scan3A_354 = arith.constant 0 : i32
        %scan3A_355 = arith.constant 0 : i32
        %scan3A_356 = arith.constant 16 : i32
        %scan3A_357 = arith.addi %scan3A_355, %scan3A_356 : i32
        %scan3A_358 = arith.constant 1 : i32
        scf.for %scan3A_360 = %scan3A_355 to %scan3A_357 step %scan3A_358  : i32 {
          %mul3A_361 = arith.constant 128 : i32
          %mul3A_362 = arith.muli %scan3A_360, %mul3A_361 : i32
          %add3A_363 = arith.constant 0 : i32
          %add3A_364 = arith.addi %mul3A_362, %add3A_363 : i32
          %get3A_365 = arith.index_cast %add3A_364 : i32 to index
          %get3A_366 = tpu.vector_load %arg28[%get3A_365] {strides = array<i32>} : memref<2048xf32, #tpu.memory_space<vmem>>, vector<16xf32>,
          %get3A_367 = arith.index_cast %add3A_364 : i32 to index
          %get3A_368 = tpu.vector_load %arg16[%get3A_367] {strides = array<i32>} : memref<2048xf32, #tpu.memory_space<vmem>>, vector<16xf32>,
          %mul3A_369 = arith.mulf %get3A_368, %get3A_1 : vector<16xf32>
          %add3A_370 = arith.addf %mul3A_369, %get3A_3 : vector<16xf32>
          %mul3A_371 = arith.mulf %get3A_366, %add3A_370 : vector<16xf32>
          %swap3A = arith.index_cast %add3A_364 : i32 to index
          %swap3A_372 = tpu.vector_load %arg24[%swap3A] {strides = array<i32>} : memref<2048xf32, #tpu.memory_space<vmem>>, vector<16xf32>,
          tpu.vector_store %arg24[%swap3A], %mul3A_371 {strides = array<i32>} : memref<2048xf32, #tpu.memory_space<vmem>>, vector<16xf32>,
          %mul3A_373 = arith.constant 128 : i32
          %mul3A_374 = arith.muli %scan3A_360, %mul3A_373 : i32
          %add3A_375 = arith.constant 16 : i32
          %add3A_376 = arith.addi %mul3A_374, %add3A_375 : i32
          %get3A_377 = arith.index_cast %add3A_376 : i32 to index
          %get3A_378 = tpu.vector_load %arg28[%get3A_377] {strides = array<i32>} : memref<2048xf32, #tpu.memory_space<vmem>>, vector<16xf32>,
          %get3A_379 = arith.index_cast %add3A_376 : i32 to index
          %get3A_380 = tpu.vector_load %arg16[%get3A_379] {strides = array<i32>} : memref<2048xf32, #tpu.memory_space<vmem>>, vector<16xf32>,
          %mul3A_381 = arith.mulf %get3A_380, %get3A_1 : vector<16xf32>
          %add3A_382 = arith.addf %mul3A_381, %get3A_3 : vector<16xf32>
          %mul3A_383 = arith.mulf %get3A_378, %add3A_382 : vector<16xf32>
          %swap3A_384 = arith.index_cast %add3A_376 : i32 to index
          %swap3A_385 = tpu.vector_load %arg24[%swap3A_384] {strides = array<i32>} : memref<2048xf32, #tpu.memory_space<vmem>>, vector<16xf32>,
          tpu.vector_store %arg24[%swap3A_384], %mul3A_383 {strides = array<i32>} : memref<2048xf32, #tpu.memory_space<vmem>>, vector<16xf32>,
          %mul3A_386 = arith.constant 128 : i32
          %mul3A_387 = arith.muli %scan3A_360, %mul3A_386 : i32
          %add3A_388 = arith.constant 32 : i32
          %add3A_389 = arith.addi %mul3A_387, %add3A_388 : i32
          %get3A_390 = arith.index_cast %add3A_389 : i32 to index
          %get3A_391 = tpu.vector_load %arg28[%get3A_390] {strides = array<i32>} : memref<2048xf32, #tpu.memory_space<vmem>>, vector<16xf32>,
          %get3A_392 = arith.index_cast %add3A_389 : i32 to index
          %get3A_393 = tpu.vector_load %arg16[%get3A_392] {strides = array<i32>} : memref<2048xf32, #tpu.memory_space<vmem>>, vector<16xf32>,
          %mul3A_394 = arith.mulf %get3A_393, %get3A_1 : vector<16xf32>
          %add3A_395 = arith.addf %mul3A_394, %get3A_3 : vector<16xf32>
          %mul3A_396 = arith.mulf %get3A_391, %add3A_395 : vector<16xf32>
          %swap3A_397 = arith.index_cast %add3A_389 : i32 to index
          %swap3A_398 = tpu.vector_load %arg24[%swap3A_397] {strides = array<i32>} : memref<2048xf32, #tpu.memory_space<vmem>>, vector<16xf32>,
          tpu.vector_store %arg24[%swap3A_397], %mul3A_396 {strides = array<i32>} : memref<2048xf32, #tpu.memory_space<vmem>>, vector<16xf32>,
          %mul3A_399 = arith.constant 128 : i32
          %mul3A_400 = arith.muli %scan3A_360, %mul3A_399 : i32
          %add3A_401 = arith.constant 48 : i32
          %add3A_402 = arith.addi %mul3A_400, %add3A_401 : i32
          %get3A_403 = arith.index_cast %add3A_402 : i32 to index
          %get3A_404 = tpu.vector_load %arg28[%get3A_403] {strides = array<i32>} : memref<2048xf32, #tpu.memory_space<vmem>>, vector<16xf32>,
          %get3A_405 = arith.index_cast %add3A_402 : i32 to index
          %get3A_406 = tpu.vector_load %arg16[%get3A_405] {strides = array<i32>} : memref<2048xf32, #tpu.memory_space<vmem>>, vector<16xf32>,
          %mul3A_407 = arith.mulf %get3A_406, %get3A_1 : vector<16xf32>
          %add3A_408 = arith.addf %mul3A_407, %get3A_3 : vector<16xf32>
          %mul3A_409 = arith.mulf %get3A_404, %add3A_408 : vector<16xf32>
          %swap3A_410 = arith.index_cast %add3A_402 : i32 to index
          %swap3A_411 = tpu.vector_load %arg24[%swap3A_410] {strides = array<i32>} : memref<2048xf32, #tpu.memory_space<vmem>>, vector<16xf32>,
          tpu.vector_store %arg24[%swap3A_410], %mul3A_409 {strides = array<i32>} : memref<2048xf32, #tpu.memory_space<vmem>>, vector<16xf32>,
          %mul3A_412 = arith.constant 128 : i32
          %mul3A_413 = arith.muli %scan3A_360, %mul3A_412 : i32
          %add3A_414 = arith.constant 64 : i32
          %add3A_415 = arith.addi %mul3A_413, %add3A_414 : i32
          %get3A_416 = arith.index_cast %add3A_415 : i32 to index
          %get3A_417 = tpu.vector_load %arg28[%get3A_416] {strides = array<i32>} : memref<2048xf32, #tpu.memory_space<vmem>>, vector<16xf32>,
          %get3A_418 = arith.index_cast %add3A_415 : i32 to index
          %get3A_419 = tpu.vector_load %arg16[%get3A_418] {strides = array<i32>} : memref<2048xf32, #tpu.memory_space<vmem>>, vector<16xf32>,
          %mul3A_420 = arith.mulf %get3A_419, %get3A_1 : vector<16xf32>
          %add3A_421 = arith.addf %mul3A_420, %get3A_3 : vector<16xf32>
          %mul3A_422 = arith.mulf %get3A_417, %add3A_421 : vector<16xf32>
          %swap3A_423 = arith.index_cast %add3A_415 : i32 to index
          %swap3A_424 = tpu.vector_load %arg24[%swap3A_423] {strides = array<i32>} : memref<2048xf32, #tpu.memory_space<vmem>>, vector<16xf32>,
          tpu.vector_store %arg24[%swap3A_423], %mul3A_422 {strides = array<i32>} : memref<2048xf32, #tpu.memory_space<vmem>>, vector<16xf32>,
          %mul3A_425 = arith.constant 128 : i32
          %mul3A_426 = arith.muli %scan3A_360, %mul3A_425 : i32
          %add3A_427 = arith.constant 80 : i32
          %add3A_428 = arith.addi %mul3A_426, %add3A_427 : i32
          %get3A_429 = arith.index_cast %add3A_428 : i32 to index
          %get3A_430 = tpu.vector_load %arg28[%get3A_429] {strides = array<i32>} : memref<2048xf32, #tpu.memory_space<vmem>>, vector<16xf32>,
          %get3A_431 = arith.index_cast %add3A_428 : i32 to index
          %get3A_432 = tpu.vector_load %arg16[%get3A_431] {strides = array<i32>} : memref<2048xf32, #tpu.memory_space<vmem>>, vector<16xf32>,
          %mul3A_433 = arith.mulf %get3A_432, %get3A_1 : vector<16xf32>
          %add3A_434 = arith.addf %mul3A_433, %get3A_3 : vector<16xf32>
          %mul3A_435 = arith.mulf %get3A_430, %add3A_434 : vector<16xf32>
          %swap3A_436 = arith.index_cast %add3A_428 : i32 to index
          %swap3A_437 = tpu.vector_load %arg24[%swap3A_436] {strides = array<i32>} : memref<2048xf32, #tpu.memory_space<vmem>>, vector<16xf32>,
          tpu.vector_store %arg24[%swap3A_436], %mul3A_435 {strides = array<i32>} : memref<2048xf32, #tpu.memory_space<vmem>>, vector<16xf32>,
          %mul3A_438 = arith.constant 128 : i32
          %mul3A_439 = arith.muli %scan3A_360, %mul3A_438 : i32
          %add3A_440 = arith.constant 96 : i32
          %add3A_441 = arith.addi %mul3A_439, %add3A_440 : i32
          %get3A_442 = arith.index_cast %add3A_441 : i32 to index
          %get3A_443 = tpu.vector_load %arg28[%get3A_442] {strides = array<i32>} : memref<2048xf32, #tpu.memory_space<vmem>>, vector<16xf32>,
          %get3A_444 = arith.index_cast %add3A_441 : i32 to index
          %get3A_445 = tpu.vector_load %arg16[%get3A_444] {strides = array<i32>} : memref<2048xf32, #tpu.memory_space<vmem>>, vector<16xf32>,
          %mul3A_446 = arith.mulf %get3A_445, %get3A_1 : vector<16xf32>
          %add3A_447 = arith.addf %mul3A_446, %get3A_3 : vector<16xf32>
          %mul3A_448 = arith.mulf %get3A_443, %add3A_447 : vector<16xf32>
          %swap3A_449 = arith.index_cast %add3A_441 : i32 to index
          %swap3A_450 = tpu.vector_load %arg24[%swap3A_449] {strides = array<i32>} : memref<2048xf32, #tpu.memory_space<vmem>>, vector<16xf32>,
          tpu.vector_store %arg24[%swap3A_449], %mul3A_448 {strides = array<i32>} : memref<2048xf32, #tpu.memory_space<vmem>>, vector<16xf32>,
          %mul3A_451 = arith.constant 128 : i32
          %mul3A_452 = arith.muli %scan3A_360, %mul3A_451 : i32
          %add3A_453 = arith.constant 112 : i32
          %add3A_454 = arith.addi %mul3A_452, %add3A_453 : i32
          %get3A_455 = arith.index_cast %add3A_454 : i32 to index
          %get3A_456 = tpu.vector_load %arg28[%get3A_455] {strides = array<i32>} : memref<2048xf32, #tpu.memory_space<vmem>>, vector<16xf32>,
          %get3A_457 = arith.index_cast %add3A_454 : i32 to index
          %get3A_458 = tpu.vector_load %arg16[%get3A_457] {strides = array<i32>} : memref<2048xf32, #tpu.memory_space<vmem>>, vector<16xf32>,
          %mul3A_459 = arith.mulf %get3A_458, %get3A_1 : vector<16xf32>
          %add3A_460 = arith.addf %mul3A_459, %get3A_3 : vector<16xf32>
          %mul3A_461 = arith.mulf %get3A_456, %add3A_460 : vector<16xf32>
          %swap3A_462 = arith.index_cast %add3A_454 : i32 to index
          %swap3A_463 = tpu.vector_load %arg24[%swap3A_462] {strides = array<i32>} : memref<2048xf32, #tpu.memory_space<vmem>>, vector<16xf32>,
          tpu.vector_store %arg24[%swap3A_462], %mul3A_461 {strides = array<i32>} : memref<2048xf32, #tpu.memory_space<vmem>>, vector<16xf32>,
        }
        %scan3A_359 = arith.constant 16 : i32
      } else {
      }
      %ge3A_332 = arith.constant 2 : i32
      %ge3A_333 = arith.cmpi sge, %add3A_296, %ge3A_332 : i32
      %convert_element_type3A_334 = arith.extui %ge3A_333 : i1 to i32
      %cond3A_335 = arith.constant 0 : i32
      %cond3A_336 = arith.cmpi ne, %convert_element_type3A_334, %cond3A_335 : i32
      scf.if %cond3A_336 {
        %dma_wait3A_349 = arith.constant 1 : i32
        %dma_wait3A_350 = arith.constant 0 : i32
        %dma_wait3A_351 = tpu.memref_slice %arg37[%dma_wait3A_350] : memref<100096xf32, #tpu.memory_space<vmem_shared>> -> memref<100096xf32, #tpu.memory_space<vmem_shared>>
        %dma_wait3A_352 = tpu.memref_slice %arg41[%dma_wait3A_349] : memref<4x!tpu.dma_semaphore, #tpu.memory_space<semaphore_mem>> -> memref<1x!tpu.dma_semaphore, #tpu.memory_space<semaphore_mem>>
        %dma_wait3A_353 = tpu.memref_squeeze %dma_wait3A_352 : memref<1x!tpu.dma_semaphore, #tpu.memory_space<semaphore_mem>> -> memref<!tpu.dma_semaphore, #tpu.memory_space<semaphore_mem>>
        tpu.wait_indirect_dma semaphore(%dma_wait3A_353 : memref<!tpu.dma_semaphore, #tpu.memory_space<semaphore_mem>>) src(%arg23 : memref<2048xf32, #tpu.memory_space<vmem>>) dst(%dma_wait3A_351 : memref<100096xf32, #tpu.memory_space<vmem_shared>>)
      } else {
      }
      %ge3A_337 = arith.constant 1 : i32
      %ge3A_338 = arith.cmpi sge, %add3A_296, %ge3A_337 : i32
      %convert_element_type3A_339 = arith.extui %ge3A_338 : i1 to i32
      %cond3A_340 = arith.constant 0 : i32
      %cond3A_341 = arith.cmpi ne, %convert_element_type3A_339, %cond3A_340 : i32
      scf.if %cond3A_341 {
        %dma_start3A_349 = arith.constant 2 : i32
        %dma_start3A_350 = arith.constant 0 : i32
        %dma_start3A_351 = tpu.memref_slice %arg37[%dma_start3A_350] : memref<100096xf32, #tpu.memory_space<vmem_shared>> -> memref<100096xf32, #tpu.memory_space<vmem_shared>>
        %dma_start3A_352 = tpu.memref_slice %arg41[%dma_start3A_349] : memref<4x!tpu.dma_semaphore, #tpu.memory_space<semaphore_mem>> -> memref<1x!tpu.dma_semaphore, #tpu.memory_space<semaphore_mem>>
        %dma_start3A_353 = tpu.memref_squeeze %dma_start3A_352 : memref<1x!tpu.dma_semaphore, #tpu.memory_space<semaphore_mem>> -> memref<!tpu.dma_semaphore, #tpu.memory_space<semaphore_mem>>
        tpu.enqueue_indirect_dma source(%arg24 : memref<2048xf32, #tpu.memory_space<vmem>>) target(%dma_start3A_351 : memref<100096xf32, #tpu.memory_space<vmem_shared>>) offsets(%arg20 : memref<2048xi32, #tpu.memory_space<vmem>>) semaphore(%dma_start3A_353 : memref<!tpu.dma_semaphore, #tpu.memory_space<semaphore_mem>>) {add = true}
      } else {
      }
      %add3A_342 = arith.constant 2 : i32
      %add3A_343 = arith.addi %add3A_296, %add3A_342 : i32
      %lt3A_344 = arith.constant 48 : i32
      %lt3A_345 = arith.cmpi slt, %add3A_343, %lt3A_344 : i32
      %convert_element_type3A_346 = arith.extui %lt3A_345 : i1 to i32
      %cond3A_347 = arith.constant 0 : i32
      %cond3A_348 = arith.cmpi ne, %convert_element_type3A_346, %cond3A_347 : i32
      scf.if %cond3A_348 {
        %add3A_349 = arith.constant 2 : i32
        %add3A_350 = arith.addi %add3A_296, %add3A_349 : i32
        %mul3A_351 = arith.constant 2048 : i32
        %mul3A_352 = arith.muli %add3A_350, %mul3A_351 : i32
        %add3A_353 = arith.addi %mul3A_20, %mul3A_352 : i32
        %multiple_of3A_354 = tpu.assume_multiple %add3A_353, 8 : i32
        %dma_start3A_355 = arith.constant 1 : i32
        %dma_start3A_356 = arith.constant 0 : i32
        %dma_start3A_357 = tpu.memref_slice %arg2[%dma_start3A_356, %multiple_of3A_354] : memref<2x3200512xi32, #tpu.memory_space<hbm>> -> memref<2x2048xi32, #tpu.memory_space<hbm>>
        %dma_start3A_358 = tpu.memref_slice %arg39[%dma_start3A_355] : memref<4x!tpu.dma_semaphore, #tpu.memory_space<semaphore_mem>> -> memref<1x!tpu.dma_semaphore, #tpu.memory_space<semaphore_mem>>
        %dma_start3A_359 = tpu.memref_squeeze %dma_start3A_358 : memref<1x!tpu.dma_semaphore, #tpu.memory_space<semaphore_mem>> -> memref<!tpu.dma_semaphore, #tpu.memory_space<semaphore_mem>>
        %dma_start3A_360 = arith.constant 0 : i32
        %dma_start3A_361 = tpu.memref_slice %arg2[%dma_start3A_360, %multiple_of3A_354] : memref<2x3200512xi32, #tpu.memory_space<hbm>> -> memref<2x2048xi32, #tpu.memory_space<hbm>>
        tpu.enqueue_dma source(%dma_start3A_361 : memref<2x2048xi32, #tpu.memory_space<hbm>>) target(%arg11 : memref<2x2048xi32, #tpu.memory_space<vmem>>) target_semaphore(%dma_start3A_359 : memref<!tpu.dma_semaphore, #tpu.memory_space<semaphore_mem>>)
        %dma_start3A_362 = arith.constant 0 : i32
        %dma_start3A_363 = arith.constant 1 : i32
        %dma_start3A_364 = tpu.memref_slice %arg3[%dma_start3A_362, %multiple_of3A_354] : memref<1x3200512xf32, #tpu.memory_space<hbm>> -> memref<1x2048xf32, #tpu.memory_space<hbm>>
        %dma_start3A_365 = tpu.memref_squeeze %dma_start3A_364 : memref<1x2048xf32, #tpu.memory_space<hbm>> -> memref<2048xf32, #tpu.memory_space<hbm>>
        %dma_start3A_366 = tpu.memref_slice %arg39[%dma_start3A_363] : memref<4x!tpu.dma_semaphore, #tpu.memory_space<semaphore_mem>> -> memref<1x!tpu.dma_semaphore, #tpu.memory_space<semaphore_mem>>
        %dma_start3A_367 = tpu.memref_squeeze %dma_start3A_366 : memref<1x!tpu.dma_semaphore, #tpu.memory_space<semaphore_mem>> -> memref<!tpu.dma_semaphore, #tpu.memory_space<semaphore_mem>>
        %dma_start3A_368 = tpu.memref_slice %arg3[%dma_start3A_362, %multiple_of3A_354] : memref<1x3200512xf32, #tpu.memory_space<hbm>> -> memref<1x2048xf32, #tpu.memory_space<hbm>>
        %dma_start3A_369 = tpu.memref_squeeze %dma_start3A_368 : memref<1x2048xf32, #tpu.memory_space<hbm>> -> memref<2048xf32, #tpu.memory_space<hbm>>
        tpu.enqueue_dma source(%dma_start3A_369 : memref<2048xf32, #tpu.memory_space<hbm>>) target(%arg15 : memref<2048xf32, #tpu.memory_space<vmem>>) target_semaphore(%dma_start3A_367 : memref<!tpu.dma_semaphore, #tpu.memory_space<semaphore_mem>>)
      } else {
      }
    }
    %scan3A_61 = arith.constant 12 : i32
    %dma_wait3A = arith.constant 3 : i32
    %dma_wait3A_62 = arith.constant 0 : i32
    %dma_wait3A_63 = tpu.memref_slice %arg38[%dma_wait3A_62] : memref<100096xf32, #tpu.memory_space<vmem_shared>> -> memref<100096xf32, #tpu.memory_space<vmem_shared>>
    %dma_wait3A_64 = tpu.memref_slice %arg40[%dma_wait3A] : memref<4x!tpu.dma_semaphore, #tpu.memory_space<semaphore_mem>> -> memref<1x!tpu.dma_semaphore, #tpu.memory_space<semaphore_mem>>
    %dma_wait3A_65 = tpu.memref_squeeze %dma_wait3A_64 : memref<1x!tpu.dma_semaphore, #tpu.memory_space<semaphore_mem>> -> memref<!tpu.dma_semaphore, #tpu.memory_space<semaphore_mem>>
    tpu.wait_indirect_dma semaphore(%dma_wait3A_65 : memref<!tpu.dma_semaphore, #tpu.memory_space<semaphore_mem>>) src(%dma_wait3A_63 : memref<100096xf32, #tpu.memory_space<vmem_shared>>) dst(%arg29 : memref<2048xf32, #tpu.memory_space<vmem>>)
    %scan3A_66 = arith.constant 0 : i32
    %scan3A_67 = arith.constant 0 : i32
    %scan3A_68 = arith.constant 16 : i32
    %scan3A_69 = arith.addi %scan3A_67, %scan3A_68 : i32
    %scan3A_70 = arith.constant 1 : i32
    scf.for %scan3A_131 = %scan3A_67 to %scan3A_69 step %scan3A_70  : i32 {
      %mul3A_132 = arith.constant 128 : i32
      %mul3A_133 = arith.muli %scan3A_131, %mul3A_132 : i32
      %add3A_134 = arith.constant 0 : i32
      %add3A_135 = arith.addi %mul3A_133, %add3A_134 : i32
      %get3A_136 = arith.index_cast %add3A_135 : i32 to index
      %get3A_137 = tpu.vector_load %arg29[%get3A_136] {strides = array<i32>} : memref<2048xf32, #tpu.memory_space<vmem>>, vector<16xf32>,
      %get3A_138 = arith.index_cast %add3A_135 : i32 to index
      %get3A_139 = tpu.vector_load %arg17[%get3A_138] {strides = array<i32>} : memref<2048xf32, #tpu.memory_space<vmem>>, vector<16xf32>,
      %mul3A_140 = arith.mulf %get3A_139, %get3A_1 : vector<16xf32>
      %add3A_141 = arith.addf %mul3A_140, %get3A_3 : vector<16xf32>
      %mul3A_142 = arith.mulf %get3A_137, %add3A_141 : vector<16xf32>
      %swap3A = arith.index_cast %add3A_135 : i32 to index
      %swap3A_143 = tpu.vector_load %arg25[%swap3A] {strides = array<i32>} : memref<2048xf32, #tpu.memory_space<vmem>>, vector<16xf32>,
      tpu.vector_store %arg25[%swap3A], %mul3A_142 {strides = array<i32>} : memref<2048xf32, #tpu.memory_space<vmem>>, vector<16xf32>,
      %mul3A_144 = arith.constant 128 : i32
      %mul3A_145 = arith.muli %scan3A_131, %mul3A_144 : i32
      %add3A_146 = arith.constant 16 : i32
      %add3A_147 = arith.addi %mul3A_145, %add3A_146 : i32
      %get3A_148 = arith.index_cast %add3A_147 : i32 to index
      %get3A_149 = tpu.vector_load %arg29[%get3A_148] {strides = array<i32>} : memref<2048xf32, #tpu.memory_space<vmem>>, vector<16xf32>,
      %get3A_150 = arith.index_cast %add3A_147 : i32 to index
      %get3A_151 = tpu.vector_load %arg17[%get3A_150] {strides = array<i32>} : memref<2048xf32, #tpu.memory_space<vmem>>, vector<16xf32>,
      %mul3A_152 = arith.mulf %get3A_151, %get3A_1 : vector<16xf32>
      %add3A_153 = arith.addf %mul3A_152, %get3A_3 : vector<16xf32>
      %mul3A_154 = arith.mulf %get3A_149, %add3A_153 : vector<16xf32>
      %swap3A_155 = arith.index_cast %add3A_147 : i32 to index
      %swap3A_156 = tpu.vector_load %arg25[%swap3A_155] {strides = array<i32>} : memref<2048xf32, #tpu.memory_space<vmem>>, vector<16xf32>,
      tpu.vector_store %arg25[%swap3A_155], %mul3A_154 {strides = array<i32>} : memref<2048xf32, #tpu.memory_space<vmem>>, vector<16xf32>,
      %mul3A_157 = arith.constant 128 : i32
      %mul3A_158 = arith.muli %scan3A_131, %mul3A_157 : i32
      %add3A_159 = arith.constant 32 : i32
      %add3A_160 = arith.addi %mul3A_158, %add3A_159 : i32
      %get3A_161 = arith.index_cast %add3A_160 : i32 to index
      %get3A_162 = tpu.vector_load %arg29[%get3A_161] {strides = array<i32>} : memref<2048xf32, #tpu.memory_space<vmem>>, vector<16xf32>,
      %get3A_163 = arith.index_cast %add3A_160 : i32 to index
      %get3A_164 = tpu.vector_load %arg17[%get3A_163] {strides = array<i32>} : memref<2048xf32, #tpu.memory_space<vmem>>, vector<16xf32>,
      %mul3A_165 = arith.mulf %get3A_164, %get3A_1 : vector<16xf32>
      %add3A_166 = arith.addf %mul3A_165, %get3A_3 : vector<16xf32>
      %mul3A_167 = arith.mulf %get3A_162, %add3A_166 : vector<16xf32>
      %swap3A_168 = arith.index_cast %add3A_160 : i32 to index
      %swap3A_169 = tpu.vector_load %arg25[%swap3A_168] {strides = array<i32>} : memref<2048xf32, #tpu.memory_space<vmem>>, vector<16xf32>,
      tpu.vector_store %arg25[%swap3A_168], %mul3A_167 {strides = array<i32>} : memref<2048xf32, #tpu.memory_space<vmem>>, vector<16xf32>,
      %mul3A_170 = arith.constant 128 : i32
      %mul3A_171 = arith.muli %scan3A_131, %mul3A_170 : i32
      %add3A_172 = arith.constant 48 : i32
      %add3A_173 = arith.addi %mul3A_171, %add3A_172 : i32
      %get3A_174 = arith.index_cast %add3A_173 : i32 to index
      %get3A_175 = tpu.vector_load %arg29[%get3A_174] {strides = array<i32>} : memref<2048xf32, #tpu.memory_space<vmem>>, vector<16xf32>,
      %get3A_176 = arith.index_cast %add3A_173 : i32 to index
      %get3A_177 = tpu.vector_load %arg17[%get3A_176] {strides = array<i32>} : memref<2048xf32, #tpu.memory_space<vmem>>, vector<16xf32>,
      %mul3A_178 = arith.mulf %get3A_177, %get3A_1 : vector<16xf32>
      %add3A_179 = arith.addf %mul3A_178, %get3A_3 : vector<16xf32>
      %mul3A_180 = arith.mulf %get3A_175, %add3A_179 : vector<16xf32>
      %swap3A_181 = arith.index_cast %add3A_173 : i32 to index
      %swap3A_182 = tpu.vector_load %arg25[%swap3A_181] {strides = array<i32>} : memref<2048xf32, #tpu.memory_space<vmem>>, vector<16xf32>,
      tpu.vector_store %arg25[%swap3A_181], %mul3A_180 {strides = array<i32>} : memref<2048xf32, #tpu.memory_space<vmem>>, vector<16xf32>,
      %mul3A_183 = arith.constant 128 : i32
      %mul3A_184 = arith.muli %scan3A_131, %mul3A_183 : i32
      %add3A_185 = arith.constant 64 : i32
      %add3A_186 = arith.addi %mul3A_184, %add3A_185 : i32
      %get3A_187 = arith.index_cast %add3A_186 : i32 to index
      %get3A_188 = tpu.vector_load %arg29[%get3A_187] {strides = array<i32>} : memref<2048xf32, #tpu.memory_space<vmem>>, vector<16xf32>,
      %get3A_189 = arith.index_cast %add3A_186 : i32 to index
      %get3A_190 = tpu.vector_load %arg17[%get3A_189] {strides = array<i32>} : memref<2048xf32, #tpu.memory_space<vmem>>, vector<16xf32>,
      %mul3A_191 = arith.mulf %get3A_190, %get3A_1 : vector<16xf32>
      %add3A_192 = arith.addf %mul3A_191, %get3A_3 : vector<16xf32>
      %mul3A_193 = arith.mulf %get3A_188, %add3A_192 : vector<16xf32>
      %swap3A_194 = arith.index_cast %add3A_186 : i32 to index
      %swap3A_195 = tpu.vector_load %arg25[%swap3A_194] {strides = array<i32>} : memref<2048xf32, #tpu.memory_space<vmem>>, vector<16xf32>,
      tpu.vector_store %arg25[%swap3A_194], %mul3A_193 {strides = array<i32>} : memref<2048xf32, #tpu.memory_space<vmem>>, vector<16xf32>,
      %mul3A_196 = arith.constant 128 : i32
      %mul3A_197 = arith.muli %scan3A_131, %mul3A_196 : i32
      %add3A_198 = arith.constant 80 : i32
      %add3A_199 = arith.addi %mul3A_197, %add3A_198 : i32
      %get3A_200 = arith.index_cast %add3A_199 : i32 to index
      %get3A_201 = tpu.vector_load %arg29[%get3A_200] {strides = array<i32>} : memref<2048xf32, #tpu.memory_space<vmem>>, vector<16xf32>,
      %get3A_202 = arith.index_cast %add3A_199 : i32 to index
      %get3A_203 = tpu.vector_load %arg17[%get3A_202] {strides = array<i32>} : memref<2048xf32, #tpu.memory_space<vmem>>, vector<16xf32>,
      %mul3A_204 = arith.mulf %get3A_203, %get3A_1 : vector<16xf32>
      %add3A_205 = arith.addf %mul3A_204, %get3A_3 : vector<16xf32>
      %mul3A_206 = arith.mulf %get3A_201, %add3A_205 : vector<16xf32>
      %swap3A_207 = arith.index_cast %add3A_199 : i32 to index
      %swap3A_208 = tpu.vector_load %arg25[%swap3A_207] {strides = array<i32>} : memref<2048xf32, #tpu.memory_space<vmem>>, vector<16xf32>,
      tpu.vector_store %arg25[%swap3A_207], %mul3A_206 {strides = array<i32>} : memref<2048xf32, #tpu.memory_space<vmem>>, vector<16xf32>,
      %mul3A_209 = arith.constant 128 : i32
      %mul3A_210 = arith.muli %scan3A_131, %mul3A_209 : i32
      %add3A_211 = arith.constant 96 : i32
      %add3A_212 = arith.addi %mul3A_210, %add3A_211 : i32
      %get3A_213 = arith.index_cast %add3A_212 : i32 to index
      %get3A_214 = tpu.vector_load %arg29[%get3A_213] {strides = array<i32>} : memref<2048xf32, #tpu.memory_space<vmem>>, vector<16xf32>,
      %get3A_215 = arith.index_cast %add3A_212 : i32 to index
      %get3A_216 = tpu.vector_load %arg17[%get3A_215] {strides = array<i32>} : memref<2048xf32, #tpu.memory_space<vmem>>, vector<16xf32>,
      %mul3A_217 = arith.mulf %get3A_216, %get3A_1 : vector<16xf32>
      %add3A_218 = arith.addf %mul3A_217, %get3A_3 : vector<16xf32>
      %mul3A_219 = arith.mulf %get3A_214, %add3A_218 : vector<16xf32>
      %swap3A_220 = arith.index_cast %add3A_212 : i32 to index
      %swap3A_221 = tpu.vector_load %arg25[%swap3A_220] {strides = array<i32>} : memref<2048xf32, #tpu.memory_space<vmem>>, vector<16xf32>,
      tpu.vector_store %arg25[%swap3A_220], %mul3A_219 {strides = array<i32>} : memref<2048xf32, #tpu.memory_space<vmem>>, vector<16xf32>,
      %mul3A_222 = arith.constant 128 : i32
      %mul3A_223 = arith.muli %scan3A_131, %mul3A_222 : i32
      %add3A_224 = arith.constant 112 : i32
      %add3A_225 = arith.addi %mul3A_223, %add3A_224 : i32
      %get3A_226 = arith.index_cast %add3A_225 : i32 to index
      %get3A_227 = tpu.vector_load %arg29[%get3A_226] {strides = array<i32>} : memref<2048xf32, #tpu.memory_space<vmem>>, vector<16xf32>,
      %get3A_228 = arith.index_cast %add3A_225 : i32 to index
      %get3A_229 = tpu.vector_load %arg17[%get3A_228] {strides = array<i32>} : memref<2048xf32, #tpu.memory_space<vmem>>, vector<16xf32>,
      %mul3A_230 = arith.mulf %get3A_229, %get3A_1 : vector<16xf32>
      %add3A_231 = arith.addf %mul3A_230, %get3A_3 : vector<16xf32>
      %mul3A_232 = arith.mulf %get3A_227, %add3A_231 : vector<16xf32>
      %swap3A_233 = arith.index_cast %add3A_225 : i32 to index
      %swap3A_234 = tpu.vector_load %arg25[%swap3A_233] {strides = array<i32>} : memref<2048xf32, #tpu.memory_space<vmem>>, vector<16xf32>,
      tpu.vector_store %arg25[%swap3A_233], %mul3A_232 {strides = array<i32>} : memref<2048xf32, #tpu.memory_space<vmem>>, vector<16xf32>,
    }
    %scan3A_71 = arith.constant 16 : i32
    %dma_wait3A_72 = arith.constant 2 : i32
    %dma_wait3A_73 = arith.constant 0 : i32
    %dma_wait3A_74 = tpu.memref_slice %arg37[%dma_wait3A_73] : memref<100096xf32, #tpu.memory_space<vmem_shared>> -> memref<100096xf32, #tpu.memory_space<vmem_shared>>
    %dma_wait3A_75 = tpu.memref_slice %arg41[%dma_wait3A_72] : memref<4x!tpu.dma_semaphore, #tpu.memory_space<semaphore_mem>> -> memref<1x!tpu.dma_semaphore, #tpu.memory_space<semaphore_mem>>
    %dma_wait3A_76 = tpu.memref_squeeze %dma_wait3A_75 : memref<1x!tpu.dma_semaphore, #tpu.memory_space<semaphore_mem>> -> memref<!tpu.dma_semaphore, #tpu.memory_space<semaphore_mem>>
    tpu.wait_indirect_dma semaphore(%dma_wait3A_76 : memref<!tpu.dma_semaphore, #tpu.memory_space<semaphore_mem>>) src(%arg24 : memref<2048xf32, #tpu.memory_space<vmem>>) dst(%dma_wait3A_74 : memref<100096xf32, #tpu.memory_space<vmem_shared>>)
    %dma_start3A_77 = arith.constant 3 : i32
    %dma_start3A_78 = arith.constant 0 : i32
    %dma_start3A_79 = tpu.memref_slice %arg37[%dma_start3A_78] : memref<100096xf32, #tpu.memory_space<vmem_shared>> -> memref<100096xf32, #tpu.memory_space<vmem_shared>>
    %dma_start3A_80 = tpu.memref_slice %arg41[%dma_start3A_77] : memref<4x!tpu.dma_semaphore, #tpu.memory_space<semaphore_mem>> -> memref<1x!tpu.dma_semaphore, #tpu.memory_space<semaphore_mem>>
    %dma_start3A_81 = tpu.memref_squeeze %dma_start3A_80 : memref<1x!tpu.dma_semaphore, #tpu.memory_space<semaphore_mem>> -> memref<!tpu.dma_semaphore, #tpu.memory_space<semaphore_mem>>
    tpu.enqueue_indirect_dma source(%arg25 : memref<2048xf32, #tpu.memory_space<vmem>>) target(%dma_start3A_79 : memref<100096xf32, #tpu.memory_space<vmem_shared>>) offsets(%arg21 : memref<2048xi32, #tpu.memory_space<vmem>>) semaphore(%dma_start3A_81 : memref<!tpu.dma_semaphore, #tpu.memory_space<semaphore_mem>>) {add = true}
    %dma_wait3A_82 = arith.constant 3 : i32
    %dma_wait3A_83 = arith.constant 0 : i32
    %dma_wait3A_84 = tpu.memref_slice %arg37[%dma_wait3A_83] : memref<100096xf32, #tpu.memory_space<vmem_shared>> -> memref<100096xf32, #tpu.memory_space<vmem_shared>>
    %dma_wait3A_85 = tpu.memref_slice %arg41[%dma_wait3A_82] : memref<4x!tpu.dma_semaphore, #tpu.memory_space<semaphore_mem>> -> memref<1x!tpu.dma_semaphore, #tpu.memory_space<semaphore_mem>>
    %dma_wait3A_86 = tpu.memref_squeeze %dma_wait3A_85 : memref<1x!tpu.dma_semaphore, #tpu.memory_space<semaphore_mem>> -> memref<!tpu.dma_semaphore, #tpu.memory_space<semaphore_mem>>
    tpu.wait_indirect_dma semaphore(%dma_wait3A_86 : memref<!tpu.dma_semaphore, #tpu.memory_space<semaphore_mem>>) src(%arg25 : memref<2048xf32, #tpu.memory_space<vmem>>) dst(%dma_wait3A_84 : memref<100096xf32, #tpu.memory_space<vmem_shared>>)
    %mul3A_87 = arith.constant 2048 : i32
    %mul3A_88 = arith.muli %add3A, %mul3A_87 : i32
    %multiple_of3A_89 = tpu.assume_multiple %mul3A_88, 8 : i32
    "tpu.region"() ({
      %run_scoped3A = tpu.sem_alloc : memref<!tpu.dma_semaphore, #tpu.memory_space<semaphore_mem>>
      %dma_start3A_131 = arith.constant 0 : i32
      %dma_start3A_132 = tpu.memref_slice %arg4[%dma_start3A_131, %multiple_of3A_89] : memref<2x65536xi32, #tpu.memory_space<hbm>> -> memref<2x2048xi32, #tpu.memory_space<hbm>>
      %dma_start3A_133 = arith.constant 0 : i32
      %dma_start3A_134 = tpu.memref_slice %arg4[%dma_start3A_133, %multiple_of3A_89] : memref<2x65536xi32, #tpu.memory_space<hbm>> -> memref<2x2048xi32, #tpu.memory_space<hbm>>
      tpu.enqueue_dma source(%dma_start3A_134 : memref<2x2048xi32, #tpu.memory_space<hbm>>) target(%arg10 : memref<2x2048xi32, #tpu.memory_space<vmem>>) target_semaphore(%run_scoped3A : memref<!tpu.dma_semaphore, #tpu.memory_space<semaphore_mem>>)
      %dma_wait3A_135 = arith.constant 0 : i32
      %dma_wait3A_136 = tpu.memref_slice %arg4[%dma_wait3A_135, %multiple_of3A_89] : memref<2x65536xi32, #tpu.memory_space<hbm>> -> memref<2x2048xi32, #tpu.memory_space<hbm>>
      %dma_wait3A_137 = arith.constant 0 : i32
      %dma_wait3A_138 = tpu.memref_slice %arg4[%dma_wait3A_137, %multiple_of3A_89] : memref<2x65536xi32, #tpu.memory_space<hbm>> -> memref<2x2048xi32, #tpu.memory_space<hbm>>
      tpu.wait_dma2 semaphore(%run_scoped3A : memref<!tpu.dma_semaphore, #tpu.memory_space<semaphore_mem>>) src(%dma_wait3A_138 : memref<2x2048xi32, #tpu.memory_space<hbm>>) dst(%arg10 : memref<2x2048xi32, #tpu.memory_space<vmem>>)
      tpu.yield
    }) : () -> ()
    "tpu.region"() ({
      %run_scoped3A = tpu.sem_alloc : memref<!tpu.dma_semaphore, #tpu.memory_space<semaphore_mem>>
      %dma_start3A_131 = tpu.memref_slice %arg5[%multiple_of3A_89] : memref<65536xf32, #tpu.memory_space<hbm>> -> memref<2048xf32, #tpu.memory_space<hbm>>
      %dma_start3A_132 = tpu.memref_slice %arg5[%multiple_of3A_89] : memref<65536xf32, #tpu.memory_space<hbm>> -> memref<2048xf32, #tpu.memory_space<hbm>>
      tpu.enqueue_dma source(%dma_start3A_132 : memref<2048xf32, #tpu.memory_space<hbm>>) target(%arg14 : memref<2048xf32, #tpu.memory_space<vmem>>) target_semaphore(%run_scoped3A : memref<!tpu.dma_semaphore, #tpu.memory_space<semaphore_mem>>)
      %dma_wait3A_133 = tpu.memref_slice %arg5[%multiple_of3A_89] : memref<65536xf32, #tpu.memory_space<hbm>> -> memref<2048xf32, #tpu.memory_space<hbm>>
      %dma_wait3A_134 = tpu.memref_slice %arg5[%multiple_of3A_89] : memref<65536xf32, #tpu.memory_space<hbm>> -> memref<2048xf32, #tpu.memory_space<hbm>>
      tpu.wait_dma2 semaphore(%run_scoped3A : memref<!tpu.dma_semaphore, #tpu.memory_space<semaphore_mem>>) src(%dma_wait3A_134 : memref<2048xf32, #tpu.memory_space<hbm>>) dst(%arg14 : memref<2048xf32, #tpu.memory_space<vmem>>)
      tpu.yield
    }) : () -> ()
    %scan3A_90 = arith.constant 0 : i32
    %scan3A_91 = arith.constant 0 : i32
    %scan3A_92 = arith.constant 16 : i32
    %scan3A_93 = arith.addi %scan3A_91, %scan3A_92 : i32
    %scan3A_94 = arith.constant 1 : i32
    scf.for %scan3A_131 = %scan3A_91 to %scan3A_93 step %scan3A_94  : i32 {
      %mul3A_132 = arith.constant 128 : i32
      %mul3A_133 = arith.muli %scan3A_131, %mul3A_132 : i32
      %add3A_134 = arith.constant 0 : i32
      %add3A_135 = arith.addi %mul3A_133, %add3A_134 : i32
      %get3A_136 = arith.constant 0 : i32
      %get3A_137 = arith.index_cast %get3A_136 : i32 to index
      %get3A_138 = arith.index_cast %add3A_135 : i32 to index
      %get3A_139 = tpu.vector_load %arg10[%get3A_137, %get3A_138] {strides = array<i32>} : memref<2x2048xi32, #tpu.memory_space<vmem>>, vector<16xi32>,
      %swap3A = arith.index_cast %add3A_135 : i32 to index
      %swap3A_140 = tpu.vector_load %arg30[%swap3A] {strides = array<i32>} : memref<2048xi32, #tpu.memory_space<vmem>>, vector<16xi32>,
      tpu.vector_store %arg30[%swap3A], %get3A_139 {strides = array<i32>} : memref<2048xi32, #tpu.memory_space<vmem>>, vector<16xi32>,
      %get3A_141 = arith.constant 1 : i32
      %get3A_142 = arith.index_cast %get3A_141 : i32 to index
      %get3A_143 = arith.index_cast %add3A_135 : i32 to index
      %get3A_144 = tpu.vector_load %arg10[%get3A_142, %get3A_143] {strides = array<i32>} : memref<2x2048xi32, #tpu.memory_space<vmem>>, vector<16xi32>,
      %swap3A_145 = arith.index_cast %add3A_135 : i32 to index
      %swap3A_146 = tpu.vector_load %arg18[%swap3A_145] {strides = array<i32>} : memref<2048xi32, #tpu.memory_space<vmem>>, vector<16xi32>,
      tpu.vector_store %arg18[%swap3A_145], %get3A_144 {strides = array<i32>} : memref<2048xi32, #tpu.memory_space<vmem>>, vector<16xi32>,
      %mul3A_147 = arith.constant 128 : i32
      %mul3A_148 = arith.muli %scan3A_131, %mul3A_147 : i32
      %add3A_149 = arith.constant 16 : i32
      %add3A_150 = arith.addi %mul3A_148, %add3A_149 : i32
      %get3A_151 = arith.constant 0 : i32
      %get3A_152 = arith.index_cast %get3A_151 : i32 to index
      %get3A_153 = arith.index_cast %add3A_150 : i32 to index
      %get3A_154 = tpu.vector_load %arg10[%get3A_152, %get3A_153] {strides = array<i32>} : memref<2x2048xi32, #tpu.memory_space<vmem>>, vector<16xi32>,
      %swap3A_155 = arith.index_cast %add3A_150 : i32 to index
      %swap3A_156 = tpu.vector_load %arg30[%swap3A_155] {strides = array<i32>} : memref<2048xi32, #tpu.memory_space<vmem>>, vector<16xi32>,
      tpu.vector_store %arg30[%swap3A_155], %get3A_154 {strides = array<i32>} : memref<2048xi32, #tpu.memory_space<vmem>>, vector<16xi32>,
      %get3A_157 = arith.constant 1 : i32
      %get3A_158 = arith.index_cast %get3A_157 : i32 to index
      %get3A_159 = arith.index_cast %add3A_150 : i32 to index
      %get3A_160 = tpu.vector_load %arg10[%get3A_158, %get3A_159] {strides = array<i32>} : memref<2x2048xi32, #tpu.memory_space<vmem>>, vector<16xi32>,
      %swap3A_161 = arith.index_cast %add3A_150 : i32 to index
      %swap3A_162 = tpu.vector_load %arg18[%swap3A_161] {strides = array<i32>} : memref<2048xi32, #tpu.memory_space<vmem>>, vector<16xi32>,
      tpu.vector_store %arg18[%swap3A_161], %get3A_160 {strides = array<i32>} : memref<2048xi32, #tpu.memory_space<vmem>>, vector<16xi32>,
      %mul3A_163 = arith.constant 128 : i32
      %mul3A_164 = arith.muli %scan3A_131, %mul3A_163 : i32
      %add3A_165 = arith.constant 32 : i32
      %add3A_166 = arith.addi %mul3A_164, %add3A_165 : i32
      %get3A_167 = arith.constant 0 : i32
      %get3A_168 = arith.index_cast %get3A_167 : i32 to index
      %get3A_169 = arith.index_cast %add3A_166 : i32 to index
      %get3A_170 = tpu.vector_load %arg10[%get3A_168, %get3A_169] {strides = array<i32>} : memref<2x2048xi32, #tpu.memory_space<vmem>>, vector<16xi32>,
      %swap3A_171 = arith.index_cast %add3A_166 : i32 to index
      %swap3A_172 = tpu.vector_load %arg30[%swap3A_171] {strides = array<i32>} : memref<2048xi32, #tpu.memory_space<vmem>>, vector<16xi32>,
      tpu.vector_store %arg30[%swap3A_171], %get3A_170 {strides = array<i32>} : memref<2048xi32, #tpu.memory_space<vmem>>, vector<16xi32>,
      %get3A_173 = arith.constant 1 : i32
      %get3A_174 = arith.index_cast %get3A_173 : i32 to index
      %get3A_175 = arith.index_cast %add3A_166 : i32 to index
      %get3A_176 = tpu.vector_load %arg10[%get3A_174, %get3A_175] {strides = array<i32>} : memref<2x2048xi32, #tpu.memory_space<vmem>>, vector<16xi32>,
      %swap3A_177 = arith.index_cast %add3A_166 : i32 to index
      %swap3A_178 = tpu.vector_load %arg18[%swap3A_177] {strides = array<i32>} : memref<2048xi32, #tpu.memory_space<vmem>>, vector<16xi32>,
      tpu.vector_store %arg18[%swap3A_177], %get3A_176 {strides = array<i32>} : memref<2048xi32, #tpu.memory_space<vmem>>, vector<16xi32>,
      %mul3A_179 = arith.constant 128 : i32
      %mul3A_180 = arith.muli %scan3A_131, %mul3A_179 : i32
      %add3A_181 = arith.constant 48 : i32
      %add3A_182 = arith.addi %mul3A_180, %add3A_181 : i32
      %get3A_183 = arith.constant 0 : i32
      %get3A_184 = arith.index_cast %get3A_183 : i32 to index
      %get3A_185 = arith.index_cast %add3A_182 : i32 to index
      %get3A_186 = tpu.vector_load %arg10[%get3A_184, %get3A_185] {strides = array<i32>} : memref<2x2048xi32, #tpu.memory_space<vmem>>, vector<16xi32>,
      %swap3A_187 = arith.index_cast %add3A_182 : i32 to index
      %swap3A_188 = tpu.vector_load %arg30[%swap3A_187] {strides = array<i32>} : memref<2048xi32, #tpu.memory_space<vmem>>, vector<16xi32>,
      tpu.vector_store %arg30[%swap3A_187], %get3A_186 {strides = array<i32>} : memref<2048xi32, #tpu.memory_space<vmem>>, vector<16xi32>,
      %get3A_189 = arith.constant 1 : i32
      %get3A_190 = arith.index_cast %get3A_189 : i32 to index
      %get3A_191 = arith.index_cast %add3A_182 : i32 to index
      %get3A_192 = tpu.vector_load %arg10[%get3A_190, %get3A_191] {strides = array<i32>} : memref<2x2048xi32, #tpu.memory_space<vmem>>, vector<16xi32>,
      %swap3A_193 = arith.index_cast %add3A_182 : i32 to index
      %swap3A_194 = tpu.vector_load %arg18[%swap3A_193] {strides = array<i32>} : memref<2048xi32, #tpu.memory_space<vmem>>, vector<16xi32>,
      tpu.vector_store %arg18[%swap3A_193], %get3A_192 {strides = array<i32>} : memref<2048xi32, #tpu.memory_space<vmem>>, vector<16xi32>,
      %mul3A_195 = arith.constant 128 : i32
      %mul3A_196 = arith.muli %scan3A_131, %mul3A_195 : i32
      %add3A_197 = arith.constant 64 : i32
      %add3A_198 = arith.addi %mul3A_196, %add3A_197 : i32
      %get3A_199 = arith.constant 0 : i32
      %get3A_200 = arith.index_cast %get3A_199 : i32 to index
      %get3A_201 = arith.index_cast %add3A_198 : i32 to index
      %get3A_202 = tpu.vector_load %arg10[%get3A_200, %get3A_201] {strides = array<i32>} : memref<2x2048xi32, #tpu.memory_space<vmem>>, vector<16xi32>,
      %swap3A_203 = arith.index_cast %add3A_198 : i32 to index
      %swap3A_204 = tpu.vector_load %arg30[%swap3A_203] {strides = array<i32>} : memref<2048xi32, #tpu.memory_space<vmem>>, vector<16xi32>,
      tpu.vector_store %arg30[%swap3A_203], %get3A_202 {strides = array<i32>} : memref<2048xi32, #tpu.memory_space<vmem>>, vector<16xi32>,
      %get3A_205 = arith.constant 1 : i32
      %get3A_206 = arith.index_cast %get3A_205 : i32 to index
      %get3A_207 = arith.index_cast %add3A_198 : i32 to index
      %get3A_208 = tpu.vector_load %arg10[%get3A_206, %get3A_207] {strides = array<i32>} : memref<2x2048xi32, #tpu.memory_space<vmem>>, vector<16xi32>,
      %swap3A_209 = arith.index_cast %add3A_198 : i32 to index
      %swap3A_210 = tpu.vector_load %arg18[%swap3A_209] {strides = array<i32>} : memref<2048xi32, #tpu.memory_space<vmem>>, vector<16xi32>,
      tpu.vector_store %arg18[%swap3A_209], %get3A_208 {strides = array<i32>} : memref<2048xi32, #tpu.memory_space<vmem>>, vector<16xi32>,
      %mul3A_211 = arith.constant 128 : i32
      %mul3A_212 = arith.muli %scan3A_131, %mul3A_211 : i32
      %add3A_213 = arith.constant 80 : i32
      %add3A_214 = arith.addi %mul3A_212, %add3A_213 : i32
      %get3A_215 = arith.constant 0 : i32
      %get3A_216 = arith.index_cast %get3A_215 : i32 to index
      %get3A_217 = arith.index_cast %add3A_214 : i32 to index
      %get3A_218 = tpu.vector_load %arg10[%get3A_216, %get3A_217] {strides = array<i32>} : memref<2x2048xi32, #tpu.memory_space<vmem>>, vector<16xi32>,
      %swap3A_219 = arith.index_cast %add3A_214 : i32 to index
      %swap3A_220 = tpu.vector_load %arg30[%swap3A_219] {strides = array<i32>} : memref<2048xi32, #tpu.memory_space<vmem>>, vector<16xi32>,
      tpu.vector_store %arg30[%swap3A_219], %get3A_218 {strides = array<i32>} : memref<2048xi32, #tpu.memory_space<vmem>>, vector<16xi32>,
      %get3A_221 = arith.constant 1 : i32
      %get3A_222 = arith.index_cast %get3A_221 : i32 to index
      %get3A_223 = arith.index_cast %add3A_214 : i32 to index
      %get3A_224 = tpu.vector_load %arg10[%get3A_222, %get3A_223] {strides = array<i32>} : memref<2x2048xi32, #tpu.memory_space<vmem>>, vector<16xi32>,
      %swap3A_225 = arith.index_cast %add3A_214 : i32 to index
      %swap3A_226 = tpu.vector_load %arg18[%swap3A_225] {strides = array<i32>} : memref<2048xi32, #tpu.memory_space<vmem>>, vector<16xi32>,
      tpu.vector_store %arg18[%swap3A_225], %get3A_224 {strides = array<i32>} : memref<2048xi32, #tpu.memory_space<vmem>>, vector<16xi32>,
      %mul3A_227 = arith.constant 128 : i32
      %mul3A_228 = arith.muli %scan3A_131, %mul3A_227 : i32
      %add3A_229 = arith.constant 96 : i32
      %add3A_230 = arith.addi %mul3A_228, %add3A_229 : i32
      %get3A_231 = arith.constant 0 : i32
      %get3A_232 = arith.index_cast %get3A_231 : i32 to index
      %get3A_233 = arith.index_cast %add3A_230 : i32 to index
      %get3A_234 = tpu.vector_load %arg10[%get3A_232, %get3A_233] {strides = array<i32>} : memref<2x2048xi32, #tpu.memory_space<vmem>>, vector<16xi32>,
      %swap3A_235 = arith.index_cast %add3A_230 : i32 to index
      %swap3A_236 = tpu.vector_load %arg30[%swap3A_235] {strides = array<i32>} : memref<2048xi32, #tpu.memory_space<vmem>>, vector<16xi32>,
      tpu.vector_store %arg30[%swap3A_235], %get3A_234 {strides = array<i32>} : memref<2048xi32, #tpu.memory_space<vmem>>, vector<16xi32>,
      %get3A_237 = arith.constant 1 : i32
      %get3A_238 = arith.index_cast %get3A_237 : i32 to index
      %get3A_239 = arith.index_cast %add3A_230 : i32 to index
      %get3A_240 = tpu.vector_load %arg10[%get3A_238, %get3A_239] {strides = array<i32>} : memref<2x2048xi32, #tpu.memory_space<vmem>>, vector<16xi32>,
      %swap3A_241 = arith.index_cast %add3A_230 : i32 to index
      %swap3A_242 = tpu.vector_load %arg18[%swap3A_241] {strides = array<i32>} : memref<2048xi32, #tpu.memory_space<vmem>>, vector<16xi32>,
      tpu.vector_store %arg18[%swap3A_241], %get3A_240 {strides = array<i32>} : memref<2048xi32, #tpu.memory_space<vmem>>, vector<16xi32>,
      %mul3A_243 = arith.constant 128 : i32
      %mul3A_244 = arith.muli %scan3A_131, %mul3A_243 : i32
      %add3A_245 = arith.constant 112 : i32
      %add3A_246 = arith.addi %mul3A_244, %add3A_245 : i32
      %get3A_247 = arith.constant 0 : i32
      %get3A_248 = arith.index_cast %get3A_247 : i32 to index
      %get3A_249 = arith.index_cast %add3A_246 : i32 to index
      %get3A_250 = tpu.vector_load %arg10[%get3A_248, %get3A_249] {strides = array<i32>} : memref<2x2048xi32, #tpu.memory_space<vmem>>, vector<16xi32>,
      %swap3A_251 = arith.index_cast %add3A_246 : i32 to index
      %swap3A_252 = tpu.vector_load %arg30[%swap3A_251] {strides = array<i32>} : memref<2048xi32, #tpu.memory_space<vmem>>, vector<16xi32>,
      tpu.vector_store %arg30[%swap3A_251], %get3A_250 {strides = array<i32>} : memref<2048xi32, #tpu.memory_space<vmem>>, vector<16xi32>,
      %get3A_253 = arith.constant 1 : i32
      %get3A_254 = arith.index_cast %get3A_253 : i32 to index
      %get3A_255 = arith.index_cast %add3A_246 : i32 to index
      %get3A_256 = tpu.vector_load %arg10[%get3A_254, %get3A_255] {strides = array<i32>} : memref<2x2048xi32, #tpu.memory_space<vmem>>, vector<16xi32>,
      %swap3A_257 = arith.index_cast %add3A_246 : i32 to index
      %swap3A_258 = tpu.vector_load %arg18[%swap3A_257] {strides = array<i32>} : memref<2048xi32, #tpu.memory_space<vmem>>, vector<16xi32>,
      tpu.vector_store %arg18[%swap3A_257], %get3A_256 {strides = array<i32>} : memref<2048xi32, #tpu.memory_space<vmem>>, vector<16xi32>,
    }
    %scan3A_95 = arith.constant 16 : i32
    %dma_start3A_96 = arith.constant 0 : i32
    %dma_start3A_97 = arith.constant 0 : i32
    %dma_start3A_98 = tpu.memref_slice %arg38[%dma_start3A_97] : memref<100096xf32, #tpu.memory_space<vmem_shared>> -> memref<100096xf32, #tpu.memory_space<vmem_shared>>
    %dma_start3A_99 = tpu.memref_slice %arg40[%dma_start3A_96] : memref<4x!tpu.dma_semaphore, #tpu.memory_space<semaphore_mem>> -> memref<1x!tpu.dma_semaphore, #tpu.memory_space<semaphore_mem>>
    %dma_start3A_100 = tpu.memref_squeeze %dma_start3A_99 : memref<1x!tpu.dma_semaphore, #tpu.memory_space<semaphore_mem>> -> memref<!tpu.dma_semaphore, #tpu.memory_space<semaphore_mem>>
    tpu.enqueue_indirect_dma source(%dma_start3A_98 : memref<100096xf32, #tpu.memory_space<vmem_shared>>) target(%arg26 : memref<2048xf32, #tpu.memory_space<vmem>>) offsets(%arg30 : memref<2048xi32, #tpu.memory_space<vmem>>) semaphore(%dma_start3A_100 : memref<!tpu.dma_semaphore, #tpu.memory_space<semaphore_mem>>)
    %dma_wait3A_101 = arith.constant 0 : i32
    %dma_wait3A_102 = arith.constant 0 : i32
    %dma_wait3A_103 = tpu.memref_slice %arg38[%dma_wait3A_102] : memref<100096xf32, #tpu.memory_space<vmem_shared>> -> memref<100096xf32, #tpu.memory_space<vmem_shared>>
    %dma_wait3A_104 = tpu.memref_slice %arg40[%dma_wait3A_101] : memref<4x!tpu.dma_semaphore, #tpu.memory_space<semaphore_mem>> -> memref<1x!tpu.dma_semaphore, #tpu.memory_space<semaphore_mem>>
    %dma_wait3A_105 = tpu.memref_squeeze %dma_wait3A_104 : memref<1x!tpu.dma_semaphore, #tpu.memory_space<semaphore_mem>> -> memref<!tpu.dma_semaphore, #tpu.memory_space<semaphore_mem>>
    tpu.wait_indirect_dma semaphore(%dma_wait3A_105 : memref<!tpu.dma_semaphore, #tpu.memory_space<semaphore_mem>>) src(%dma_wait3A_103 : memref<100096xf32, #tpu.memory_space<vmem_shared>>) dst(%arg26 : memref<2048xf32, #tpu.memory_space<vmem>>)
    %scan3A_106 = arith.constant 0 : i32
    %scan3A_107 = arith.constant 0 : i32
    %scan3A_108 = arith.constant 16 : i32
    %scan3A_109 = arith.addi %scan3A_107, %scan3A_108 : i32
    %scan3A_110 = arith.constant 1 : i32
    scf.for %scan3A_131 = %scan3A_107 to %scan3A_109 step %scan3A_110  : i32 {
      %mul3A_132 = arith.constant 128 : i32
      %mul3A_133 = arith.muli %scan3A_131, %mul3A_132 : i32
      %add3A_134 = arith.constant 0 : i32
      %add3A_135 = arith.addi %mul3A_133, %add3A_134 : i32
      %get3A_136 = arith.index_cast %add3A_135 : i32 to index
      %get3A_137 = tpu.vector_load %arg26[%get3A_136] {strides = array<i32>} : memref<2048xf32, #tpu.memory_space<vmem>>, vector<16xf32>,
      %get3A_138 = arith.index_cast %add3A_135 : i32 to index
      %get3A_139 = tpu.vector_load %arg14[%get3A_138] {strides = array<i32>} : memref<2048xf32, #tpu.memory_space<vmem>>, vector<16xf32>,
      %mul3A_140 = arith.mulf %get3A_139, %get3A_1 : vector<16xf32>
      %add3A_141 = arith.addf %mul3A_140, %get3A_3 : vector<16xf32>
      %mul3A_142 = arith.mulf %get3A_137, %add3A_141 : vector<16xf32>
      %swap3A = arith.index_cast %add3A_135 : i32 to index
      %swap3A_143 = tpu.vector_load %arg22[%swap3A] {strides = array<i32>} : memref<2048xf32, #tpu.memory_space<vmem>>, vector<16xf32>,
      tpu.vector_store %arg22[%swap3A], %mul3A_142 {strides = array<i32>} : memref<2048xf32, #tpu.memory_space<vmem>>, vector<16xf32>,
      %mul3A_144 = arith.constant 128 : i32
      %mul3A_145 = arith.muli %scan3A_131, %mul3A_144 : i32
      %add3A_146 = arith.constant 16 : i32
      %add3A_147 = arith.addi %mul3A_145, %add3A_146 : i32
      %get3A_148 = arith.index_cast %add3A_147 : i32 to index
      %get3A_149 = tpu.vector_load %arg26[%get3A_148] {strides = array<i32>} : memref<2048xf32, #tpu.memory_space<vmem>>, vector<16xf32>,
      %get3A_150 = arith.index_cast %add3A_147 : i32 to index
      %get3A_151 = tpu.vector_load %arg14[%get3A_150] {strides = array<i32>} : memref<2048xf32, #tpu.memory_space<vmem>>, vector<16xf32>,
      %mul3A_152 = arith.mulf %get3A_151, %get3A_1 : vector<16xf32>
      %add3A_153 = arith.addf %mul3A_152, %get3A_3 : vector<16xf32>
      %mul3A_154 = arith.mulf %get3A_149, %add3A_153 : vector<16xf32>
      %swap3A_155 = arith.index_cast %add3A_147 : i32 to index
      %swap3A_156 = tpu.vector_load %arg22[%swap3A_155] {strides = array<i32>} : memref<2048xf32, #tpu.memory_space<vmem>>, vector<16xf32>,
      tpu.vector_store %arg22[%swap3A_155], %mul3A_154 {strides = array<i32>} : memref<2048xf32, #tpu.memory_space<vmem>>, vector<16xf32>,
      %mul3A_157 = arith.constant 128 : i32
      %mul3A_158 = arith.muli %scan3A_131, %mul3A_157 : i32
      %add3A_159 = arith.constant 32 : i32
      %add3A_160 = arith.addi %mul3A_158, %add3A_159 : i32
      %get3A_161 = arith.index_cast %add3A_160 : i32 to index
      %get3A_162 = tpu.vector_load %arg26[%get3A_161] {strides = array<i32>} : memref<2048xf32, #tpu.memory_space<vmem>>, vector<16xf32>,
      %get3A_163 = arith.index_cast %add3A_160 : i32 to index
      %get3A_164 = tpu.vector_load %arg14[%get3A_163] {strides = array<i32>} : memref<2048xf32, #tpu.memory_space<vmem>>, vector<16xf32>,
      %mul3A_165 = arith.mulf %get3A_164, %get3A_1 : vector<16xf32>
      %add3A_166 = arith.addf %mul3A_165, %get3A_3 : vector<16xf32>
      %mul3A_167 = arith.mulf %get3A_162, %add3A_166 : vector<16xf32>
      %swap3A_168 = arith.index_cast %add3A_160 : i32 to index
      %swap3A_169 = tpu.vector_load %arg22[%swap3A_168] {strides = array<i32>} : memref<2048xf32, #tpu.memory_space<vmem>>, vector<16xf32>,
      tpu.vector_store %arg22[%swap3A_168], %mul3A_167 {strides = array<i32>} : memref<2048xf32, #tpu.memory_space<vmem>>, vector<16xf32>,
      %mul3A_170 = arith.constant 128 : i32
      %mul3A_171 = arith.muli %scan3A_131, %mul3A_170 : i32
      %add3A_172 = arith.constant 48 : i32
      %add3A_173 = arith.addi %mul3A_171, %add3A_172 : i32
      %get3A_174 = arith.index_cast %add3A_173 : i32 to index
      %get3A_175 = tpu.vector_load %arg26[%get3A_174] {strides = array<i32>} : memref<2048xf32, #tpu.memory_space<vmem>>, vector<16xf32>,
      %get3A_176 = arith.index_cast %add3A_173 : i32 to index
      %get3A_177 = tpu.vector_load %arg14[%get3A_176] {strides = array<i32>} : memref<2048xf32, #tpu.memory_space<vmem>>, vector<16xf32>,
      %mul3A_178 = arith.mulf %get3A_177, %get3A_1 : vector<16xf32>
      %add3A_179 = arith.addf %mul3A_178, %get3A_3 : vector<16xf32>
      %mul3A_180 = arith.mulf %get3A_175, %add3A_179 : vector<16xf32>
      %swap3A_181 = arith.index_cast %add3A_173 : i32 to index
      %swap3A_182 = tpu.vector_load %arg22[%swap3A_181] {strides = array<i32>} : memref<2048xf32, #tpu.memory_space<vmem>>, vector<16xf32>,
      tpu.vector_store %arg22[%swap3A_181], %mul3A_180 {strides = array<i32>} : memref<2048xf32, #tpu.memory_space<vmem>>, vector<16xf32>,
      %mul3A_183 = arith.constant 128 : i32
      %mul3A_184 = arith.muli %scan3A_131, %mul3A_183 : i32
      %add3A_185 = arith.constant 64 : i32
      %add3A_186 = arith.addi %mul3A_184, %add3A_185 : i32
      %get3A_187 = arith.index_cast %add3A_186 : i32 to index
      %get3A_188 = tpu.vector_load %arg26[%get3A_187] {strides = array<i32>} : memref<2048xf32, #tpu.memory_space<vmem>>, vector<16xf32>,
      %get3A_189 = arith.index_cast %add3A_186 : i32 to index
      %get3A_190 = tpu.vector_load %arg14[%get3A_189] {strides = array<i32>} : memref<2048xf32, #tpu.memory_space<vmem>>, vector<16xf32>,
      %mul3A_191 = arith.mulf %get3A_190, %get3A_1 : vector<16xf32>
      %add3A_192 = arith.addf %mul3A_191, %get3A_3 : vector<16xf32>
      %mul3A_193 = arith.mulf %get3A_188, %add3A_192 : vector<16xf32>
      %swap3A_194 = arith.index_cast %add3A_186 : i32 to index
      %swap3A_195 = tpu.vector_load %arg22[%swap3A_194] {strides = array<i32>} : memref<2048xf32, #tpu.memory_space<vmem>>, vector<16xf32>,
      tpu.vector_store %arg22[%swap3A_194], %mul3A_193 {strides = array<i32>} : memref<2048xf32, #tpu.memory_space<vmem>>, vector<16xf32>,
      %mul3A_196 = arith.constant 128 : i32
      %mul3A_197 = arith.muli %scan3A_131, %mul3A_196 : i32
      %add3A_198 = arith.constant 80 : i32
      %add3A_199 = arith.addi %mul3A_197, %add3A_198 : i32
      %get3A_200 = arith.index_cast %add3A_199 : i32 to index
      %get3A_201 = tpu.vector_load %arg26[%get3A_200] {strides = array<i32>} : memref<2048xf32, #tpu.memory_space<vmem>>, vector<16xf32>,
      %get3A_202 = arith.index_cast %add3A_199 : i32 to index
      %get3A_203 = tpu.vector_load %arg14[%get3A_202] {strides = array<i32>} : memref<2048xf32, #tpu.memory_space<vmem>>, vector<16xf32>,
      %mul3A_204 = arith.mulf %get3A_203, %get3A_1 : vector<16xf32>
      %add3A_205 = arith.addf %mul3A_204, %get3A_3 : vector<16xf32>
      %mul3A_206 = arith.mulf %get3A_201, %add3A_205 : vector<16xf32>
      %swap3A_207 = arith.index_cast %add3A_199 : i32 to index
      %swap3A_208 = tpu.vector_load %arg22[%swap3A_207] {strides = array<i32>} : memref<2048xf32, #tpu.memory_space<vmem>>, vector<16xf32>,
      tpu.vector_store %arg22[%swap3A_207], %mul3A_206 {strides = array<i32>} : memref<2048xf32, #tpu.memory_space<vmem>>, vector<16xf32>,
      %mul3A_209 = arith.constant 128 : i32
      %mul3A_210 = arith.muli %scan3A_131, %mul3A_209 : i32
      %add3A_211 = arith.constant 96 : i32
      %add3A_212 = arith.addi %mul3A_210, %add3A_211 : i32
      %get3A_213 = arith.index_cast %add3A_212 : i32 to index
      %get3A_214 = tpu.vector_load %arg26[%get3A_213] {strides = array<i32>} : memref<2048xf32, #tpu.memory_space<vmem>>, vector<16xf32>,
      %get3A_215 = arith.index_cast %add3A_212 : i32 to index
      %get3A_216 = tpu.vector_load %arg14[%get3A_215] {strides = array<i32>} : memref<2048xf32, #tpu.memory_space<vmem>>, vector<16xf32>,
      %mul3A_217 = arith.mulf %get3A_216, %get3A_1 : vector<16xf32>
      %add3A_218 = arith.addf %mul3A_217, %get3A_3 : vector<16xf32>
      %mul3A_219 = arith.mulf %get3A_214, %add3A_218 : vector<16xf32>
      %swap3A_220 = arith.index_cast %add3A_212 : i32 to index
      %swap3A_221 = tpu.vector_load %arg22[%swap3A_220] {strides = array<i32>} : memref<2048xf32, #tpu.memory_space<vmem>>, vector<16xf32>,
      tpu.vector_store %arg22[%swap3A_220], %mul3A_219 {strides = array<i32>} : memref<2048xf32, #tpu.memory_space<vmem>>, vector<16xf32>,
      %mul3A_222 = arith.constant 128 : i32
      %mul3A_223 = arith.muli %scan3A_131, %mul3A_222 : i32
      %add3A_224 = arith.constant 112 : i32
      %add3A_225 = arith.addi %mul3A_223, %add3A_224 : i32
      %get3A_226 = arith.index_cast %add3A_225 : i32 to index
      %get3A_227 = tpu.vector_load %arg26[%get3A_226] {strides = array<i32>} : memref<2048xf32, #tpu.memory_space<vmem>>, vector<16xf32>,
      %get3A_228 = arith.index_cast %add3A_225 : i32 to index
      %get3A_229 = tpu.vector_load %arg14[%get3A_228] {strides = array<i32>} : memref<2048xf32, #tpu.memory_space<vmem>>, vector<16xf32>,
      %mul3A_230 = arith.mulf %get3A_229, %get3A_1 : vector<16xf32>
      %add3A_231 = arith.addf %mul3A_230, %get3A_3 : vector<16xf32>
      %mul3A_232 = arith.mulf %get3A_227, %add3A_231 : vector<16xf32>
      %swap3A_233 = arith.index_cast %add3A_225 : i32 to index
      %swap3A_234 = tpu.vector_load %arg22[%swap3A_233] {strides = array<i32>} : memref<2048xf32, #tpu.memory_space<vmem>>, vector<16xf32>,
      tpu.vector_store %arg22[%swap3A_233], %mul3A_232 {strides = array<i32>} : memref<2048xf32, #tpu.memory_space<vmem>>, vector<16xf32>,
    }
    %scan3A_111 = arith.constant 16 : i32
    %dma_start3A_112 = arith.constant 0 : i32
    %dma_start3A_113 = arith.constant 0 : i32
    %dma_start3A_114 = tpu.memref_slice %arg37[%dma_start3A_113] : memref<100096xf32, #tpu.memory_space<vmem_shared>> -> memref<100096xf32, #tpu.memory_space<vmem_shared>>
    %dma_start3A_115 = tpu.memref_slice %arg41[%dma_start3A_112] : memref<4x!tpu.dma_semaphore, #tpu.memory_space<semaphore_mem>> -> memref<1x!tpu.dma_semaphore, #tpu.memory_space<semaphore_mem>>
    %dma_start3A_116 = tpu.memref_squeeze %dma_start3A_115 : memref<1x!tpu.dma_semaphore, #tpu.memory_space<semaphore_mem>> -> memref<!tpu.dma_semaphore, #tpu.memory_space<semaphore_mem>>
    tpu.enqueue_indirect_dma source(%arg22 : memref<2048xf32, #tpu.memory_space<vmem>>) target(%dma_start3A_114 : memref<100096xf32, #tpu.memory_space<vmem_shared>>) offsets(%arg18 : memref<2048xi32, #tpu.memory_space<vmem>>) semaphore(%dma_start3A_116 : memref<!tpu.dma_semaphore, #tpu.memory_space<semaphore_mem>>) {add = true}
    %dma_wait3A_117 = arith.constant 0 : i32
    %dma_wait3A_118 = arith.constant 0 : i32
    %dma_wait3A_119 = tpu.memref_slice %arg37[%dma_wait3A_118] : memref<100096xf32, #tpu.memory_space<vmem_shared>> -> memref<100096xf32, #tpu.memory_space<vmem_shared>>
    %dma_wait3A_120 = tpu.memref_slice %arg41[%dma_wait3A_117] : memref<4x!tpu.dma_semaphore, #tpu.memory_space<semaphore_mem>> -> memref<1x!tpu.dma_semaphore, #tpu.memory_space<semaphore_mem>>
    %dma_wait3A_121 = tpu.memref_squeeze %dma_wait3A_120 : memref<1x!tpu.dma_semaphore, #tpu.memory_space<semaphore_mem>> -> memref<!tpu.dma_semaphore, #tpu.memory_space<semaphore_mem>>
    tpu.wait_indirect_dma semaphore(%dma_wait3A_121 : memref<!tpu.dma_semaphore, #tpu.memory_space<semaphore_mem>>) src(%arg22 : memref<2048xf32, #tpu.memory_space<vmem>>) dst(%dma_wait3A_119 : memref<100096xf32, #tpu.memory_space<vmem_shared>>)
    %barrier3A_122 = arith.constant 0 : index
    tpu.barrier barrier_id(%barrier3A_122)
    %mul3A_123 = arith.constant 100096 : i32
    %mul3A_124 = arith.muli %arg0, %mul3A_123 : i32
    %mul3A_125 = arith.constant 6256 : i32
    %mul3A_126 = arith.muli %arg1, %mul3A_125 : i32
    %add3A_127 = arith.addi %mul3A_124, %mul3A_126 : i32
    %multiple_of3A_128 = tpu.assume_multiple %add3A_127, 8 : i32
    %mul3A_129 = arith.constant 6256 : i32
    %mul3A_130 = arith.muli %arg1, %mul3A_129 : i32
    "tpu.region"() ({
      %run_scoped3A = tpu.sem_alloc : memref<!tpu.dma_semaphore, #tpu.memory_space<semaphore_mem>>
      %dma_start3A_131 = tpu.memref_slice %arg37[%mul3A_130] : memref<100096xf32, #tpu.memory_space<vmem_shared>> -> memref<6256xf32, #tpu.memory_space<vmem_shared>>
      %dma_start3A_132 = tpu.memref_slice %arg37[%mul3A_130] : memref<100096xf32, #tpu.memory_space<vmem_shared>> -> memref<6256xf32, #tpu.memory_space<vmem_shared>>
      tpu.enqueue_dma source(%dma_start3A_132 : memref<6256xf32, #tpu.memory_space<vmem_shared>>) target(%arg34 : memref<6256xf32, #tpu.memory_space<vmem>>) target_semaphore(%run_scoped3A : memref<!tpu.dma_semaphore, #tpu.memory_space<semaphore_mem>>)
      %dma_wait3A_133 = tpu.memref_slice %arg37[%mul3A_130] : memref<100096xf32, #tpu.memory_space<vmem_shared>> -> memref<6256xf32, #tpu.memory_space<vmem_shared>>
      %dma_wait3A_134 = tpu.memref_slice %arg37[%mul3A_130] : memref<100096xf32, #tpu.memory_space<vmem_shared>> -> memref<6256xf32, #tpu.memory_space<vmem_shared>>
      tpu.wait_dma2 semaphore(%run_scoped3A : memref<!tpu.dma_semaphore, #tpu.memory_space<semaphore_mem>>) src(%dma_wait3A_134 : memref<6256xf32, #tpu.memory_space<vmem_shared>>) dst(%arg34 : memref<6256xf32, #tpu.memory_space<vmem>>)
      tpu.yield
    }) : () -> ()
    "tpu.region"() ({
      %run_scoped3A = tpu.sem_alloc : memref<!tpu.dma_semaphore, #tpu.memory_space<semaphore_mem>>
      %dma_start3A_131 = tpu.memref_slice %arg9[%multiple_of3A_128] : memref<200192xf32, #tpu.memory_space<hbm>> -> memref<6256xf32, #tpu.memory_space<hbm>>
      %dma_start3A_132 = tpu.memref_slice %arg9[%multiple_of3A_128] : memref<200192xf32, #tpu.memory_space<hbm>> -> memref<6256xf32, #tpu.memory_space<hbm>>
      tpu.enqueue_dma source(%arg34 : memref<6256xf32, #tpu.memory_space<vmem>>) target(%dma_start3A_132 : memref<6256xf32, #tpu.memory_space<hbm>>) target_semaphore(%run_scoped3A : memref<!tpu.dma_semaphore, #tpu.memory_space<semaphore_mem>>)
      %dma_wait3A_133 = tpu.memref_slice %arg9[%multiple_of3A_128] : memref<200192xf32, #tpu.memory_space<hbm>> -> memref<6256xf32, #tpu.memory_space<hbm>>
      %dma_wait3A_134 = tpu.memref_slice %arg9[%multiple_of3A_128] : memref<200192xf32, #tpu.memory_space<hbm>> -> memref<6256xf32, #tpu.memory_space<hbm>>
      tpu.wait_dma2 semaphore(%run_scoped3A : memref<!tpu.dma_semaphore, #tpu.memory_space<semaphore_mem>>) src(%arg34 : memref<6256xf32, #tpu.memory_space<vmem>>) dst(%dma_wait3A_134 : memref<6256xf32, #tpu.memory_space<hbm>>)
      tpu.yield
    }) : () -> ()
    return
  }
}

</mosaic_0001>

<sc_bundles>
// kernel: _sc_scatter.3.cloned.1.call-start
scs
__scs_entry_jumppad:
0x0: {  	(pc) =	sbr.rel $0x88, $3  }
0x1: {  	(tag) =	ssettag $0x0;
	lr =	simm.s32 $0x1  }
0x2: {  	[smem:$0x3F9A] =	sst lr;
	_ =	strace $0xD0000000  }
0x3: {  	_ = 	snop  }
0x4: {  	_ = 	snop  }
0x5: {  	_ = 	snop  }
0x6: {  	_ = 	snop  }
0x7: {  	_ = 	snop  }
__scs_overlays_trampoline_lowered:
0x8: {  	[smem:$0x3FA9] =	sst s0  }
0x9: {  	[smem:$0x3FAA] =	sst s1  }
0xa: {  	[smem:$0x3FAB] =	sst s2  }
0xb: {  	[smem:$0x3FAC] =	sst s3  }
0xc: {  	[smem:$0x3FAD] =	sst s4  }
0xd: {  	[smem:$0x3FAE] =	sst s5  }
0xe: {  	[smem:$0x3FAF] =	sst s6  }
0xf: {  	[smem:$0x3FB0] =	sst s7  }
0x10: {  	[smem:$0x3FB1] =	sst s8  }
0x11: {  	[smem:$0x3FB2] =	sst s9;
	s0 =	simm.s32 @!p0 $0x0  }
0x12: {  	s1 =	sld [smem:$0x3F98];
	s0 =	simm.s32 @p0 $0x1  }
0x13: {  	[smem:$0x3FB3] =	sst s0;
	s0 =	simm.s32 @!p1 $0x0  }
0x14: {  	s2 =	sld [smem:$0x3F97];
	s0 =	simm.s32 @p1 $0x1  }
0x15: {  	[smem:$0x3FB4] =	sst s0;
	s0 =	simm.s32 @!p2 $0x0  }
0x16: {  	s3 =	sld [smem:$0x3FDB];
	s0 =	simm.s32 @p2 $0x1  }
0x17: {  	s4 =	simm.s32 $0x1BF5;
	[smem:$0x3FB6] =	sst s0  }
0x18: {  	s0 =	sld [smem:$0x3F99];
	_ =	swait.ge [sflag:s4], $0x0  }
0x19: {  	s7 =	sld [smem:$0x3F9A]  }
0x1a: {  	s8 =	sadd.s32 $0xFFFFE003, lr  }
0x1b: {  	s9 =	sadd.s32 $0xFFFFFEF7, lr;
	s5 =	simm.s32 $0xFFFFFFFF;
	p2 =	slt.u32 s8, $0xFFFFF086  }
0x1c: {  	p1 =	slt.u32 s9, $0xF7A;
	s5 =	simm.s32 @!p2 $0x0  }
0x1d: {  	s5 =	simm.s32 @p1 $0x1;
	p0 =	seq.s32 s7, s2  }
0x1e: {  	s7 =	smul.u32 @!p0 $0xF7A, s2;
	p2 =	seq.s32 @!p0 s5, $0x0  }
0x1f: {  	s9 =	smul.u32 $0xF7A, s1;
	s8 =	simm.s32 @!p0 $0x1BF5;
	p2 =	por !p2, p0  }
0x20: {  	[sflag:s8] =	ssyncset.s32 @!p0 $0xFFFFF086;
	s6 =	sadd.s32 @!p0 s3, s7;
	s7 =	simm.s32 @!p0 $0x108  }
0x21: {  	s3 =	sadd.s32 s3, s9;
	s6 =	sadd.s32 @!p0 $0x88, s6;
	s7 =	simm.s32 @p2 $0x1082  }
0x22: {  	[simem:s7], [sflag:s8] =	dma.local @!p0 [hbm:s6], $0xF7A  }
0x23: {  	s9 =	sor.u32 $0xD0000000, s2;
	s6 =	simm.s32 $0x108;
	_ =	swait.ge @!p0 [sflag:s8], $0x0  }
0x24: {  	s3 =	sadd.s32 $0x88, s3;
	s6 =	simm.s32 @!p1 $0x1082;
	[sflag:s4] =	ssyncset.s32 $0xFFFFF086  }
0x25: {  	[simem:s6], [sflag:s4] =	dma.local [hbm:s3], $0xF7A  }
0x26: {  	[smem:$0x3F9A] =	sst s1;
	(tag) =	ssettag s2;
	_ =	strace s9  }
0x27: {  	s1 =	sld [smem:$0x3FAA]  }
0x28: {  	s2 =	sld [smem:$0x3FAB]  }
0x29: {  	s4 =	sld [smem:$0x3FAD]  }
0x2a: {  	p0 =	seq.s32 s5, $0x0;
	s5 =	sld [smem:$0x3FAE]  }
0x2b: {  	s6 =	sld [smem:$0x3FAF]  }
0x2c: {  	s7 =	sld [smem:$0x3FB0]  }
0x2d: {  	s3 =	simm.s32 $0x108;
	s8 =	sld [smem:$0x3FB1]  }
0x2e: {  	s3 =	simm.s32 @!p0 $0x1082;
	s9 =	sld [smem:$0x3FB2]  }
0x2f: {  	lr =	sadd.s32 s0, s3;
	s0 =	sld [smem:$0x3FA9]  }
0x30: {  	s3 =	sld [smem:$0x3FAC]  }
0x31: {  	[smem:$0x3FB5] =	sst s10  }
0x32: {  	s10 =	sld [smem:$0x3FB3];
	_ =	sdelay $0x3  }
0x33: {  	p0 =	seq.s32 s10, $0x1;
	s10 =	sld [smem:$0x3FB5];
	_ =	sdelay $0x3  }
0x34: {  	[smem:$0x3FB5] =	sst s10  }
0x35: {  	s10 =	sld [smem:$0x3FB4];
	_ =	sdelay $0x3  }
0x36: {  	p1 =	seq.s32 s10, $0x1;
	s10 =	sld [smem:$0x3FB5];
	_ =	sdelay $0x3  }
0x37: {  	[smem:$0x3FB5] =	sst s10  }
0x38: {  	s10 =	sld [smem:$0x3FB6]  }
0x39: {  	_ = 	snop;
	(pc) =	sbr.ind lr, $3  }
0x3a: {  	_ = 	snop  }
0x3b: {  	_ = 	snop  }
0x3c: {  	p2 =	seq.s32 s10, $0x1;
	s10 =	sld [smem:$0x3FB5]  }
0x3d: {  	_ =	shalt  }
0x3e: {  	_ =	shalt  }
0x3f: {  	_ =	shalt  }
0x40: {  	_ =	shalt  }
0x41: {  	_ =	shalt  }
0x42: {  	_ =	shalt  }
0x43: {  	_ =	shalt  }
0x44: {  	_ =	shalt  }
0x45: {  	_ =	shalt  }
0x46: {  	_ =	shalt  }
0x47: {  	_ =	shalt  }
0x48: {  	_ =	shalt  }
0x49: {  	_ =	shalt  }
0x4a: {  	_ =	shalt  }
0x4b: {  	_ =	shalt  }
0x4c: {  	_ =	shalt  }
0x4d: {  	_ =	shalt  }
0x4e: {  	_ =	shalt  }
0x4f: {  	_ =	shalt  }
0x50: {  	_ =	shalt  }
0x51: {  	_ =	shalt  }
0x52: {  	_ =	shalt  }
0x53: {  	_ =	shalt  }
0x54: {  	_ =	shalt  }
0x55: {  	_ =	shalt  }
0x56: {  	_ =	shalt  }
0x57: {  	_ =	shalt  }
0x58: {  	_ =	shalt  }
0x59: {  	_ =	shalt  }
0x5a: {  	_ =	shalt  }
0x5b: {  	_ =	shalt  }
0x5c: {  	_ =	shalt  }
0x5d: {  	_ =	shalt  }
0x5e: {  	_ =	shalt  }
0x5f: {  	_ =	shalt  }
0x60: {  	_ =	shalt  }
0x61: {  	_ =	shalt  }
0x62: {  	_ =	shalt  }
0x63: {  	_ =	shalt  }
0x64: {  	_ =	shalt  }
0x65: {  	_ =	shalt  }
0x66: {  	_ =	shalt  }
0x67: {  	_ =	shalt  }
0x68: {  	_ =	shalt  }
0x69: {  	_ =	shalt  }
0x6a: {  	_ =	shalt  }
0x6b: {  	_ =	shalt  }
0x6c: {  	_ =	shalt  }
0x6d: {  	_ =	shalt  }
0x6e: {  	_ =	shalt  }
0x6f: {  	_ =	shalt  }
0x70: {  	_ =	shalt  }
0x71: {  	_ =	shalt  }
0x72: {  	_ =	shalt  }
0x73: {  	_ =	shalt  }
0x74: {  	_ =	shalt  }
0x75: {  	_ =	shalt  }
0x76: {  	_ =	shalt  }
0x77: {  	_ =	shalt  }
0x78: {  	_ =	shalt  }
0x79: {  	_ =	shalt  }
0x7a: {  	_ =	shalt  }
0x7b: {  	_ =	shalt  }
0x7c: {  	_ =	shalt  }
0x7d: {  	_ =	shalt  }
0x7e: {  	_ =	shalt  }
0x7f: {  	_ =	shalt  }
0x80: {  	_ =	shalt  }
0x81: {  	_ =	shalt  }
0x82: {  	_ =	shalt  }
0x83: {  	_ =	shalt  }
0x84: {  	_ =	shalt  }
0x85: {  	_ =	shalt  }
0x86: {  	_ =	shalt  }
0x87: {  	_ =	shalt  }
.Lfunc_end0:
.L_simem_size_0:
called_computation_lowered:
.L_overlay_start_0:
0x88: {  	s2 =	sld [smem:$0x3FD9]  }
0x89: {  	s3 =	sld [smem:$0x3FFE];
	_ =	sdelay $0x1  }
0x8a: {  	s1 =	srdreg.scid  }
0x8b: {  	s0 =	sand.u32 $0x1, s1  }
0x8c: {  	s18 =	sshll.u32 s0, $0xA;
	s2 =	sadd.s32 s3, s2  }
0x8d: {  	s2 =	sadd.s32 s2, s18  }
0x8e: {  	[smem:$0x3FC1] =	sst s2  }
0x8f: {  	_ = 	snop  }
0x90: {  	s2 =	sld [smem:$0x3FC9]  }
0x91: {  	s19 =	sld [smem:$0x3FC8]  }
0x92: {  	s4 =	sld [smem:$0x3FC7]  }
0x93: {  	s5 =	sld [smem:$0x3FC6]  }
0x94: {  	s6 =	sld [smem:$0x3FC5]  }
0x95: {  	s7 =	sld [smem:$0x3FC4]  }
0x96: {  	s8 =	sld [smem:$0x3FC3]  }
0x97: {  	s9 =	sld [smem:$0x3FD0];
	(tm) =	ssettm $0x1  }
0x98: {  	s10 =	sld [smem:$0x3FFB];
	_ =	sdelay $0x3  }
0x99: {  	_ =	strace s10  }
0x9a: {  	s10 =	sld [smem:$0x3FFC];
	_ =	sdelay $0x3  }
0x9b: {  	_ =	strace s10  }
0x9c: {  	s10 =	sld [smem:$0x3FFD];
	_ =	sdelay $0x3  }
0x9d: {  	_ =	strace s10  }
0x9e: {  	_ =	strace $0x8FFFFFFF  }
0x9f: {  	s20 =	sld [smem:$0x3FDB];
	_ =	sdelay $0x1  }
0xa0: {  	s11 =	simm.s32 $_scs_section_size  }
0xa1: {  	s12 =	simm.s32 $_size__tile_overlayer_lowered;
	s13 =	simm.s32 $_tile_overlayer_lowered  }
0xa2: {  	s23 =	simm.s32 $0x1BFF;
	s22 =	sshll.u32 s13, $0x1;
	s10 =	sadd.s32 s11, s20  }
0xa3: {  	s14 =	simm.s32 $0x0;
	s21 =	sshll.u32 s12, $0x1;
	s12 =	sadd.s32 s22, s10  }
0xa4: {  	[timem:s14], [sflag:s23] =	dma.local [hbm:s12], s21  }
0xa5: {  	_ =	swait.ge [sflag:s23], s21  }
0xa6: {  	s11 =	ssub.s32 $0x0, s21;
	[sflag:s23] =	ssyncset.done $0x0  }
0xa7: {  	[sflag:s23] =	ssyncadd.s32 s11;
	_ =	sdelay $0x1  }
0xa8: {  	s24 =	simm.s32 $0x1B8B  }
0xa9: {  	_ =	swait.ge [sflag:s24], $0x1  }
0xaa: {  	[sflag:s24] =	ssyncset.done $0x0  }
0xab: {  	s25 =	simm.s32 $0x1B8E;
	[sflag:s24] =	ssyncadd.s32 $0xFFFFFFFF  }
0xac: {  	s26 =	simm.s32 $execute0_lowered;
	[smem:$0x3FD2] =	sst s25  }
0xad: {  	s11 =	sshll.u32 s26, $0x1;
	_ =	strace $0x80000046;
	[dreg:$0x1] =	wrdreg $0xFFFFFFFF  }
0xae: {  	s28 =	simm.s32 $_size_execute0_lowered;
	s10 =	sadd.s32 s10, s11;
	[dreg:$0x0] =	wrdreg $0x0  }
0xaf: {  	s11 =	sshll.u32 s28, $0x1;
	[dreg:$0x2] =	wrdreg s10  }
0xb0: {  	[dreg:$0x3] =	wrdreg s11  }
0xb1: {  	[dreg:$0x4] =	wrdreg $0xC0  }
0xb2: {  	_ =	task [dreg:s14], $0x5FFFF  }
0xb3: {  	[dreg:$0x1] =	wrdreg $0xFFFFFFFF  }
0xb4: {  	[dreg:$0x0] =	wrdreg $0x60  }
0xb5: {  	[dreg:$0x2] =	wrdreg s2  }
0xb6: {  	[dreg:$0x3] =	wrdreg s19  }
0xb7: {  	[dreg:$0x4] =	wrdreg s4  }
0xb8: {  	[dreg:$0x5] =	wrdreg s5  }
0xb9: {  	[dreg:$0x6] =	wrdreg s6  }
0xba: {  	[dreg:$0x7] =	wrdreg s7  }
0xbb: {  	[dreg:$0x8] =	wrdreg s8  }
0xbc: {  	[dreg:$0x9] =	wrdreg s9  }
0xbd: {  	[dreg:$0xa] =	wrdreg $0xF9800  }
0xbe: {  	[dreg:$0xb] =	wrdreg $0x111F00  }
0xbf: {  	[dreg:$0xc] =	wrdreg $0x9  }
0xc0: {  	_ =	task.clear_ibuf [dreg:s14], $0xDFFFF;
	_ =	strace $0x90000046  }
0xc1: {  	s29 =	simm.s32 $0x9;
	_ =	strace $0x80000048  }
0xc2: {  	_ =	swait.ge [sflag:s29], $0x1  }
0xc3: {  	[sflag:s29] =	ssyncadd.s32 $0xFFFFFFFF  }
0xc4: {  	_ =	strace $0x90000048  }
0xc5: {  	_ =	sfence  }
0xc6: {  	s30 =	sld [smem:$0x0];
	_ =	sdelay $0x2  }
0xc7: {  	s31 =	sshll.u32 s1, $0xD;
	s1 =	sshrl.u32 s1, $0x2  }
0xc8: {  	s3 =	sand.u32 $0x4000, s31;
	s1 =	sadd.s32 s1, s30  }
0xc9: {  	s0 =	sor.u32 s3, s0;
	s1 =	sshll.u32 s1, $0x11  }
0xca: {  	s0 =	sor.u32 s1, s0  }
0xcb: {  	s0 =	sadd.s32 $0x8F2B, s0  }
0xcc: {  	[sflag:s0] =	ssyncadd.remote.s32 $0x1  }
0xcd: {  	_ =	sfence.sel $0xFFFF  }
0xce: {  	[dreg:$0x0] =	wrdreg $0xFFFFFFFF;
	(pc) =	sbr.abs _section_cstart, $3  }
0xcf: {  	[dreg:$0x1] =	wrdreg $0xFFFFFFFF  }
0xd0: {  	_ =	task.clear_ibuf [dreg:s14], $0x2FFFF;
	_ =	strace $0x9FFFFFFF  }
0xd1: {  	(tm) =	ssettm $0x7FFFFFFF  }
tec
execute0_lowered:
.L_overlay_start_1:
0x0: {  	(tag) =	ssettag $0x1  }
0x1: {  	s0 =	rddreg [dreg:$0x0]  }
0x2: {  	s1 =	rddreg [dreg:$0x1]  }
0x3: {  	s2 =	rddreg [dreg:$0x2]  }
0x4: {  	s3 =	rddreg [dreg:$0x3]  }
0x5: {  	s4 =	rddreg [dreg:$0x4]  }
0x6: {  	s7 =	rddreg [dreg:$0x7]  }
0x7: {  	s5 =	rddreg [dreg:$0x8]  }
0x8: {  	s6 =	rddreg [dreg:$0x9];
	s9 =	srdreg.scid;
	s8 =	simm.s32 $0x0  }
0x9: {  	s16 =	stileid.u32;
	s29 =	simm.s32 $0x2;
	s28 =	simm.s32 $0x6  }
0xa: {  	s30 =	simm.s32 $0x4;
	s18 =	simm.s32 $0x8;
	s9 =	sand.u32 $0x1, s9  }
0xb: {  	[smem:$0x7FF] =	sst s8;
	s13 =	smul.u32 $0x1870, s16;
	p0 =	seq.s32 s16, $0xF  }
0xc: {  	s10 =	ssub.s32 $0x2, s9;
	s12 =	sshll.u32 s9, $0x4;
	_ =	strace $0x80000047  }
0xd: {  	s9 =	smul.u32 $0x18700, s9;
	s11 =	sshrl.u32 s10, $0x1;
	s12 =	sor.u32 s16, s12  }
0xe: {  	s17 =	sadd.s32 s13, s5;
	s14 =	sshrl.u32 s13, $0x3;
	s19 =	sadd.s32 s13, s6  }
0xf: {  	s16 =	simm.s32 $0x8000;
	s11 =	ssub.s32 s10, s11;
	s10 =	smul.u32 $0x18000, s12  }
0x10: {  	s14 =	sadd.s32 s4, s14;
	[dreg:$0xd] =	wrdreg s19;
	s20 =	smul.u32 $0x6000, s12  }
0x11: {  	s4 =	sadd.s32 $0x2DD2, s4;
	s24 =	sshll.u32 s12, $0x9;
	[dreg:$0xb] =	wrdreg s17  }
0x12: {  	s25 =	sadd.s32 s13, s9;
	s26 =	sshll.u32 s12, $0x8;
	[dreg:$0xc] =	wrdreg s14  }
0x13: {  	s9 =	simm.s32 $0x9;
	s13 =	simm.s32 $0x0;
	[dreg:$0xe] =	wrdreg s4  }
0x14: {  	s2 =	sadd.s32 s2, s24;
	s3 =	sadd.s32 s3, s26;
	s31 =	smax.u32 s11, $0x1  }
0x15: {  	s24 =	simm.s32 $0xD;
	s26 =	simm.s32 $0x7;
	s11 =	simm.s32 $0xA  }
0x16: {  	s21 =	sshrl.u32 s10, $0x3;
	s15 =	sshrl.u32 s10, $0x7;
	[dreg:$0x13] =	wrdreg s2  }
0x17: {  	s14 =	sadd.s32 s0, s20;
	s19 =	sor.u32 $0x2000, s10;
	[dreg:$0x14] =	wrdreg s3  }
0x18: {  	s20 =	sor.u32 $0x2800, s10;
	s2 =	sshrl.u32 s25, $0x3;
	[dreg:$0x16] =	wrdreg s31  }
0x19: {  	s3 =	simm.s32 $0xC000;
	[dreg:$0xf] =	wrdreg s14;
	s4 =	sadd.s32 s1, s21  }
0x1a: {  	s22 =	sor.u32 $0x10, s15;
	s2 =	sadd.s32 s7, s2;
	s7 =	simm.s32 $0x800  }
0x1b: {  	s15 =	simm.s32 $0x6000;
	s21 =	simm.s32 $0x3;
	[dreg:$0x10] =	wrdreg s4  }
0x1c: {  	s23 =	sshll.u32 s22, $0x5;
	s4 =	sshll.u32 s22, $0x4;
	[dreg:$0x15] =	wrdreg s2  }
0x1d: {  	s2 =	simm.s32 $0x1;
	s22 =	simm.s32 $0xB;
	s14 =	sadd.s32 s0, s23  }
0x1e: {  	s4 =	sadd.s32 s1, s4;
	s23 =	simm.s32 $0xE000;
	[dreg:$0x11] =	wrdreg s14  }
0x1f: {  	v0 =	vimm.f32 $0.0e+00;
	[dreg:$0x12] =	wrdreg s4;
	s4 =	simm.s32 $0xA000;
	s14 =	simm.s32 $0x5  }
.LBB2_1:
0x20: {  	[dreg:$0x17] =	wrdreg s13  }
0x21: {  	s12 =	rddreg [dreg:$0x5];
	s31 =	simm.s32 $0xF880  }
0x22: {  	[tilespmem:s31], [sflag:$0xD] =	stream.linear.gather [hbm4b:s12+s8], $0x80, $0x38;
	[tilespmem:$0x12A60] =	vst v63  }
0x23: {  	_ =	swait.ge [sflag:s24], $0x80  }
0x24: {  	[sflag:s24] =	ssyncset.done $0x0  }
0x25: {  	[sflag:s24] =	ssyncadd.s32 $0xFFFFFF80  }
0x26: {  	s31 =	simm.s32 $0xF900;
	s25 =	rddreg [dreg:$0x6]  }
0x27: {  	[tilespmem:s31], [sflag:$0xD] =	stream.linear.gather [hbm4b:s25+s8], $0x80, $0x38;
	[tilespmem:$0x12A60] =	vst v63  }
0x28: {  	_ =	swait.ge [sflag:s24], $0x80  }
0x29: {  	[sflag:s24] =	ssyncset.done $0x0  }
0x2a: {  	[sflag:s24] =	ssyncadd.s32 $0xFFFFFF80  }
0x2b: {  	v2 =	vld [tilespmem:$0xF880]  }
0x2c: {  	s13 =	simm.s32 $0x0;
	s12 =	simm.s32 $0x40;
	v1 =	vld [tilespmem:$0xF900]  }
.LBB2_2:
0x2d: {  	p1 =	sne.s32 s12, $0x6180;
	[tilespmem:s13+$0xE000] =	vst v0;
	s13 =	smov.u32 s12;
	s12 =	sadd.s32 $0x40, s12  }
.Ltmp0:
0x2e: {  	(pc) =	sbr.rel @p1 .LBB2_2-.Ltmp0, $2  }
0x2f: {  	_ =	sdelay $0x2  }
0x30: {  	s13 =	sshra.s32 s13, $0x2  }
0x31: {  	[tilespmem:s13+$0xE000] =	vst v0  }
0x32: {  	[spmem:s17] =	stream.linear.scatter [tilespmem:s23], [sflag:$0xD], $0x1870, $0x38;
	[tilespmem:$0x12A60] =	vst v63  }
0x33: {  	_ =	swait.ge [sflag:s24], $0x1870  }
0x34: {  	s12 =	simm.s32 @p0 $0x0;
	[sflag:s24] =	ssyncset.done $0x0  }
0x35: {  	s13 =	simm.s32 @p0 $0xE000;
	s17 =	rddreg [dreg:$0xe];
	[sflag:s24] =	ssyncadd.s32 $0xFFFFE790  }
0x36: {  	[tilespmem:s13], [sflag:$0xD] =	stream.linear.gather @p0 [hbm4b:s17+s12], $0x1820, $0x38;
	[tilespmem:$0x12A60] =	vst v63  }
0x37: {  	s12 =	simm.s32 @p0 $0xD  }
0x38: {  	_ =	swait.ge @p0 [sflag:s12], $0x1820  }
0x39: {  	[sflag:s12] =	ssyncset.done @p0 $0x0  }
0x3a: {  	s23 =	rddreg [dreg:$0xd];
	[sflag:s12] =	ssyncadd.s32 @p0 $0xFFFFE7E0  }
0x3b: {  	[spmem:s23] =	stream.linear.scatter @p0 [tilespmem:s13], [sflag:$0xD], $0x1820, $0x38;
	[tilespmem:$0x12A60] =	vst v63  }
0x3c: {  	_ =	swait.ge @p0 [sflag:s12], $0x1820  }
0x3d: {  	s13 =	simm.s32 @!p0 $0xE000;
	[sflag:s12] =	ssyncset.done @p0 $0x0  }
0x3e: {  	s17 =	rddreg [dreg:$0xc];
	[sflag:s12] =	ssyncadd.s32 @p0 $0xFFFFE7E0;
	s12 =	simm.s32 @!p0 $0x0  }
0x3f: {  	[tilespmem:s13], [sflag:$0xD] =	stream.linear.gather @!p0 [hbm4b:s17+s12], $0x1870, $0x38;
	[tilespmem:$0x12A60] =	vst v63  }
0x40: {  	s12 =	simm.s32 @!p0 $0xD  }
0x41: {  	_ =	swait.ge @!p0 [sflag:s12], $0x1870  }
0x42: {  	[sflag:s12] =	ssyncset.done @!p0 $0x0  }
0x43: {  	[sflag:s12] =	ssyncadd.s32 @!p0 $0xFFFFE790  }
0x44: {  	[spmem:s23] =	stream.linear.scatter @!p0 [tilespmem:s13], [sflag:$0xD], $0x1870, $0x38;
	[tilespmem:$0x12A60] =	vst v63  }
0x45: {  	_ =	swait.ge @!p0 [sflag:s12], $0x1870  }
0x46: {  	[sflag:s12] =	ssyncset.done @!p0 $0x0  }
0x47: {  	[sflag:s12] =	ssyncadd.s32 @!p0 $0xFFFFE790  }
0x48: {  	[bflag:$0x0] =	sbarrier.arrive $0xFFFF  }
0x49: {  	s23 =	simm.s32 $0x0;
	s24 =	rddreg [dreg:$0xf]  }
0x4a: {  	[tilespmem:s23], [sflag:$0x1] =	stream.linear.gather [hbm4b:s24+s23], $0x1000, $0x38;
	[tilespmem:$0x12A60] =	vst v63  }
0x4b: {  	s31 =	simm.s32 $0x4000;
	s25 =	rddreg [dreg:$0x10]  }
0x4c: {  	[tilespmem:s31], [sflag:$0x1] =	stream.linear.gather [hbm4b:s25+s23], $0x800, $0x38;
	[tilespmem:$0x12A60] =	vst v63  }
0x4d: {  	s17 =	rddreg [dreg:$0x11];
	s24 =	simm.s32 $0x1000  }
0x4e: {  	[tilespmem:s24], [sflag:$0x2] =	stream.linear.gather [hbm4b:s17+s23], $0x1000, $0x38;
	[tilespmem:$0x12A60] =	vst v63  }
0x4f: {  	s25 =	rddreg [dreg:$0x12];
	s31 =	simm.s32 $0x4800  }
0x50: {  	[tilespmem:s31], [sflag:$0x2] =	stream.linear.gather [hbm4b:s25+s23], $0x800, $0x38;
	[tilespmem:$0x12A60] =	vst v63  }
.LBB2_4:
0x51: {  	_ =	swait.ge [sflag:s2], $0x1000  }
0x52: {  	[sflag:s2] =	ssyncset.done $0x0  }
0x53: {  	[sflag:s2] =	ssyncadd.s32 $0xFFFFF000  }
0x54: {  	_ =	swait.ge [sflag:s2], $0x800  }
0x55: {  	[sflag:s2] =	ssyncset.done $0x0  }
0x56: {  	s12 =	simm.s32 $0x80;
	[sflag:s2] =	ssyncadd.s32 $0xFFFFF800  }
0x57: {  	s24 =	simm.s32 $0x200;
	s25 =	simm.s32 $0x0;
	v3 =	vld [tilespmem:s12+$0xFFFFFF80]  }
.LBB2_5:
0x58: {  	p1 =	sne.s32 s24, $0x1E00;
	_ =	sdelay $0x2  }
0x59: {  	s13 =	sshra.s32 s25, $0x2;
	s25 =	smov.u32 s24  }
0x5a: {  	[tilespmem:s13+$0xC000] =	vst v3  }
0x5b: {  	v3 =	vld [tilespmem:s12+$0x0];
	_ =	sdelay $0x4  }
0x5c: {  	[tilespmem:s13+$0x6000] =	vst v3  }
0x5d: {  	v3 =	vld [tilespmem:s12+$0xFFFFFF90];
	_ =	sdelay $0x4  }
0x5e: {  	[tilespmem:s13+$0xC010] =	vst v3  }
0x5f: {  	v3 =	vld [tilespmem:s12+$0x10];
	_ =	sdelay $0x4  }
0x60: {  	[tilespmem:s13+$0x6010] =	vst v3  }
0x61: {  	v3 =	vld [tilespmem:s12+$0xFFFFFFA0];
	_ =	sdelay $0x4  }
0x62: {  	[tilespmem:s13+$0xC020] =	vst v3  }
0x63: {  	v3 =	vld [tilespmem:s12+$0x20];
	_ =	sdelay $0x4  }
0x64: {  	[tilespmem:s13+$0x6020] =	vst v3  }
0x65: {  	v3 =	vld [tilespmem:s12+$0xFFFFFFB0];
	_ =	sdelay $0x4  }
0x66: {  	[tilespmem:s13+$0xC030] =	vst v3  }
0x67: {  	v3 =	vld [tilespmem:s12+$0x30];
	_ =	sdelay $0x4  }
0x68: {  	[tilespmem:s13+$0x6030] =	vst v3  }
0x69: {  	v3 =	vld [tilespmem:s12+$0xFFFFFFC0];
	_ =	sdelay $0x4  }
0x6a: {  	[tilespmem:s13+$0xC040] =	vst v3  }
0x6b: {  	v3 =	vld [tilespmem:s12+$0x40];
	_ =	sdelay $0x4  }
0x6c: {  	[tilespmem:s13+$0x6040] =	vst v3  }
0x6d: {  	v3 =	vld [tilespmem:s12+$0xFFFFFFD0];
	_ =	sdelay $0x4  }
0x6e: {  	[tilespmem:s13+$0xC050] =	vst v3  }
0x6f: {  	v3 =	vld [tilespmem:s12+$0x50];
	_ =	sdelay $0x4  }
0x70: {  	[tilespmem:s13+$0x6050] =	vst v3  }
0x71: {  	v3 =	vld [tilespmem:s12+$0xFFFFFFE0];
	_ =	sdelay $0x4  }
0x72: {  	[tilespmem:s13+$0xC060] =	vst v3  }
0x73: {  	v3 =	vld [tilespmem:s12+$0x60];
	_ =	sdelay $0x4  }
0x74: {  	[tilespmem:s13+$0x6060] =	vst v3  }
0x75: {  	v3 =	vld [tilespmem:s12+$0xFFFFFFF0];
	_ =	sdelay $0x4  }
0x76: {  	[tilespmem:s13+$0xC070] =	vst v3  }
0x77: {  	v3 =	vld [tilespmem:s12+$0x70];
	_ =	sdelay $0x1  }
.Ltmp1:
0x78: {  	(pc) =	sbr.rel @p1 .LBB2_5-.Ltmp1, $3  }
0x79: {  	_ =	sdelay $0x1  }
0x7a: {  	s12 =	sadd.s32 $0x100, s12;
	[tilespmem:s13+$0x6070] =	vst v3  }
0x7b: {  	s24 =	sadd.s32 $0x200, s24;
	v3 =	vld [tilespmem:s12+$0xFFFFFF80]  }
0x7c: {  	_ =	sdelay $0x2  }
0x7d: {  	s13 =	sshra.s32 s25, $0x2  }
0x7e: {  	[tilespmem:s13+$0xC000] =	vst v3  }
0x7f: {  	v3 =	vld [tilespmem:s12+$0x0];
	_ =	sdelay $0x4  }
0x80: {  	[tilespmem:s13+$0x6000] =	vst v3  }
0x81: {  	v3 =	vld [tilespmem:s12+$0xFFFFFF90];
	_ =	sdelay $0x4  }
0x82: {  	[tilespmem:s13+$0xC010] =	vst v3  }
0x83: {  	v3 =	vld [tilespmem:s12+$0x10];
	_ =	sdelay $0x4  }
0x84: {  	[tilespmem:s13+$0x6010] =	vst v3  }
0x85: {  	v3 =	vld [tilespmem:s12+$0xFFFFFFA0];
	_ =	sdelay $0x4  }
0x86: {  	[tilespmem:s13+$0xC020] =	vst v3  }
0x87: {  	v3 =	vld [tilespmem:s12+$0x20];
	_ =	sdelay $0x4  }
0x88: {  	[tilespmem:s13+$0x6020] =	vst v3  }
0x89: {  	v3 =	vld [tilespmem:s12+$0xFFFFFFB0];
	_ =	sdelay $0x4  }
0x8a: {  	[tilespmem:s13+$0xC030] =	vst v3  }
0x8b: {  	v3 =	vld [tilespmem:s12+$0x30];
	_ =	sdelay $0x4  }
0x8c: {  	[tilespmem:s13+$0x6030] =	vst v3  }
0x8d: {  	v3 =	vld [tilespmem:s12+$0xFFFFFFC0];
	_ =	sdelay $0x4  }
0x8e: {  	[tilespmem:s13+$0xC040] =	vst v3  }
0x8f: {  	v3 =	vld [tilespmem:s12+$0x40];
	_ =	sdelay $0x4  }
0x90: {  	[tilespmem:s13+$0x6040] =	vst v3  }
0x91: {  	v3 =	vld [tilespmem:s12+$0xFFFFFFD0];
	_ =	sdelay $0x4  }
0x92: {  	[tilespmem:s13+$0xC050] =	vst v3  }
0x93: {  	v3 =	vld [tilespmem:s12+$0x50];
	_ =	sdelay $0x4  }
0x94: {  	[tilespmem:s13+$0x6050] =	vst v3  }
0x95: {  	v3 =	vld [tilespmem:s12+$0xFFFFFFE0];
	_ =	sdelay $0x4  }
0x96: {  	[tilespmem:s13+$0xC060] =	vst v3  }
0x97: {  	v3 =	vld [tilespmem:s12+$0x60];
	_ =	sdelay $0x4  }
0x98: {  	[tilespmem:s13+$0x6060] =	vst v3  }
0x99: {  	v3 =	vld [tilespmem:s12+$0xFFFFFFF0];
	_ =	sdelay $0x4  }
0x9a: {  	[tilespmem:s13+$0xC070] =	vst v3  }
0x9b: {  	v3 =	vld [tilespmem:s12+$0x70]  }
0x9c: {  	p1 =	seq.s32 s23, $0x0  }
.Ltmp2:
0x9d: {  	_ = 	snop;
	(pc) =	sbr.rel @p1 .LBB2_10-.Ltmp2, $3  }
0x9e: {  	_ =	sdelay $0x1  }
0x9f: {  	[tilespmem:s13+$0x6070] =	vst v3  }
0xa0: {  	[tilespmem:s4], [sflag:$0x5] =	stream.indirect.gather [spmem:s6], $0x1, s3, s7, $0xb8;
	[tilespmem:$0x12A60] =	vst v63  }
0xa1: {  	_ =	swait.ge [sflag:s18], $0x800  }
0xa2: {  	[sflag:s18] =	ssyncset.done $0x0  }
0xa3: {  	s12 =	simm.s32 $0x0;
	[sflag:s18] =	ssyncadd.s32 $0xFFFFF800  }
0xa4: {  	v3 =	vld [tilespmem:s12+$0x5870]  }
0xa5: {  	v4 =	vld [tilespmem:s12+$0x5800]  }
0xa6: {  	v5 =	vld [tilespmem:s12+$0x5810]  }
0xa7: {  	v6 =	vld [tilespmem:s12+$0x5820]  }
0xa8: {  	v7 =	vld [tilespmem:s12+$0xB870]  }
0xa9: {  	v8 =	vld [tilespmem:s12+$0x5830]  }
0xaa: {  	v11 =	vld [tilespmem:s12+$0x5860];
	v3 =	vmul.f32 v3, v2  }
0xab: {  	v9 =	vld [tilespmem:s12+$0x5840]  }
0xac: {  	v10 =	vld [tilespmem:s12+$0x5850];
	v3 =	vadd.f32 v3, v1  }
0xad: {  	v12 =	vld [tilespmem:s12+$0xB800];
	v4 =	vmul.f32 v4, v2  }
0xae: {  	v14 =	vld [tilespmem:s12+$0xB810];
	v5 =	vmul.f32 v5, v2;
	v7 =	vmul.f32 v3, v7  }
0xaf: {  	v6 =	vmul.f32 v6, v2;
	v16 =	vmul.f32 v11, v2;
	v3 =	vld [tilespmem:s12+$0xB820]  }
0xb0: {  	v13 =	vadd.f32 v4, v1;
	v15 =	vadd.f32 v5, v1;
	v4 =	vld [tilespmem:s12+$0xB830];
	[tilespmem:s12+$0x9870] =	vst v7;
	v7 =	vmul.f32 v8, v2  }
0xb1: {  	v6 =	vadd.f32 v6, v1;
	v5 =	vld [tilespmem:s12+$0xB840];
	v8 =	vmul.f32 v9, v2;
	v9 =	vmul.f32 v10, v2  }
0xb2: {  	v13 =	vmul.f32 v13, v12;
	v12 =	vadd.f32 v16, v1;
	v10 =	vadd.f32 v7, v1;
	v7 =	vld [tilespmem:s12+$0xB850]  }
0xb3: {  	s13 =	simm.s32 $0x80;
	s17 =	simm.s32 $0x400;
	v11 =	vld [tilespmem:s12+$0xB860];
	v14 =	vmul.f32 v15, v14;
	v8 =	vadd.f32 v8, v1;
	v9 =	vadd.f32 v9, v1  }
.LBB2_8:
0xb4: {  	p2 =	sne.s32 s17, $0x1E00;
	v15 =	vld [tilespmem:s13+$0x5870];
	[tilespmem:s12+$0x9800] =	vst v13;
	v3 =	vmul.f32 v6, v3  }
0xb5: {  	v6 =	vld [tilespmem:s13+$0x5800];
	[tilespmem:s12+$0x9810] =	vst v14;
	v4 =	vmul.f32 v10, v4  }
0xb6: {  	v10 =	vld [tilespmem:s13+$0x5810];
	[tilespmem:s12+$0x9820] =	vst v3;
	v3 =	vmul.f32 v8, v5  }
0xb7: {  	v5 =	vld [tilespmem:s13+$0x5820];
	[tilespmem:s12+$0x9830] =	vst v4;
	v4 =	vmul.f32 v9, v7  }
0xb8: {  	v7 =	vld [tilespmem:s13+$0xB870];
	[tilespmem:s12+$0x9840] =	vst v3;
	v3 =	vmul.f32 v12, v11  }
0xb9: {  	v8 =	vld [tilespmem:s13+$0x5830];
	v9 =	vmul.f32 v15, v2;
	[tilespmem:s12+$0x9850] =	vst v4  }
0xba: {  	v4 =	vmul.f32 v6, v2;
	v11 =	vld [tilespmem:s13+$0x5840];
	[tilespmem:s12+$0x9860] =	vst v3;
	s12 =	smov.u32 s13  }
0xbb: {  	v3 =	vmul.f32 v10, v2;
	v12 =	vld [tilespmem:s12+$0x5850];
	v6 =	vadd.f32 v9, v1  }
0xbc: {  	v9 =	vadd.f32 v4, v1;
	v4 =	vmul.f32 v5, v2;
	v13 =	vld [tilespmem:s12+$0x5860]  }
0xbd: {  	v14 =	vld [tilespmem:s12+$0xB800];
	v15 =	vadd.f32 v3, v1;
	v5 =	vmul.f32 v6, v7  }
0xbe: {  	v16 =	vld [tilespmem:s12+$0xB810];
	v6 =	vadd.f32 v4, v1;
	v7 =	vmul.f32 v8, v2  }
.Ltmp3:
0xbf: {  	v3 =	vld [tilespmem:s12+$0xB820];
	v8 =	vmul.f32 v11, v2;
	[tilespmem:s12+$0x9870] =	vst v5;
	(pc) =	sbr.rel @p2 .LBB2_8-.Ltmp3, $4  }
0xc0: {  	v4 =	vld [tilespmem:s12+$0xB830];
	v10 =	vadd.f32 v7, v1;
	v11 =	vmul.f32 v12, v2  }
0xc1: {  	v5 =	vld [tilespmem:s12+$0xB840];
	v8 =	vadd.f32 v8, v1;
	v12 =	vmul.f32 v13, v2  }
0xc2: {  	v13 =	vmul.f32 v9, v14;
	v7 =	vld [tilespmem:s12+$0xB850];
	v9 =	vadd.f32 v11, v1  }
0xc3: {  	s13 =	sshra.s32 s17, $0x2;
	s17 =	sadd.s32 $0x200, s17;
	v14 =	vmul.f32 v15, v16;
	v11 =	vld [tilespmem:s12+$0xB860];
	v12 =	vadd.f32 v12, v1  }
0xc4: {  	v15 =	vld [tilespmem:s13+$0x5870];
	[tilespmem:s12+$0x9800] =	vst v13;
	v3 =	vmul.f32 v6, v3  }
0xc5: {  	v13 =	vld [tilespmem:s13+$0x5800];
	[tilespmem:s12+$0x9810] =	vst v14;
	v4 =	vmul.f32 v10, v4  }
0xc6: {  	v50 =	vld [tilespmem:s13+$0x5810];
	[tilespmem:s12+$0x9820] =	vst v3;
	v5 =	vmul.f32 v8, v5  }
0xc7: {  	v3 =	vld [tilespmem:s13+$0x5820];
	[tilespmem:s12+$0x9830] =	vst v4;
	v7 =	vmul.f32 v9, v7  }
0xc8: {  	v4 =	vld [tilespmem:s13+$0xB870];
	[tilespmem:s12+$0x9840] =	vst v5;
	v51 =	vmul.f32 v12, v11  }
0xc9: {  	v5 =	vld [tilespmem:s13+$0x5830];
	[tilespmem:s12+$0x9850] =	vst v7  }
0xca: {  	v7 =	vld [tilespmem:s13+$0x5840];
	[tilespmem:s12+$0x9860] =	vst v51  }
0xcb: {  	v8 =	vld [tilespmem:s13+$0x5850]  }
0xcc: {  	v52 =	vmul.f32 v15, v2;
	v53 =	vld [tilespmem:s13+$0x5860]  }
0xcd: {  	v54 =	vld [tilespmem:s13+$0xB800]  }
0xce: {  	v56 =	vmul.f32 v13, v2;
	v9 =	vadd.f32 v52, v1;
	v55 =	vld [tilespmem:s13+$0xB810]  }
0xcf: {  	v57 =	vld [tilespmem:s13+$0xB820];
	v6 =	vmul.f32 v50, v2  }
0xd0: {  	v59 =	vld [tilespmem:s13+$0xB830];
	v58 =	vadd.f32 v56, v1;
	v3 =	vmul.f32 v3, v2;
	v4 =	vmul.f32 v9, v4  }
0xd1: {  	v14 =	vld [tilespmem:s13+$0xB840];
	v6 =	vadd.f32 v6, v1;
	v5 =	vmul.f32 v5, v2  }
0xd2: {  	v60 =	vld [tilespmem:s13+$0xB850];
	v3 =	vadd.f32 v3, v1;
	[tilespmem:s13+$0x9870] =	vst v4;
	v7 =	vmul.f32 v7, v2;
	v4 =	vmul.f32 v58, v54  }
0xd3: {  	v61 =	vld [tilespmem:s13+$0xB860];
	v5 =	vadd.f32 v5, v1;
	v8 =	vmul.f32 v8, v2;
	v6 =	vmul.f32 v6, v55  }
0xd4: {  	v10 =	vmul.f32 v53, v2;
	v3 =	vmul.f32 v3, v57;
	v7 =	vadd.f32 v7, v1;
	[tilespmem:s13+$0x9800] =	vst v4  }
0xd5: {  	v62 =	vadd.f32 v8, v1;
	[tilespmem:s13+$0x9810] =	vst v6;
	v5 =	vmul.f32 v5, v59  }
0xd6: {  	v63 =	vadd.f32 v10, v1;
	[tilespmem:s13+$0x9820] =	vst v3;
	v3 =	vmul.f32 v7, v14  }
0xd7: {  	[tilespmem:s13+$0x9830] =	vst v5;
	v4 =	vmul.f32 v62, v60  }
0xd8: {  	[tilespmem:s13+$0x9840] =	vst v3;
	v3 =	vmul.f32 v63, v61  }
0xd9: {  	[tilespmem:s13+$0x9850] =	vst v4  }
0xda: {  	[tilespmem:s13+$0x9860] =	vst v3  }
0xdb: {  	_ =	swait.ge [sflag:s22], $0x800  }
0xdc: {  	[sflag:s22] =	ssyncset.done $0x0  }
0xdd: {  	s25 =	simm.s32 $0x7800;
	s31 =	simm.s32 $0x9800;
	[sflag:s22] =	ssyncadd.s32 $0xFFFFF800  }
0xde: {  	[spmem:s5] =	stream.indirect.scatter.add.f32 [tilespmem:s31], [sflag:$0xC], $0x1, s25, s7, $0xb8;
	[tilespmem:$0x12A60] =	vst v63  }
.LBB2_10:
0xdf: {  	s12 =	sshll.u32 s23, $0xD  }
0xe0: {  	s25 =	sadd.s32 s12, s10  }
0xe1: {  	s13 =	sadd.s32 $0x1000, s25  }
0xe2: {  	s24 =	simm.s32 $0x0;
	s17 =	sshrl.u32 s13, $0x2  }
0xe3: {  	s31 =	simm.s32 $0x2000;
	s13 =	sshrl.u32 s13, $0x3;
	s17 =	sadd.s32 s0, s17  }
0xe4: {  	[tilespmem:s31], [sflag:$0x3] =	stream.linear.gather [hbm4b:s17+s24], $0x1000, $0x38;
	[tilespmem:$0x12A60] =	vst v63  }
0xe5: {  	s13 =	sadd.s32 s1, s13;
	s17 =	simm.s32 $0x5000  }
0xe6: {  	[tilespmem:s17], [sflag:$0x3] =	stream.linear.gather [hbm4b:s13+s24], $0x800, $0x38;
	[tilespmem:$0x12A60] =	vst v63  }
0xe7: {  	_ =	swait.ge [sflag:s29], $0x1000  }
0xe8: {  	[sflag:s29] =	ssyncset.done $0x0  }
0xe9: {  	[sflag:s29] =	ssyncadd.s32 $0xFFFFF000  }
0xea: {  	_ =	swait.ge [sflag:s29], $0x800  }
0xeb: {  	[sflag:s29] =	ssyncset.done $0x0  }
0xec: {  	s31 =	simm.s32 $0x1080;
	[sflag:s29] =	ssyncadd.s32 $0xFFFFF800  }
0xed: {  	s13 =	simm.s32 $0x200;
	v3 =	vld [tilespmem:s31+$0xFFFFFF80]  }
.LBB2_11:
0xee: {  	p2 =	sne.s32 s13, $0x1E00;
	_ =	sdelay $0x2  }
0xef: {  	s17 =	sshra.s32 s24, $0x2;
	s24 =	smov.u32 s13  }
0xf0: {  	[tilespmem:s17+$0xC800] =	vst v3  }
0xf1: {  	v3 =	vld [tilespmem:s31+$0x0];
	_ =	sdelay $0x4  }
0xf2: {  	[tilespmem:s17+$0x6800] =	vst v3  }
0xf3: {  	v3 =	vld [tilespmem:s31+$0xFFFFFF90];
	_ =	sdelay $0x4  }
0xf4: {  	[tilespmem:s17+$0xC810] =	vst v3  }
0xf5: {  	v3 =	vld [tilespmem:s31+$0x10];
	_ =	sdelay $0x4  }
0xf6: {  	[tilespmem:s17+$0x6810] =	vst v3  }
0xf7: {  	v3 =	vld [tilespmem:s31+$0xFFFFFFA0];
	_ =	sdelay $0x4  }
0xf8: {  	[tilespmem:s17+$0xC820] =	vst v3  }
0xf9: {  	v3 =	vld [tilespmem:s31+$0x20];
	_ =	sdelay $0x4  }
0xfa: {  	[tilespmem:s17+$0x6820] =	vst v3  }
0xfb: {  	v3 =	vld [tilespmem:s31+$0xFFFFFFB0];
	_ =	sdelay $0x4  }
0xfc: {  	[tilespmem:s17+$0xC830] =	vst v3  }
0xfd: {  	v3 =	vld [tilespmem:s31+$0x30];
	_ =	sdelay $0x4  }
0xfe: {  	[tilespmem:s17+$0x6830] =	vst v3  }
0xff: {  	v3 =	vld [tilespmem:s31+$0xFFFFFFC0];
	_ =	sdelay $0x4  }
0x100: {  	[tilespmem:s17+$0xC840] =	vst v3  }
0x101: {  	v3 =	vld [tilespmem:s31+$0x40];
	_ =	sdelay $0x4  }
0x102: {  	[tilespmem:s17+$0x6840] =	vst v3  }
0x103: {  	v3 =	vld [tilespmem:s31+$0xFFFFFFD0];
	_ =	sdelay $0x4  }
0x104: {  	[tilespmem:s17+$0xC850] =	vst v3  }
0x105: {  	v3 =	vld [tilespmem:s31+$0x50];
	_ =	sdelay $0x4  }
0x106: {  	[tilespmem:s17+$0x6850] =	vst v3  }
0x107: {  	v3 =	vld [tilespmem:s31+$0xFFFFFFE0];
	_ =	sdelay $0x4  }
0x108: {  	[tilespmem:s17+$0xC860] =	vst v3  }
0x109: {  	v3 =	vld [tilespmem:s31+$0x60];
	_ =	sdelay $0x4  }
0x10a: {  	[tilespmem:s17+$0x6860] =	vst v3  }
0x10b: {  	v3 =	vld [tilespmem:s31+$0xFFFFFFF0];
	_ =	sdelay $0x4  }
0x10c: {  	[tilespmem:s17+$0xC870] =	vst v3  }
0x10d: {  	v3 =	vld [tilespmem:s31+$0x70];
	_ =	sdelay $0x1  }
.Ltmp4:
0x10e: {  	(pc) =	sbr.rel @p2 .LBB2_11-.Ltmp4, $3  }
0x10f: {  	_ =	sdelay $0x1  }
0x110: {  	s31 =	sadd.s32 $0x100, s31;
	[tilespmem:s17+$0x6870] =	vst v3  }
0x111: {  	s13 =	sadd.s32 $0x200, s13;
	v3 =	vld [tilespmem:s31+$0xFFFFFF80]  }
0x112: {  	_ =	sdelay $0x2  }
0x113: {  	s13 =	sshra.s32 s24, $0x2  }
0x114: {  	[tilespmem:s13+$0xC800] =	vst v3  }
0x115: {  	v3 =	vld [tilespmem:s31+$0x0];
	_ =	sdelay $0x4  }
0x116: {  	[tilespmem:s13+$0x6800] =	vst v3  }
0x117: {  	v3 =	vld [tilespmem:s31+$0xFFFFFF90];
	_ =	sdelay $0x4  }
0x118: {  	[tilespmem:s13+$0xC810] =	vst v3  }
0x119: {  	v3 =	vld [tilespmem:s31+$0x10];
	_ =	sdelay $0x4  }
0x11a: {  	[tilespmem:s13+$0x6810] =	vst v3  }
0x11b: {  	v3 =	vld [tilespmem:s31+$0xFFFFFFA0];
	_ =	sdelay $0x4  }
0x11c: {  	[tilespmem:s13+$0xC820] =	vst v3  }
0x11d: {  	v3 =	vld [tilespmem:s31+$0x20];
	_ =	sdelay $0x4  }
0x11e: {  	[tilespmem:s13+$0x6820] =	vst v3  }
0x11f: {  	v3 =	vld [tilespmem:s31+$0xFFFFFFB0];
	_ =	sdelay $0x4  }
0x120: {  	[tilespmem:s13+$0xC830] =	vst v3  }
0x121: {  	v3 =	vld [tilespmem:s31+$0x30];
	_ =	sdelay $0x4  }
0x122: {  	[tilespmem:s13+$0x6830] =	vst v3  }
0x123: {  	v3 =	vld [tilespmem:s31+$0xFFFFFFC0];
	_ =	sdelay $0x4  }
0x124: {  	[tilespmem:s13+$0xC840] =	vst v3  }
0x125: {  	v3 =	vld [tilespmem:s31+$0x40];
	_ =	sdelay $0x4  }
0x126: {  	[tilespmem:s13+$0x6840] =	vst v3  }
0x127: {  	v3 =	vld [tilespmem:s31+$0xFFFFFFD0];
	_ =	sdelay $0x4  }
0x128: {  	[tilespmem:s13+$0xC850] =	vst v3  }
0x129: {  	v3 =	vld [tilespmem:s31+$0x50];
	_ =	sdelay $0x4  }
0x12a: {  	[tilespmem:s13+$0x6850] =	vst v3  }
0x12b: {  	v3 =	vld [tilespmem:s31+$0xFFFFFFE0];
	_ =	sdelay $0x4  }
0x12c: {  	[tilespmem:s13+$0xC860] =	vst v3  }
0x12d: {  	v3 =	vld [tilespmem:s31+$0x60];
	_ =	sdelay $0x4  }
0x12e: {  	[tilespmem:s13+$0x6860] =	vst v3  }
0x12f: {  	v3 =	vld [tilespmem:s31+$0xFFFFFFF0];
	_ =	sdelay $0x4  }
0x130: {  	[tilespmem:s13+$0xC870] =	vst v3  }
0x131: {  	v3 =	vld [tilespmem:s31+$0x70];
	_ =	sdelay $0x4  }
0x132: {  	s17 =	simm.s32 $0xA800;
	s31 =	simm.s32 $0xC800;
	[tilespmem:s13+$0x6870] =	vst v3  }
0x133: {  	[tilespmem:s17], [sflag:$0x6] =	stream.indirect.gather [spmem:s6], $0x1, s31, s7, $0xb8;
	[tilespmem:$0x12A60] =	vst v63  }
0x134: {  	_ =	swait.ge [sflag:s14], $0x800  }
0x135: {  	[sflag:s14] =	ssyncset.done $0x0  }
0x136: {  	s13 =	simm.s32 $0x0;
	[sflag:s14] =	ssyncadd.s32 $0xFFFFF800  }
0x137: {  	v3 =	vld [tilespmem:s13+$0x4070]  }
0x138: {  	v4 =	vld [tilespmem:s13+$0x4000]  }
0x139: {  	v5 =	vld [tilespmem:s13+$0x4010]  }
0x13a: {  	v6 =	vld [tilespmem:s13+$0x4020]  }
0x13b: {  	v7 =	vld [tilespmem:s13+$0xA070]  }
0x13c: {  	v8 =	vld [tilespmem:s13+$0x4030]  }
0x13d: {  	v11 =	vld [tilespmem:s13+$0x4060];
	v3 =	vmul.f32 v3, v2  }
0x13e: {  	v9 =	vld [tilespmem:s13+$0x4040]  }
0x13f: {  	v10 =	vld [tilespmem:s13+$0x4050];
	v3 =	vadd.f32 v3, v1  }
0x140: {  	v12 =	vld [tilespmem:s13+$0xA000];
	v4 =	vmul.f32 v4, v2  }
0x141: {  	v14 =	vld [tilespmem:s13+$0xA010];
	v5 =	vmul.f32 v5, v2;
	v7 =	vmul.f32 v3, v7  }
0x142: {  	v6 =	vmul.f32 v6, v2;
	v16 =	vmul.f32 v11, v2;
	v3 =	vld [tilespmem:s13+$0xA020]  }
0x143: {  	v13 =	vadd.f32 v4, v1;
	v15 =	vadd.f32 v5, v1;
	v4 =	vld [tilespmem:s13+$0xA030];
	[tilespmem:s13+$0x8070] =	vst v7;
	v7 =	vmul.f32 v8, v2  }
0x144: {  	v6 =	vadd.f32 v6, v1;
	v5 =	vld [tilespmem:s13+$0xA040];
	v8 =	vmul.f32 v9, v2;
	v9 =	vmul.f32 v10, v2  }
0x145: {  	v13 =	vmul.f32 v13, v12;
	v12 =	vadd.f32 v16, v1;
	v10 =	vadd.f32 v7, v1;
	v7 =	vld [tilespmem:s13+$0xA050]  }
0x146: {  	s24 =	simm.s32 $0x400;
	s17 =	simm.s32 $0x80;
	v11 =	vld [tilespmem:s13+$0xA060];
	v14 =	vmul.f32 v15, v14;
	v8 =	vadd.f32 v8, v1;
	v9 =	vadd.f32 v9, v1  }
.LBB2_13:
0x147: {  	p2 =	sne.s32 s24, $0x1E00;
	v15 =	vld [tilespmem:s17+$0x4070];
	[tilespmem:s13+$0x8000] =	vst v13;
	v3 =	vmul.f32 v6, v3  }
0x148: {  	v6 =	vld [tilespmem:s17+$0x4000];
	[tilespmem:s13+$0x8010] =	vst v14;
	v4 =	vmul.f32 v10, v4  }
0x149: {  	v10 =	vld [tilespmem:s17+$0x4010];
	[tilespmem:s13+$0x8020] =	vst v3;
	v3 =	vmul.f32 v8, v5  }
0x14a: {  	v5 =	vld [tilespmem:s17+$0x4020];
	[tilespmem:s13+$0x8030] =	vst v4;
	v4 =	vmul.f32 v9, v7  }
0x14b: {  	v7 =	vld [tilespmem:s17+$0xA070];
	[tilespmem:s13+$0x8040] =	vst v3;
	v3 =	vmul.f32 v12, v11  }
0x14c: {  	v8 =	vld [tilespmem:s17+$0x4030];
	v9 =	vmul.f32 v15, v2;
	[tilespmem:s13+$0x8050] =	vst v4  }
0x14d: {  	v4 =	vmul.f32 v6, v2;
	v11 =	vld [tilespmem:s17+$0x4040];
	[tilespmem:s13+$0x8060] =	vst v3;
	s13 =	smov.u32 s17  }
0x14e: {  	v3 =	vmul.f32 v10, v2;
	v12 =	vld [tilespmem:s13+$0x4050];
	v6 =	vadd.f32 v9, v1  }
0x14f: {  	v9 =	vadd.f32 v4, v1;
	v4 =	vmul.f32 v5, v2;
	v13 =	vld [tilespmem:s13+$0x4060]  }
0x150: {  	v14 =	vld [tilespmem:s13+$0xA000];
	v15 =	vadd.f32 v3, v1;
	v5 =	vmul.f32 v6, v7  }
0x151: {  	v16 =	vld [tilespmem:s13+$0xA010];
	v6 =	vadd.f32 v4, v1;
	v7 =	vmul.f32 v8, v2  }
.Ltmp5:
0x152: {  	v3 =	vld [tilespmem:s13+$0xA020];
	v8 =	vmul.f32 v11, v2;
	[tilespmem:s13+$0x8070] =	vst v5;
	(pc) =	sbr.rel @p2 .LBB2_13-.Ltmp5, $4  }
0x153: {  	v4 =	vld [tilespmem:s13+$0xA030];
	v10 =	vadd.f32 v7, v1;
	v11 =	vmul.f32 v12, v2  }
0x154: {  	v5 =	vld [tilespmem:s13+$0xA040];
	v8 =	vadd.f32 v8, v1;
	v12 =	vmul.f32 v13, v2  }
0x155: {  	v13 =	vmul.f32 v9, v14;
	v7 =	vld [tilespmem:s13+$0xA050];
	v9 =	vadd.f32 v11, v1  }
0x156: {  	s17 =	sshra.s32 s24, $0x2;
	s24 =	sadd.s32 $0x200, s24;
	v14 =	vmul.f32 v15, v16;
	v11 =	vld [tilespmem:s13+$0xA060];
	v12 =	vadd.f32 v12, v1  }
0x157: {  	v15 =	vld [tilespmem:s17+$0x4070];
	[tilespmem:s13+$0x8000] =	vst v13;
	v3 =	vmul.f32 v6, v3  }
0x158: {  	v13 =	vld [tilespmem:s17+$0x4000];
	[tilespmem:s13+$0x8010] =	vst v14;
	v4 =	vmul.f32 v10, v4  }
0x159: {  	v52 =	vld [tilespmem:s17+$0x4010];
	[tilespmem:s13+$0x8020] =	vst v3;
	v5 =	vmul.f32 v8, v5  }
0x15a: {  	v3 =	vld [tilespmem:s17+$0x4020];
	[tilespmem:s13+$0x8030] =	vst v4;
	v7 =	vmul.f32 v9, v7  }
0x15b: {  	v4 =	vld [tilespmem:s17+$0xA070];
	[tilespmem:s13+$0x8040] =	vst v5;
	v53 =	vmul.f32 v12, v11  }
0x15c: {  	v5 =	vld [tilespmem:s17+$0x4030];
	[tilespmem:s13+$0x8050] =	vst v7  }
0x15d: {  	v7 =	vld [tilespmem:s17+$0x4040];
	[tilespmem:s13+$0x8060] =	vst v53  }
0x15e: {  	v54 =	vmul.f32 v15, v2;
	v8 =	vld [tilespmem:s17+$0x4050]  }
0x15f: {  	v55 =	vld [tilespmem:s17+$0x4060]  }
0x160: {  	v9 =	vadd.f32 v54, v1;
	v57 =	vld [tilespmem:s17+$0xA010]  }
0x161: {  	v56 =	vld [tilespmem:s17+$0xA000];
	v6 =	vmul.f32 v52, v2  }
0x162: {  	v58 =	vmul.f32 v13, v2;
	v59 =	vld [tilespmem:s17+$0xA020];
	v4 =	vmul.f32 v9, v4  }
0x163: {  	v60 =	vld [tilespmem:s17+$0xA030];
	v3 =	vmul.f32 v3, v2;
	v6 =	vadd.f32 v6, v1  }
0x164: {  	v14 =	vld [tilespmem:s17+$0xA040];
	v5 =	vmul.f32 v5, v2;
	[tilespmem:s17+$0x8070] =	vst v4;
	v4 =	vadd.f32 v58, v1  }
0x165: {  	v61 =	vld [tilespmem:s17+$0xA050];
	v3 =	vadd.f32 v3, v1;
	v7 =	vmul.f32 v7, v2;
	v6 =	vmul.f32 v6, v57  }
0x166: {  	v62 =	vld [tilespmem:s17+$0xA060];
	v5 =	vadd.f32 v5, v1;
	v8 =	vmul.f32 v8, v2;
	v4 =	vmul.f32 v4, v56  }
0x167: {  	v10 =	vmul.f32 v55, v2;
	v3 =	vmul.f32 v3, v59;
	v7 =	vadd.f32 v7, v1;
	[tilespmem:s17+$0x8010] =	vst v6  }
0x168: {  	v5 =	vmul.f32 v5, v60;
	[tilespmem:s17+$0x8000] =	vst v4;
	v4 =	vadd.f32 v8, v1  }
0x169: {  	v63 =	vadd.f32 v10, v1;
	[tilespmem:s17+$0x8020] =	vst v3;
	v3 =	vmul.f32 v7, v14  }
0x16a: {  	[tilespmem:s17+$0x8030] =	vst v5;
	v4 =	vmul.f32 v4, v61  }
0x16b: {  	[tilespmem:s17+$0x8040] =	vst v3;
	v3 =	vmul.f32 v63, v62  }
0x16c: {  	[tilespmem:s17+$0x8050] =	vst v4  }
0x16d: {  	s13 =	simm.s32 @!p1 $0xC;
	[tilespmem:s17+$0x8060] =	vst v3  }
0x16e: {  	_ =	swait.ge @!p1 [sflag:s13], $0x800  }
0x16f: {  	[sflag:s13] =	ssyncset.done @!p1 $0x0  }
0x170: {  	[sflag:s13] =	ssyncadd.s32 @!p1 $0xFFFFF800;
	s13 =	sadd.s32 $0x1800, s25  }
0x171: {  	[spmem:s5] =	stream.indirect.scatter.add.f32 [tilespmem:s16], [sflag:$0x9], $0x1, s15, s7, $0xb8;
	[tilespmem:$0x12A60] =	vst v63  }
0x172: {  	s24 =	simm.s32 $0x0;
	s25 =	sshrl.u32 s13, $0x2  }
0x173: {  	s31 =	simm.s32 $0x3000;
	s13 =	sshrl.u32 s13, $0x3;
	s17 =	sadd.s32 s0, s25  }
0x174: {  	[tilespmem:s31], [sflag:$0x4] =	stream.linear.gather [hbm4b:s17+s24], $0x1000, $0x38;
	[tilespmem:$0x12A60] =	vst v63  }
0x175: {  	s13 =	sadd.s32 s1, s13;
	s31 =	simm.s32 $0x5800  }
0x176: {  	[tilespmem:s31], [sflag:$0x4] =	stream.linear.gather [hbm4b:s13+s24], $0x800, $0x38;
	[tilespmem:$0x12A60] =	vst v63  }
0x177: {  	_ =	swait.ge [sflag:s21], $0x1000  }
0x178: {  	[sflag:s21] =	ssyncset.done $0x0  }
0x179: {  	[sflag:s21] =	ssyncadd.s32 $0xFFFFF000  }
0x17a: {  	_ =	swait.ge [sflag:s21], $0x800  }
0x17b: {  	[sflag:s21] =	ssyncset.done $0x0  }
0x17c: {  	s25 =	simm.s32 $0x2080;
	[sflag:s21] =	ssyncadd.s32 $0xFFFFF800  }
0x17d: {  	s13 =	simm.s32 $0x200;
	v3 =	vld [tilespmem:s25+$0xFFFFFF80]  }
.LBB2_15:
0x17e: {  	p1 =	sne.s32 s13, $0x1E00;
	_ =	sdelay $0x2  }
0x17f: {  	s17 =	sshra.s32 s24, $0x2;
	s24 =	smov.u32 s13  }
0x180: {  	[tilespmem:s17+$0xD000] =	vst v3  }
0x181: {  	v3 =	vld [tilespmem:s25+$0x0];
	_ =	sdelay $0x4  }
0x182: {  	[tilespmem:s17+$0x7000] =	vst v3  }
0x183: {  	v3 =	vld [tilespmem:s25+$0xFFFFFF90];
	_ =	sdelay $0x4  }
0x184: {  	[tilespmem:s17+$0xD010] =	vst v3  }
0x185: {  	v3 =	vld [tilespmem:s25+$0x10];
	_ =	sdelay $0x4  }
0x186: {  	[tilespmem:s17+$0x7010] =	vst v3  }
0x187: {  	v3 =	vld [tilespmem:s25+$0xFFFFFFA0];
	_ =	sdelay $0x4  }
0x188: {  	[tilespmem:s17+$0xD020] =	vst v3  }
0x189: {  	v3 =	vld [tilespmem:s25+$0x20];
	_ =	sdelay $0x4  }
0x18a: {  	[tilespmem:s17+$0x7020] =	vst v3  }
0x18b: {  	v3 =	vld [tilespmem:s25+$0xFFFFFFB0];
	_ =	sdelay $0x4  }
0x18c: {  	[tilespmem:s17+$0xD030] =	vst v3  }
0x18d: {  	v3 =	vld [tilespmem:s25+$0x30];
	_ =	sdelay $0x4  }
0x18e: {  	[tilespmem:s17+$0x7030] =	vst v3  }
0x18f: {  	v3 =	vld [tilespmem:s25+$0xFFFFFFC0];
	_ =	sdelay $0x4  }
0x190: {  	[tilespmem:s17+$0xD040] =	vst v3  }
0x191: {  	v3 =	vld [tilespmem:s25+$0x40];
	_ =	sdelay $0x4  }
0x192: {  	[tilespmem:s17+$0x7040] =	vst v3  }
0x193: {  	v3 =	vld [tilespmem:s25+$0xFFFFFFD0];
	_ =	sdelay $0x4  }
0x194: {  	[tilespmem:s17+$0xD050] =	vst v3  }
0x195: {  	v3 =	vld [tilespmem:s25+$0x50];
	_ =	sdelay $0x4  }
0x196: {  	[tilespmem:s17+$0x7050] =	vst v3  }
0x197: {  	v3 =	vld [tilespmem:s25+$0xFFFFFFE0];
	_ =	sdelay $0x4  }
0x198: {  	[tilespmem:s17+$0xD060] =	vst v3  }
0x199: {  	v3 =	vld [tilespmem:s25+$0x60];
	_ =	sdelay $0x4  }
0x19a: {  	[tilespmem:s17+$0x7060] =	vst v3  }
0x19b: {  	v3 =	vld [tilespmem:s25+$0xFFFFFFF0];
	_ =	sdelay $0x4  }
0x19c: {  	[tilespmem:s17+$0xD070] =	vst v3  }
0x19d: {  	v3 =	vld [tilespmem:s25+$0x70];
	_ =	sdelay $0x1  }
.Ltmp6:
0x19e: {  	(pc) =	sbr.rel @p1 .LBB2_15-.Ltmp6, $3  }
0x19f: {  	_ =	sdelay $0x1  }
0x1a0: {  	s25 =	sadd.s32 $0x100, s25;
	[tilespmem:s17+$0x7070] =	vst v3  }
0x1a1: {  	s13 =	sadd.s32 $0x200, s13;
	v3 =	vld [tilespmem:s25+$0xFFFFFF80]  }
0x1a2: {  	_ =	sdelay $0x2  }
0x1a3: {  	s13 =	sshra.s32 s24, $0x2  }
0x1a4: {  	[tilespmem:s13+$0xD000] =	vst v3  }
0x1a5: {  	v3 =	vld [tilespmem:s25+$0x0];
	_ =	sdelay $0x4  }
0x1a6: {  	[tilespmem:s13+$0x7000] =	vst v3  }
0x1a7: {  	v3 =	vld [tilespmem:s25+$0xFFFFFF90];
	_ =	sdelay $0x4  }
0x1a8: {  	[tilespmem:s13+$0xD010] =	vst v3  }
0x1a9: {  	v3 =	vld [tilespmem:s25+$0x10];
	_ =	sdelay $0x4  }
0x1aa: {  	[tilespmem:s13+$0x7010] =	vst v3  }
0x1ab: {  	v3 =	vld [tilespmem:s25+$0xFFFFFFA0];
	_ =	sdelay $0x4  }
0x1ac: {  	[tilespmem:s13+$0xD020] =	vst v3  }
0x1ad: {  	v3 =	vld [tilespmem:s25+$0x20];
	_ =	sdelay $0x4  }
0x1ae: {  	[tilespmem:s13+$0x7020] =	vst v3  }
0x1af: {  	v3 =	vld [tilespmem:s25+$0xFFFFFFB0];
	_ =	sdelay $0x4  }
0x1b0: {  	[tilespmem:s13+$0xD030] =	vst v3  }
0x1b1: {  	v3 =	vld [tilespmem:s25+$0x30];
	_ =	sdelay $0x4  }
0x1b2: {  	[tilespmem:s13+$0x7030] =	vst v3  }
0x1b3: {  	v3 =	vld [tilespmem:s25+$0xFFFFFFC0];
	_ =	sdelay $0x4  }
0x1b4: {  	[tilespmem:s13+$0xD040] =	vst v3  }
0x1b5: {  	v3 =	vld [tilespmem:s25+$0x40];
	_ =	sdelay $0x4  }
0x1b6: {  	[tilespmem:s13+$0x7040] =	vst v3  }
0x1b7: {  	v3 =	vld [tilespmem:s25+$0xFFFFFFD0];
	_ =	sdelay $0x4  }
0x1b8: {  	[tilespmem:s13+$0xD050] =	vst v3  }
0x1b9: {  	v3 =	vld [tilespmem:s25+$0x50];
	_ =	sdelay $0x4  }
0x1ba: {  	[tilespmem:s13+$0x7050] =	vst v3  }
0x1bb: {  	v3 =	vld [tilespmem:s25+$0xFFFFFFE0];
	_ =	sdelay $0x4  }
0x1bc: {  	[tilespmem:s13+$0xD060] =	vst v3  }
0x1bd: {  	v3 =	vld [tilespmem:s25+$0x60];
	_ =	sdelay $0x4  }
0x1be: {  	[tilespmem:s13+$0x7060] =	vst v3  }
0x1bf: {  	v3 =	vld [tilespmem:s25+$0xFFFFFFF0];
	_ =	sdelay $0x4  }
0x1c0: {  	[tilespmem:s13+$0xD070] =	vst v3  }
0x1c1: {  	v3 =	vld [tilespmem:s25+$0x70];
	_ =	sdelay $0x4  }
0x1c2: {  	s31 =	simm.s32 $0xD000;
	s17 =	simm.s32 $0xB000;
	[tilespmem:s13+$0x7070] =	vst v3  }
0x1c3: {  	[tilespmem:s17], [sflag:$0x7] =	stream.indirect.gather [spmem:s6], $0x1, s31, s7, $0xb8;
	[tilespmem:$0x12A60] =	vst v63  }
0x1c4: {  	_ =	swait.ge [sflag:s28], $0x800  }
0x1c5: {  	[sflag:s28] =	ssyncset.done $0x0  }
0x1c6: {  	s13 =	simm.s32 $0x0;
	[sflag:s28] =	ssyncadd.s32 $0xFFFFF800  }
0x1c7: {  	v3 =	vld [tilespmem:s13+$0x4870]  }
0x1c8: {  	v4 =	vld [tilespmem:s13+$0x4800]  }
0x1c9: {  	v5 =	vld [tilespmem:s13+$0x4810]  }
0x1ca: {  	v6 =	vld [tilespmem:s13+$0x4820]  }
0x1cb: {  	v7 =	vld [tilespmem:s13+$0xA870]  }
0x1cc: {  	v8 =	vld [tilespmem:s13+$0x4830]  }
0x1cd: {  	v11 =	vld [tilespmem:s13+$0x4860];
	v3 =	vmul.f32 v3, v2  }
0x1ce: {  	v9 =	vld [tilespmem:s13+$0x4840]  }
0x1cf: {  	v10 =	vld [tilespmem:s13+$0x4850];
	v3 =	vadd.f32 v3, v1  }
0x1d0: {  	v12 =	vld [tilespmem:s13+$0xA800];
	v4 =	vmul.f32 v4, v2  }
0x1d1: {  	v14 =	vld [tilespmem:s13+$0xA810];
	v5 =	vmul.f32 v5, v2;
	v7 =	vmul.f32 v3, v7  }
0x1d2: {  	v6 =	vmul.f32 v6, v2;
	v16 =	vmul.f32 v11, v2;
	v3 =	vld [tilespmem:s13+$0xA820]  }
0x1d3: {  	v13 =	vadd.f32 v4, v1;
	v15 =	vadd.f32 v5, v1;
	v4 =	vld [tilespmem:s13+$0xA830];
	[tilespmem:s13+$0x8870] =	vst v7;
	v7 =	vmul.f32 v8, v2  }
0x1d4: {  	v6 =	vadd.f32 v6, v1;
	v5 =	vld [tilespmem:s13+$0xA840];
	v8 =	vmul.f32 v9, v2;
	v9 =	vmul.f32 v10, v2  }
0x1d5: {  	v13 =	vmul.f32 v13, v12;
	v12 =	vadd.f32 v16, v1;
	v10 =	vadd.f32 v7, v1;
	v7 =	vld [tilespmem:s13+$0xA850]  }
0x1d6: {  	s24 =	simm.s32 $0x400;
	s17 =	simm.s32 $0x80;
	v11 =	vld [tilespmem:s13+$0xA860];
	v14 =	vmul.f32 v15, v14;
	v8 =	vadd.f32 v8, v1;
	v9 =	vadd.f32 v9, v1  }
.LBB2_17:
0x1d7: {  	p1 =	sne.s32 s24, $0x1E00;
	v15 =	vld [tilespmem:s17+$0x4870];
	[tilespmem:s13+$0x8800] =	vst v13;
	v3 =	vmul.f32 v6, v3  }
0x1d8: {  	v6 =	vld [tilespmem:s17+$0x4800];
	[tilespmem:s13+$0x8810] =	vst v14;
	v4 =	vmul.f32 v10, v4  }
0x1d9: {  	v10 =	vld [tilespmem:s17+$0x4810];
	[tilespmem:s13+$0x8820] =	vst v3;
	v3 =	vmul.f32 v8, v5  }
0x1da: {  	v5 =	vld [tilespmem:s17+$0x4820];
	[tilespmem:s13+$0x8830] =	vst v4;
	v4 =	vmul.f32 v9, v7  }
0x1db: {  	v7 =	vld [tilespmem:s17+$0xA870];
	[tilespmem:s13+$0x8840] =	vst v3;
	v3 =	vmul.f32 v12, v11  }
0x1dc: {  	v8 =	vld [tilespmem:s17+$0x4830];
	v9 =	vmul.f32 v15, v2;
	[tilespmem:s13+$0x8850] =	vst v4  }
0x1dd: {  	v4 =	vmul.f32 v6, v2;
	v11 =	vld [tilespmem:s17+$0x4840];
	[tilespmem:s13+$0x8860] =	vst v3;
	s13 =	smov.u32 s17  }
0x1de: {  	v3 =	vmul.f32 v10, v2;
	v12 =	vld [tilespmem:s13+$0x4850];
	v6 =	vadd.f32 v9, v1  }
0x1df: {  	v9 =	vadd.f32 v4, v1;
	v4 =	vmul.f32 v5, v2;
	v13 =	vld [tilespmem:s13+$0x4860]  }
0x1e0: {  	v14 =	vld [tilespmem:s13+$0xA800];
	v15 =	vadd.f32 v3, v1;
	v5 =	vmul.f32 v6, v7  }
0x1e1: {  	v16 =	vld [tilespmem:s13+$0xA810];
	v6 =	vadd.f32 v4, v1;
	v7 =	vmul.f32 v8, v2  }
.Ltmp7:
0x1e2: {  	v3 =	vld [tilespmem:s13+$0xA820];
	v8 =	vmul.f32 v11, v2;
	[tilespmem:s13+$0x8870] =	vst v5;
	(pc) =	sbr.rel @p1 .LBB2_17-.Ltmp7, $4  }
0x1e3: {  	v4 =	vld [tilespmem:s13+$0xA830];
	v10 =	vadd.f32 v7, v1;
	v11 =	vmul.f32 v12, v2  }
0x1e4: {  	v5 =	vld [tilespmem:s13+$0xA840];
	v8 =	vadd.f32 v8, v1;
	v12 =	vmul.f32 v13, v2  }
0x1e5: {  	v13 =	vmul.f32 v9, v14;
	v7 =	vld [tilespmem:s13+$0xA850];
	v9 =	vadd.f32 v11, v1  }
0x1e6: {  	s17 =	sshra.s32 s24, $0x2;
	s24 =	sadd.s32 $0x200, s24;
	v14 =	vmul.f32 v15, v16;
	v11 =	vld [tilespmem:s13+$0xA860];
	v12 =	vadd.f32 v12, v1  }
0x1e7: {  	v15 =	vld [tilespmem:s17+$0x4870];
	[tilespmem:s13+$0x8800] =	vst v13;
	v3 =	vmul.f32 v6, v3  }
0x1e8: {  	v13 =	vld [tilespmem:s17+$0x4800];
	[tilespmem:s13+$0x8810] =	vst v14;
	v4 =	vmul.f32 v10, v4  }
0x1e9: {  	v52 =	vld [tilespmem:s17+$0x4810];
	[tilespmem:s13+$0x8820] =	vst v3;
	v5 =	vmul.f32 v8, v5  }
0x1ea: {  	v3 =	vld [tilespmem:s17+$0x4820];
	[tilespmem:s13+$0x8830] =	vst v4;
	v7 =	vmul.f32 v9, v7  }
0x1eb: {  	v4 =	vld [tilespmem:s17+$0xA870];
	[tilespmem:s13+$0x8840] =	vst v5;
	v53 =	vmul.f32 v12, v11  }
0x1ec: {  	v5 =	vld [tilespmem:s17+$0x4830];
	[tilespmem:s13+$0x8850] =	vst v7  }
0x1ed: {  	v7 =	vld [tilespmem:s17+$0x4840];
	[tilespmem:s13+$0x8860] =	vst v53  }
0x1ee: {  	v54 =	vmul.f32 v15, v2;
	v8 =	vld [tilespmem:s17+$0x4850]  }
0x1ef: {  	v55 =	vld [tilespmem:s17+$0x4860]  }
0x1f0: {  	v9 =	vadd.f32 v54, v1;
	v57 =	vld [tilespmem:s17+$0xA810]  }
0x1f1: {  	v56 =	vld [tilespmem:s17+$0xA800];
	v6 =	vmul.f32 v52, v2  }
0x1f2: {  	v58 =	vmul.f32 v13, v2;
	v59 =	vld [tilespmem:s17+$0xA820];
	v4 =	vmul.f32 v9, v4  }
0x1f3: {  	v60 =	vld [tilespmem:s17+$0xA830];
	v3 =	vmul.f32 v3, v2;
	v6 =	vadd.f32 v6, v1  }
0x1f4: {  	v14 =	vld [tilespmem:s17+$0xA840];
	v5 =	vmul.f32 v5, v2;
	[tilespmem:s17+$0x8870] =	vst v4;
	v4 =	vadd.f32 v58, v1  }
0x1f5: {  	v61 =	vld [tilespmem:s17+$0xA850];
	v3 =	vadd.f32 v3, v1;
	v7 =	vmul.f32 v7, v2;
	v6 =	vmul.f32 v6, v57  }
0x1f6: {  	v62 =	vld [tilespmem:s17+$0xA860];
	v5 =	vadd.f32 v5, v1;
	v8 =	vmul.f32 v8, v2;
	v4 =	vmul.f32 v4, v56  }
0x1f7: {  	v10 =	vmul.f32 v55, v2;
	v3 =	vmul.f32 v3, v59;
	v7 =	vadd.f32 v7, v1;
	[tilespmem:s17+$0x8810] =	vst v6  }
0x1f8: {  	v5 =	vmul.f32 v5, v60;
	[tilespmem:s17+$0x8800] =	vst v4;
	v4 =	vadd.f32 v8, v1  }
0x1f9: {  	v63 =	vadd.f32 v10, v1;
	[tilespmem:s17+$0x8820] =	vst v3;
	v3 =	vmul.f32 v7, v14  }
0x1fa: {  	[tilespmem:s17+$0x8830] =	vst v5;
	v4 =	vmul.f32 v4, v61  }
0x1fb: {  	[tilespmem:s17+$0x8840] =	vst v3;
	v3 =	vmul.f32 v63, v62  }
0x1fc: {  	[tilespmem:s17+$0x8850] =	vst v4  }
0x1fd: {  	[tilespmem:s17+$0x8860] =	vst v3  }
0x1fe: {  	p1 =	seq.s32 s23, $0xB;
	_ =	swait.ge [sflag:s9], $0x800  }
0x1ff: {  	s25 =	simm.s32 $0x6800;
	s13 =	sadd.s32 @!p1 s12, s19;
	[sflag:s9] =	ssyncset.done $0x0  }
0x200: {  	s31 =	simm.s32 $0x8800;
	s17 =	sshrl.u32 @!p1 s13, $0x2;
	[sflag:s9] =	ssyncadd.s32 $0xFFFFF800  }
0x201: {  	[spmem:s5] =	stream.indirect.scatter.add.f32 [tilespmem:s31], [sflag:$0xA], $0x1, s25, s7, $0xb8;
	[tilespmem:$0x12A60] =	vst v63  }
0x202: {  	s24 =	simm.s32 @!p1 $0x0;
	s13 =	sshrl.u32 @!p1 s13, $0x3;
	s17 =	sadd.s32 @!p1 s0, s17  }
0x203: {  	[tilespmem:s24], [sflag:$0x1] =	stream.linear.gather @!p1 [hbm4b:s17+s24], $0x1000, $0x38;
	[tilespmem:$0x12A60] =	vst v63  }
0x204: {  	s13 =	sadd.s32 @!p1 s1, s13;
	s17 =	simm.s32 @!p1 $0x4000  }
0x205: {  	[tilespmem:s17], [sflag:$0x1] =	stream.linear.gather @!p1 [hbm4b:s13+s24], $0x800, $0x38;
	[tilespmem:$0x12A60] =	vst v63  }
0x206: {  	_ =	swait.ge [sflag:s30], $0x1000  }
0x207: {  	[sflag:s30] =	ssyncset.done $0x0  }
0x208: {  	[sflag:s30] =	ssyncadd.s32 $0xFFFFF000  }
0x209: {  	_ =	swait.ge [sflag:s30], $0x800  }
0x20a: {  	[sflag:s30] =	ssyncset.done $0x0  }
0x20b: {  	s25 =	simm.s32 $0x3080;
	[sflag:s30] =	ssyncadd.s32 $0xFFFFF800  }
0x20c: {  	s24 =	simm.s32 $0x0;
	s13 =	simm.s32 $0x200;
	v3 =	vld [tilespmem:s25+$0xFFFFFF80]  }
.LBB2_19:
0x20d: {  	p2 =	sne.s32 s13, $0x1E00;
	_ =	sdelay $0x2  }
0x20e: {  	s17 =	sshra.s32 s24, $0x2;
	s24 =	smov.u32 s13  }
0x20f: {  	[tilespmem:s17+$0xD800] =	vst v3  }
0x210: {  	v3 =	vld [tilespmem:s25+$0x0];
	_ =	sdelay $0x4  }
0x211: {  	[tilespmem:s17+$0x7800] =	vst v3  }
0x212: {  	v3 =	vld [tilespmem:s25+$0xFFFFFF90];
	_ =	sdelay $0x4  }
0x213: {  	[tilespmem:s17+$0xD810] =	vst v3  }
0x214: {  	v3 =	vld [tilespmem:s25+$0x10];
	_ =	sdelay $0x4  }
0x215: {  	[tilespmem:s17+$0x7810] =	vst v3  }
0x216: {  	v3 =	vld [tilespmem:s25+$0xFFFFFFA0];
	_ =	sdelay $0x4  }
0x217: {  	[tilespmem:s17+$0xD820] =	vst v3  }
0x218: {  	v3 =	vld [tilespmem:s25+$0x20];
	_ =	sdelay $0x4  }
0x219: {  	[tilespmem:s17+$0x7820] =	vst v3  }
0x21a: {  	v3 =	vld [tilespmem:s25+$0xFFFFFFB0];
	_ =	sdelay $0x4  }
0x21b: {  	[tilespmem:s17+$0xD830] =	vst v3  }
0x21c: {  	v3 =	vld [tilespmem:s25+$0x30];
	_ =	sdelay $0x4  }
0x21d: {  	[tilespmem:s17+$0x7830] =	vst v3  }
0x21e: {  	v3 =	vld [tilespmem:s25+$0xFFFFFFC0];
	_ =	sdelay $0x4  }
0x21f: {  	[tilespmem:s17+$0xD840] =	vst v3  }
0x220: {  	v3 =	vld [tilespmem:s25+$0x40];
	_ =	sdelay $0x4  }
0x221: {  	[tilespmem:s17+$0x7840] =	vst v3  }
0x222: {  	v3 =	vld [tilespmem:s25+$0xFFFFFFD0];
	_ =	sdelay $0x4  }
0x223: {  	[tilespmem:s17+$0xD850] =	vst v3  }
0x224: {  	v3 =	vld [tilespmem:s25+$0x50];
	_ =	sdelay $0x4  }
0x225: {  	[tilespmem:s17+$0x7850] =	vst v3  }
0x226: {  	v3 =	vld [tilespmem:s25+$0xFFFFFFE0];
	_ =	sdelay $0x4  }
0x227: {  	[tilespmem:s17+$0xD860] =	vst v3  }
0x228: {  	v3 =	vld [tilespmem:s25+$0x60];
	_ =	sdelay $0x4  }
0x229: {  	[tilespmem:s17+$0x7860] =	vst v3  }
0x22a: {  	v3 =	vld [tilespmem:s25+$0xFFFFFFF0];
	_ =	sdelay $0x4  }
0x22b: {  	[tilespmem:s17+$0xD870] =	vst v3  }
0x22c: {  	v3 =	vld [tilespmem:s25+$0x70];
	_ =	sdelay $0x1  }
.Ltmp8:
0x22d: {  	(pc) =	sbr.rel @p2 .LBB2_19-.Ltmp8, $3  }
0x22e: {  	_ =	sdelay $0x1  }
0x22f: {  	s25 =	sadd.s32 $0x100, s25;
	[tilespmem:s17+$0x7870] =	vst v3  }
0x230: {  	s13 =	sadd.s32 $0x200, s13;
	v3 =	vld [tilespmem:s25+$0xFFFFFF80]  }
0x231: {  	_ =	sdelay $0x2  }
0x232: {  	s13 =	sshra.s32 s24, $0x2  }
0x233: {  	[tilespmem:s13+$0xD800] =	vst v3  }
0x234: {  	v3 =	vld [tilespmem:s25+$0x0];
	_ =	sdelay $0x4  }
0x235: {  	[tilespmem:s13+$0x7800] =	vst v3  }
0x236: {  	v3 =	vld [tilespmem:s25+$0xFFFFFF90];
	_ =	sdelay $0x4  }
0x237: {  	[tilespmem:s13+$0xD810] =	vst v3  }
0x238: {  	v3 =	vld [tilespmem:s25+$0x10];
	_ =	sdelay $0x4  }
0x239: {  	[tilespmem:s13+$0x7810] =	vst v3  }
0x23a: {  	v3 =	vld [tilespmem:s25+$0xFFFFFFA0];
	_ =	sdelay $0x4  }
0x23b: {  	[tilespmem:s13+$0xD820] =	vst v3  }
0x23c: {  	v3 =	vld [tilespmem:s25+$0x20];
	_ =	sdelay $0x4  }
0x23d: {  	[tilespmem:s13+$0x7820] =	vst v3  }
0x23e: {  	v3 =	vld [tilespmem:s25+$0xFFFFFFB0];
	_ =	sdelay $0x4  }
0x23f: {  	[tilespmem:s13+$0xD830] =	vst v3  }
0x240: {  	v3 =	vld [tilespmem:s25+$0x30];
	_ =	sdelay $0x4  }
0x241: {  	[tilespmem:s13+$0x7830] =	vst v3  }
0x242: {  	v3 =	vld [tilespmem:s25+$0xFFFFFFC0];
	_ =	sdelay $0x4  }
0x243: {  	[tilespmem:s13+$0xD840] =	vst v3  }
0x244: {  	v3 =	vld [tilespmem:s25+$0x40];
	_ =	sdelay $0x4  }
0x245: {  	[tilespmem:s13+$0x7840] =	vst v3  }
0x246: {  	v3 =	vld [tilespmem:s25+$0xFFFFFFD0];
	_ =	sdelay $0x4  }
0x247: {  	[tilespmem:s13+$0xD850] =	vst v3  }
0x248: {  	v3 =	vld [tilespmem:s25+$0x50];
	_ =	sdelay $0x4  }
0x249: {  	[tilespmem:s13+$0x7850] =	vst v3  }
0x24a: {  	v3 =	vld [tilespmem:s25+$0xFFFFFFE0];
	_ =	sdelay $0x4  }
0x24b: {  	[tilespmem:s13+$0xD860] =	vst v3  }
0x24c: {  	v3 =	vld [tilespmem:s25+$0x60];
	_ =	sdelay $0x4  }
0x24d: {  	[tilespmem:s13+$0x7860] =	vst v3  }
0x24e: {  	v3 =	vld [tilespmem:s25+$0xFFFFFFF0];
	_ =	sdelay $0x4  }
0x24f: {  	[tilespmem:s13+$0xD870] =	vst v3  }
0x250: {  	v3 =	vld [tilespmem:s25+$0x70];
	_ =	sdelay $0x4  }
0x251: {  	s31 =	simm.s32 $0xD800;
	s17 =	simm.s32 $0xB800;
	[tilespmem:s13+$0x7870] =	vst v3  }
0x252: {  	[tilespmem:s17], [sflag:$0x8] =	stream.indirect.gather [spmem:s6], $0x1, s31, s7, $0xb8;
	[tilespmem:$0x12A60] =	vst v63  }
0x253: {  	_ =	swait.ge [sflag:s26], $0x800  }
0x254: {  	[sflag:s26] =	ssyncset.done $0x0  }
0x255: {  	s13 =	simm.s32 $0x0;
	[sflag:s26] =	ssyncadd.s32 $0xFFFFF800  }
0x256: {  	v3 =	vld [tilespmem:s13+$0x5070]  }
0x257: {  	v4 =	vld [tilespmem:s13+$0x5000]  }
0x258: {  	v5 =	vld [tilespmem:s13+$0x5010]  }
0x259: {  	v6 =	vld [tilespmem:s13+$0x5020]  }
0x25a: {  	v7 =	vld [tilespmem:s13+$0xB070]  }
0x25b: {  	v8 =	vld [tilespmem:s13+$0x5030]  }
0x25c: {  	v11 =	vld [tilespmem:s13+$0x5060];
	v3 =	vmul.f32 v3, v2  }
0x25d: {  	v9 =	vld [tilespmem:s13+$0x5040]  }
0x25e: {  	v10 =	vld [tilespmem:s13+$0x5050];
	v3 =	vadd.f32 v3, v1  }
0x25f: {  	v12 =	vld [tilespmem:s13+$0xB000];
	v4 =	vmul.f32 v4, v2  }
0x260: {  	v14 =	vld [tilespmem:s13+$0xB010];
	v5 =	vmul.f32 v5, v2;
	v7 =	vmul.f32 v3, v7  }
0x261: {  	v6 =	vmul.f32 v6, v2;
	v16 =	vmul.f32 v11, v2;
	v3 =	vld [tilespmem:s13+$0xB020]  }
0x262: {  	v13 =	vadd.f32 v4, v1;
	v15 =	vadd.f32 v5, v1;
	v4 =	vld [tilespmem:s13+$0xB030];
	[tilespmem:s13+$0x9070] =	vst v7;
	v7 =	vmul.f32 v8, v2  }
0x263: {  	v6 =	vadd.f32 v6, v1;
	v5 =	vld [tilespmem:s13+$0xB040];
	v8 =	vmul.f32 v9, v2;
	v9 =	vmul.f32 v10, v2  }
0x264: {  	v13 =	vmul.f32 v13, v12;
	v12 =	vadd.f32 v16, v1;
	v10 =	vadd.f32 v7, v1;
	v7 =	vld [tilespmem:s13+$0xB050]  }
0x265: {  	s24 =	simm.s32 $0x400;
	s17 =	simm.s32 $0x80;
	v11 =	vld [tilespmem:s13+$0xB060];
	v14 =	vmul.f32 v15, v14;
	v8 =	vadd.f32 v8, v1;
	v9 =	vadd.f32 v9, v1  }
.LBB2_21:
0x266: {  	p2 =	sne.s32 s24, $0x1E00;
	v15 =	vld [tilespmem:s17+$0x5070];
	[tilespmem:s13+$0x9000] =	vst v13;
	v3 =	vmul.f32 v6, v3  }
0x267: {  	v6 =	vld [tilespmem:s17+$0x5000];
	[tilespmem:s13+$0x9010] =	vst v14;
	v4 =	vmul.f32 v10, v4  }
0x268: {  	v10 =	vld [tilespmem:s17+$0x5010];
	[tilespmem:s13+$0x9020] =	vst v3;
	v3 =	vmul.f32 v8, v5  }
0x269: {  	v5 =	vld [tilespmem:s17+$0x5020];
	[tilespmem:s13+$0x9030] =	vst v4;
	v4 =	vmul.f32 v9, v7  }
0x26a: {  	v7 =	vld [tilespmem:s17+$0xB070];
	[tilespmem:s13+$0x9040] =	vst v3;
	v3 =	vmul.f32 v12, v11  }
0x26b: {  	v8 =	vld [tilespmem:s17+$0x5030];
	v9 =	vmul.f32 v15, v2;
	[tilespmem:s13+$0x9050] =	vst v4  }
0x26c: {  	v4 =	vmul.f32 v6, v2;
	v11 =	vld [tilespmem:s17+$0x5040];
	[tilespmem:s13+$0x9060] =	vst v3;
	s13 =	smov.u32 s17  }
0x26d: {  	v3 =	vmul.f32 v10, v2;
	v12 =	vld [tilespmem:s13+$0x5050];
	v6 =	vadd.f32 v9, v1  }
0x26e: {  	v9 =	vadd.f32 v4, v1;
	v4 =	vmul.f32 v5, v2;
	v13 =	vld [tilespmem:s13+$0x5060]  }
0x26f: {  	v14 =	vld [tilespmem:s13+$0xB000];
	v15 =	vadd.f32 v3, v1;
	v5 =	vmul.f32 v6, v7  }
0x270: {  	v16 =	vld [tilespmem:s13+$0xB010];
	v6 =	vadd.f32 v4, v1;
	v7 =	vmul.f32 v8, v2  }
.Ltmp9:
0x271: {  	v3 =	vld [tilespmem:s13+$0xB020];
	v8 =	vmul.f32 v11, v2;
	[tilespmem:s13+$0x9070] =	vst v5;
	(pc) =	sbr.rel @p2 .LBB2_21-.Ltmp9, $4  }
0x272: {  	v4 =	vld [tilespmem:s13+$0xB030];
	v10 =	vadd.f32 v7, v1;
	v11 =	vmul.f32 v12, v2  }
0x273: {  	v5 =	vld [tilespmem:s13+$0xB040];
	v8 =	vadd.f32 v8, v1;
	v12 =	vmul.f32 v13, v2  }
0x274: {  	v13 =	vmul.f32 v9, v14;
	v7 =	vld [tilespmem:s13+$0xB050];
	v9 =	vadd.f32 v11, v1  }
0x275: {  	s17 =	sshra.s32 s24, $0x2;
	s24 =	sadd.s32 $0x200, s24;
	v14 =	vmul.f32 v15, v16;
	v11 =	vld [tilespmem:s13+$0xB060];
	v12 =	vadd.f32 v12, v1  }
0x276: {  	v15 =	vld [tilespmem:s17+$0x5070];
	[tilespmem:s13+$0x9000] =	vst v13;
	v3 =	vmul.f32 v6, v3  }
0x277: {  	v13 =	vld [tilespmem:s17+$0x5000];
	[tilespmem:s13+$0x9010] =	vst v14;
	v4 =	vmul.f32 v10, v4  }
0x278: {  	v50 =	vld [tilespmem:s17+$0x5010];
	[tilespmem:s13+$0x9020] =	vst v3;
	v5 =	vmul.f32 v8, v5  }
0x279: {  	v3 =	vld [tilespmem:s17+$0x5020];
	[tilespmem:s13+$0x9030] =	vst v4;
	v7 =	vmul.f32 v9, v7  }
0x27a: {  	v4 =	vld [tilespmem:s17+$0xB070];
	[tilespmem:s13+$0x9040] =	vst v5;
	v51 =	vmul.f32 v12, v11  }
0x27b: {  	v5 =	vld [tilespmem:s17+$0x5030];
	[tilespmem:s13+$0x9050] =	vst v7  }
0x27c: {  	v7 =	vld [tilespmem:s17+$0x5040];
	[tilespmem:s13+$0x9060] =	vst v51  }
0x27d: {  	v8 =	vld [tilespmem:s17+$0x5050]  }
0x27e: {  	v52 =	vmul.f32 v15, v2;
	v53 =	vld [tilespmem:s17+$0x5060]  }
0x27f: {  	v54 =	vld [tilespmem:s17+$0xB000]  }
0x280: {  	v56 =	vmul.f32 v13, v2;
	v9 =	vadd.f32 v52, v1;
	v55 =	vld [tilespmem:s17+$0xB010]  }
0x281: {  	v57 =	vld [tilespmem:s17+$0xB020];
	v6 =	vmul.f32 v50, v2  }
0x282: {  	v59 =	vld [tilespmem:s17+$0xB030];
	v58 =	vadd.f32 v56, v1;
	v3 =	vmul.f32 v3, v2;
	v4 =	vmul.f32 v9, v4  }
0x283: {  	v14 =	vld [tilespmem:s17+$0xB040];
	v6 =	vadd.f32 v6, v1;
	v5 =	vmul.f32 v5, v2  }
0x284: {  	v60 =	vld [tilespmem:s17+$0xB050];
	v3 =	vadd.f32 v3, v1;
	[tilespmem:s17+$0x9070] =	vst v4;
	v7 =	vmul.f32 v7, v2;
	v4 =	vmul.f32 v58, v54  }
0x285: {  	v61 =	vld [tilespmem:s17+$0xB060];
	v5 =	vadd.f32 v5, v1;
	v8 =	vmul.f32 v8, v2;
	v6 =	vmul.f32 v6, v55  }
0x286: {  	v10 =	vmul.f32 v53, v2;
	v3 =	vmul.f32 v3, v57;
	v7 =	vadd.f32 v7, v1;
	[tilespmem:s17+$0x9000] =	vst v4  }
0x287: {  	v62 =	vadd.f32 v8, v1;
	[tilespmem:s17+$0x9010] =	vst v6;
	v5 =	vmul.f32 v5, v59  }
0x288: {  	v63 =	vadd.f32 v10, v1;
	[tilespmem:s17+$0x9020] =	vst v3;
	v3 =	vmul.f32 v7, v14  }
0x289: {  	[tilespmem:s17+$0x9030] =	vst v5;
	v4 =	vmul.f32 v62, v60  }
0x28a: {  	[tilespmem:s17+$0x9040] =	vst v3;
	v3 =	vmul.f32 v63, v61  }
0x28b: {  	[tilespmem:s17+$0x9050] =	vst v4  }
.Ltmp10:
0x28c: {  	[tilespmem:s17+$0x9060] =	vst v3;
	(pc) =	sbr.rel @p1 .LBB2_24-.Ltmp10, $4  }
0x28d: {  	_ =	swait.ge [sflag:s11], $0x800  }
0x28e: {  	[sflag:s11] =	ssyncset.done $0x0  }
0x28f: {  	s25 =	simm.s32 $0x7000;
	s31 =	simm.s32 $0x9000;
	[sflag:s11] =	ssyncadd.s32 $0xFFFFF800  }
0x290: {  	[spmem:s5] =	stream.indirect.scatter.add.f32 [tilespmem:s31], [sflag:$0xB], $0x1, s25, s7, $0xb8;
	[tilespmem:$0x12A60] =	vst v63  }
0x291: {  	s12 =	sadd.s32 s12, s20  }
.Ltmp11:
0x292: {  	s13 =	sshrl.u32 s12, $0x2;
	(pc) =	sbr.rel .LBB2_4-.Ltmp11, $4  }
0x293: {  	s17 =	simm.s32 $0x1000;
	s12 =	sshrl.u32 s12, $0x3;
	s13 =	sadd.s32 s0, s13  }
0x294: {  	[tilespmem:s17], [sflag:$0x2] =	stream.linear.gather [hbm4b:s13+s8], $0x1000, $0x38;
	[tilespmem:$0x12A60] =	vst v63  }
0x295: {  	s31 =	simm.s32 $0x4800;
	s23 =	sadd.s32 $0x1, s23;
	s12 =	sadd.s32 s1, s12  }
0x296: {  	[tilespmem:s31], [sflag:$0x2] =	stream.linear.gather [hbm4b:s12+s8], $0x800, $0x38;
	[tilespmem:$0x12A60] =	vst v63  }
.LBB2_24:
0x297: {  	_ =	swait.ge [sflag:s18], $0x800  }
0x298: {  	[sflag:s18] =	ssyncset.done $0x0  }
0x299: {  	s12 =	simm.s32 $0x0;
	[sflag:s18] =	ssyncadd.s32 $0xFFFFF800  }
0x29a: {  	v3 =	vld [tilespmem:s12+$0x5870]  }
0x29b: {  	v4 =	vld [tilespmem:s12+$0x5800]  }
0x29c: {  	v5 =	vld [tilespmem:s12+$0x5810]  }
0x29d: {  	v6 =	vld [tilespmem:s12+$0x5820]  }
0x29e: {  	v7 =	vld [tilespmem:s12+$0xB870]  }
0x29f: {  	v8 =	vld [tilespmem:s12+$0x5830]  }
0x2a0: {  	v11 =	vld [tilespmem:s12+$0x5860];
	v3 =	vmul.f32 v3, v2  }
0x2a1: {  	v9 =	vld [tilespmem:s12+$0x5840]  }
0x2a2: {  	v10 =	vld [tilespmem:s12+$0x5850];
	v3 =	vadd.f32 v3, v1  }
0x2a3: {  	v12 =	vld [tilespmem:s12+$0xB800];
	v4 =	vmul.f32 v4, v2  }
0x2a4: {  	v14 =	vld [tilespmem:s12+$0xB810];
	v5 =	vmul.f32 v5, v2;
	v7 =	vmul.f32 v3, v7  }
0x2a5: {  	v6 =	vmul.f32 v6, v2;
	v16 =	vmul.f32 v11, v2;
	v3 =	vld [tilespmem:s12+$0xB820]  }
0x2a6: {  	v13 =	vadd.f32 v4, v1;
	v15 =	vadd.f32 v5, v1;
	v4 =	vld [tilespmem:s12+$0xB830];
	[tilespmem:s12+$0x9870] =	vst v7;
	v7 =	vmul.f32 v8, v2  }
0x2a7: {  	v6 =	vadd.f32 v6, v1;
	v5 =	vld [tilespmem:s12+$0xB840];
	v8 =	vmul.f32 v9, v2;
	v9 =	vmul.f32 v10, v2  }
0x2a8: {  	v13 =	vmul.f32 v13, v12;
	v12 =	vadd.f32 v16, v1;
	v10 =	vadd.f32 v7, v1;
	v7 =	vld [tilespmem:s12+$0xB850]  }
0x2a9: {  	s13 =	simm.s32 $0x80;
	s17 =	simm.s32 $0x400;
	v11 =	vld [tilespmem:s12+$0xB860];
	v14 =	vmul.f32 v15, v14;
	v8 =	vadd.f32 v8, v1;
	v9 =	vadd.f32 v9, v1  }
.LBB2_25:
0x2aa: {  	p1 =	sne.s32 s17, $0x1E00;
	v15 =	vld [tilespmem:s13+$0x5870];
	[tilespmem:s12+$0x9800] =	vst v13;
	v3 =	vmul.f32 v6, v3  }
0x2ab: {  	v6 =	vld [tilespmem:s13+$0x5800];
	[tilespmem:s12+$0x9810] =	vst v14;
	v4 =	vmul.f32 v10, v4  }
0x2ac: {  	v10 =	vld [tilespmem:s13+$0x5810];
	[tilespmem:s12+$0x9820] =	vst v3;
	v3 =	vmul.f32 v8, v5  }
0x2ad: {  	v5 =	vld [tilespmem:s13+$0x5820];
	[tilespmem:s12+$0x9830] =	vst v4;
	v4 =	vmul.f32 v9, v7  }
0x2ae: {  	v7 =	vld [tilespmem:s13+$0xB870];
	[tilespmem:s12+$0x9840] =	vst v3;
	v3 =	vmul.f32 v12, v11  }
0x2af: {  	v8 =	vld [tilespmem:s13+$0x5830];
	v9 =	vmul.f32 v15, v2;
	[tilespmem:s12+$0x9850] =	vst v4  }
0x2b0: {  	v4 =	vmul.f32 v6, v2;
	v11 =	vld [tilespmem:s13+$0x5840];
	[tilespmem:s12+$0x9860] =	vst v3;
	s12 =	smov.u32 s13  }
0x2b1: {  	v3 =	vmul.f32 v10, v2;
	v12 =	vld [tilespmem:s12+$0x5850];
	v6 =	vadd.f32 v9, v1  }
0x2b2: {  	v9 =	vadd.f32 v4, v1;
	v4 =	vmul.f32 v5, v2;
	v13 =	vld [tilespmem:s12+$0x5860]  }
0x2b3: {  	v14 =	vld [tilespmem:s12+$0xB800];
	v15 =	vadd.f32 v3, v1;
	v5 =	vmul.f32 v6, v7  }
0x2b4: {  	v16 =	vld [tilespmem:s12+$0xB810];
	v6 =	vadd.f32 v4, v1;
	v7 =	vmul.f32 v8, v2  }
.Ltmp12:
0x2b5: {  	v3 =	vld [tilespmem:s12+$0xB820];
	v8 =	vmul.f32 v11, v2;
	[tilespmem:s12+$0x9870] =	vst v5;
	(pc) =	sbr.rel @p1 .LBB2_25-.Ltmp12, $4  }
0x2b6: {  	v4 =	vld [tilespmem:s12+$0xB830];
	v10 =	vadd.f32 v7, v1;
	v11 =	vmul.f32 v12, v2  }
0x2b7: {  	v5 =	vld [tilespmem:s12+$0xB840];
	v8 =	vadd.f32 v8, v1;
	v12 =	vmul.f32 v13, v2  }
0x2b8: {  	v13 =	vmul.f32 v9, v14;
	v7 =	vld [tilespmem:s12+$0xB850];
	v9 =	vadd.f32 v11, v1  }
0x2b9: {  	s13 =	sshra.s32 s17, $0x2;
	s17 =	sadd.s32 $0x200, s17;
	v14 =	vmul.f32 v15, v16;
	v11 =	vld [tilespmem:s12+$0xB860];
	v12 =	vadd.f32 v12, v1  }
0x2ba: {  	v15 =	vld [tilespmem:s13+$0x5870];
	[tilespmem:s12+$0x9800] =	vst v13;
	v3 =	vmul.f32 v6, v3  }
0x2bb: {  	v13 =	vld [tilespmem:s13+$0x5800];
	[tilespmem:s12+$0x9810] =	vst v14;
	v4 =	vmul.f32 v10, v4  }
0x2bc: {  	v52 =	vld [tilespmem:s13+$0x5810];
	[tilespmem:s12+$0x9820] =	vst v3;
	v5 =	vmul.f32 v8, v5  }
0x2bd: {  	v3 =	vld [tilespmem:s13+$0x5820];
	[tilespmem:s12+$0x9830] =	vst v4;
	v7 =	vmul.f32 v9, v7  }
0x2be: {  	v4 =	vld [tilespmem:s13+$0xB870];
	[tilespmem:s12+$0x9840] =	vst v5;
	v53 =	vmul.f32 v12, v11  }
0x2bf: {  	v5 =	vld [tilespmem:s13+$0x5830];
	[tilespmem:s12+$0x9850] =	vst v7  }
0x2c0: {  	v7 =	vld [tilespmem:s13+$0x5840];
	[tilespmem:s12+$0x9860] =	vst v53  }
0x2c1: {  	v54 =	vmul.f32 v15, v2;
	v8 =	vld [tilespmem:s13+$0x5850]  }
0x2c2: {  	v55 =	vld [tilespmem:s13+$0x5860]  }
0x2c3: {  	v9 =	vadd.f32 v54, v1;
	v57 =	vld [tilespmem:s13+$0xB810]  }
0x2c4: {  	v56 =	vld [tilespmem:s13+$0xB800];
	v6 =	vmul.f32 v52, v2  }
0x2c5: {  	v58 =	vmul.f32 v13, v2;
	v59 =	vld [tilespmem:s13+$0xB820];
	v4 =	vmul.f32 v9, v4  }
0x2c6: {  	v60 =	vld [tilespmem:s13+$0xB830];
	v3 =	vmul.f32 v3, v2;
	v6 =	vadd.f32 v6, v1  }
0x2c7: {  	v14 =	vld [tilespmem:s13+$0xB840];
	v5 =	vmul.f32 v5, v2;
	[tilespmem:s13+$0x9870] =	vst v4;
	v4 =	vadd.f32 v58, v1  }
0x2c8: {  	v61 =	vld [tilespmem:s13+$0xB850];
	v3 =	vadd.f32 v3, v1;
	v7 =	vmul.f32 v7, v2;
	v6 =	vmul.f32 v6, v57  }
0x2c9: {  	v62 =	vld [tilespmem:s13+$0xB860];
	v5 =	vadd.f32 v5, v1;
	v8 =	vmul.f32 v8, v2;
	v4 =	vmul.f32 v4, v56  }
0x2ca: {  	v10 =	vmul.f32 v55, v2;
	v3 =	vmul.f32 v3, v59;
	v7 =	vadd.f32 v7, v1;
	[tilespmem:s13+$0x9810] =	vst v6  }
0x2cb: {  	v5 =	vmul.f32 v5, v60;
	[tilespmem:s13+$0x9800] =	vst v4;
	v4 =	vadd.f32 v8, v1  }
0x2cc: {  	v63 =	vadd.f32 v10, v1;
	[tilespmem:s13+$0x9820] =	vst v3;
	v3 =	vmul.f32 v7, v14  }
0x2cd: {  	[tilespmem:s13+$0x9830] =	vst v5;
	v4 =	vmul.f32 v4, v61  }
0x2ce: {  	[tilespmem:s13+$0x9840] =	vst v3;
	v3 =	vmul.f32 v63, v62  }
0x2cf: {  	[tilespmem:s13+$0x9850] =	vst v4  }
0x2d0: {  	[tilespmem:s13+$0x9860] =	vst v3  }
0x2d1: {  	_ =	swait.ge [sflag:s22], $0x800  }
0x2d2: {  	s17 =	simm.s32 $0x9800;
	[sflag:s22] =	ssyncset.done $0x0  }
0x2d3: {  	s23 =	simm.s32 $0xC;
	s13 =	simm.s32 $0x7800;
	[sflag:s22] =	ssyncadd.s32 $0xFFFFF800  }
0x2d4: {  	[spmem:s5] =	stream.indirect.scatter.add.f32 [tilespmem:s17], [sflag:$0xC], $0x1, s13, s7, $0xb8;
	[tilespmem:$0x12A60] =	vst v63  }
0x2d5: {  	_ =	swait.ge [sflag:s23], $0x800  }
0x2d6: {  	[sflag:s23] =	ssyncset.done $0x0  }
0x2d7: {  	s24 =	rddreg [dreg:$0x13];
	[sflag:s23] =	ssyncadd.s32 $0xFFFFF800;
	s23 =	simm.s32 $0x0  }
0x2d8: {  	[tilespmem:s23], [sflag:$0xD] =	stream.linear.gather [hbm4b:s24+s23], $0x1000, $0x38;
	[tilespmem:$0x12A60] =	vst v63  }
0x2d9: {  	s24 =	simm.s32 $0xD  }
0x2da: {  	_ =	swait.ge [sflag:s24], $0x1000  }
0x2db: {  	[sflag:s24] =	ssyncset.done $0x0  }
0x2dc: {  	s31 =	simm.s32 $0x4000;
	s25 =	rddreg [dreg:$0x14];
	[sflag:s24] =	ssyncadd.s32 $0xFFFFF000  }
0x2dd: {  	[tilespmem:s31], [sflag:$0xD] =	stream.linear.gather [hbm4b:s25+s23], $0x800, $0x38;
	[tilespmem:$0x12A60] =	vst v63  }
0x2de: {  	_ =	swait.ge [sflag:s24], $0x800  }
0x2df: {  	[sflag:s24] =	ssyncset.done $0x0  }
0x2e0: {  	s12 =	simm.s32 $0x80;
	[sflag:s24] =	ssyncadd.s32 $0xFFFFF800  }
0x2e1: {  	s13 =	simm.s32 $0x200;
	v3 =	vld [tilespmem:s12+$0xFFFFFF80]  }
.LBB2_27:
0x2e2: {  	p1 =	sne.s32 s13, $0x1E00;
	_ =	sdelay $0x2  }
0x2e3: {  	s17 =	sshra.s32 s23, $0x2;
	s23 =	smov.u32 s13  }
0x2e4: {  	[tilespmem:s17+$0xC000] =	vst v3  }
0x2e5: {  	v3 =	vld [tilespmem:s12+$0x0];
	_ =	sdelay $0x4  }
0x2e6: {  	[tilespmem:s17+$0x6000] =	vst v3  }
0x2e7: {  	v3 =	vld [tilespmem:s12+$0xFFFFFF90];
	_ =	sdelay $0x4  }
0x2e8: {  	[tilespmem:s17+$0xC010] =	vst v3  }
0x2e9: {  	v3 =	vld [tilespmem:s12+$0x10];
	_ =	sdelay $0x4  }
0x2ea: {  	[tilespmem:s17+$0x6010] =	vst v3  }
0x2eb: {  	v3 =	vld [tilespmem:s12+$0xFFFFFFA0];
	_ =	sdelay $0x4  }
0x2ec: {  	[tilespmem:s17+$0xC020] =	vst v3  }
0x2ed: {  	v3 =	vld [tilespmem:s12+$0x20];
	_ =	sdelay $0x4  }
0x2ee: {  	[tilespmem:s17+$0x6020] =	vst v3  }
0x2ef: {  	v3 =	vld [tilespmem:s12+$0xFFFFFFB0];
	_ =	sdelay $0x4  }
0x2f0: {  	[tilespmem:s17+$0xC030] =	vst v3  }
0x2f1: {  	v3 =	vld [tilespmem:s12+$0x30];
	_ =	sdelay $0x4  }
0x2f2: {  	[tilespmem:s17+$0x6030] =	vst v3  }
0x2f3: {  	v3 =	vld [tilespmem:s12+$0xFFFFFFC0];
	_ =	sdelay $0x4  }
0x2f4: {  	[tilespmem:s17+$0xC040] =	vst v3  }
0x2f5: {  	v3 =	vld [tilespmem:s12+$0x40];
	_ =	sdelay $0x4  }
0x2f6: {  	[tilespmem:s17+$0x6040] =	vst v3  }
0x2f7: {  	v3 =	vld [tilespmem:s12+$0xFFFFFFD0];
	_ =	sdelay $0x4  }
0x2f8: {  	[tilespmem:s17+$0xC050] =	vst v3  }
0x2f9: {  	v3 =	vld [tilespmem:s12+$0x50];
	_ =	sdelay $0x4  }
0x2fa: {  	[tilespmem:s17+$0x6050] =	vst v3  }
0x2fb: {  	v3 =	vld [tilespmem:s12+$0xFFFFFFE0];
	_ =	sdelay $0x4  }
0x2fc: {  	[tilespmem:s17+$0xC060] =	vst v3  }
0x2fd: {  	v3 =	vld [tilespmem:s12+$0x60];
	_ =	sdelay $0x4  }
0x2fe: {  	[tilespmem:s17+$0x6060] =	vst v3  }
0x2ff: {  	v3 =	vld [tilespmem:s12+$0xFFFFFFF0];
	_ =	sdelay $0x4  }
0x300: {  	[tilespmem:s17+$0xC070] =	vst v3  }
0x301: {  	v3 =	vld [tilespmem:s12+$0x70];
	_ =	sdelay $0x1  }
.Ltmp13:
0x302: {  	(pc) =	sbr.rel @p1 .LBB2_27-.Ltmp13, $3  }
0x303: {  	_ =	sdelay $0x1  }
0x304: {  	s12 =	sadd.s32 $0x100, s12;
	[tilespmem:s17+$0x6070] =	vst v3  }
0x305: {  	s13 =	sadd.s32 $0x200, s13;
	v3 =	vld [tilespmem:s12+$0xFFFFFF80]  }
0x306: {  	_ =	sdelay $0x2  }
0x307: {  	s13 =	sshra.s32 s23, $0x2  }
0x308: {  	[tilespmem:s13+$0xC000] =	vst v3  }
0x309: {  	v3 =	vld [tilespmem:s12+$0x0];
	_ =	sdelay $0x4  }
0x30a: {  	[tilespmem:s13+$0x6000] =	vst v3  }
0x30b: {  	v3 =	vld [tilespmem:s12+$0xFFFFFF90];
	_ =	sdelay $0x4  }
0x30c: {  	[tilespmem:s13+$0xC010] =	vst v3  }
0x30d: {  	v3 =	vld [tilespmem:s12+$0x10];
	_ =	sdelay $0x4  }
0x30e: {  	[tilespmem:s13+$0x6010] =	vst v3  }
0x30f: {  	v3 =	vld [tilespmem:s12+$0xFFFFFFA0];
	_ =	sdelay $0x4  }
0x310: {  	[tilespmem:s13+$0xC020] =	vst v3  }
0x311: {  	v3 =	vld [tilespmem:s12+$0x20];
	_ =	sdelay $0x4  }
0x312: {  	[tilespmem:s13+$0x6020] =	vst v3  }
0x313: {  	v3 =	vld [tilespmem:s12+$0xFFFFFFB0];
	_ =	sdelay $0x4  }
0x314: {  	[tilespmem:s13+$0xC030] =	vst v3  }
0x315: {  	v3 =	vld [tilespmem:s12+$0x30];
	_ =	sdelay $0x4  }
0x316: {  	[tilespmem:s13+$0x6030] =	vst v3  }
0x317: {  	v3 =	vld [tilespmem:s12+$0xFFFFFFC0];
	_ =	sdelay $0x4  }
0x318: {  	[tilespmem:s13+$0xC040] =	vst v3  }
0x319: {  	v3 =	vld [tilespmem:s12+$0x40];
	_ =	sdelay $0x4  }
0x31a: {  	[tilespmem:s13+$0x6040] =	vst v3  }
0x31b: {  	v3 =	vld [tilespmem:s12+$0xFFFFFFD0];
	_ =	sdelay $0x4  }
0x31c: {  	[tilespmem:s13+$0xC050] =	vst v3  }
0x31d: {  	v3 =	vld [tilespmem:s12+$0x50];
	_ =	sdelay $0x4  }
0x31e: {  	[tilespmem:s13+$0x6050] =	vst v3  }
0x31f: {  	v3 =	vld [tilespmem:s12+$0xFFFFFFE0];
	_ =	sdelay $0x4  }
0x320: {  	[tilespmem:s13+$0xC060] =	vst v3  }
0x321: {  	v3 =	vld [tilespmem:s12+$0x60];
	_ =	sdelay $0x4  }
0x322: {  	[tilespmem:s13+$0x6060] =	vst v3  }
0x323: {  	v3 =	vld [tilespmem:s12+$0xFFFFFFF0];
	_ =	sdelay $0x4  }
0x324: {  	[tilespmem:s13+$0xC070] =	vst v3  }
0x325: {  	v3 =	vld [tilespmem:s12+$0x70];
	_ =	sdelay $0x4  }
0x326: {  	[tilespmem:s13+$0x6070] =	vst v3  }
0x327: {  	[tilespmem:s4], [sflag:$0x5] =	stream.indirect.gather [spmem:s6], $0x1, s3, s7, $0xb8;
	[tilespmem:$0x12A60] =	vst v63  }
0x328: {  	_ =	swait.ge [sflag:s14], $0x800  }
0x329: {  	[sflag:s14] =	ssyncset.done $0x0  }
0x32a: {  	s12 =	simm.s32 $0x0;
	[sflag:s14] =	ssyncadd.s32 $0xFFFFF800  }
0x32b: {  	v3 =	vld [tilespmem:s12+$0x4070]  }
0x32c: {  	v4 =	vld [tilespmem:s12+$0x4000]  }
0x32d: {  	v5 =	vld [tilespmem:s12+$0x4010]  }
0x32e: {  	v6 =	vld [tilespmem:s12+$0x4020]  }
0x32f: {  	v7 =	vld [tilespmem:s12+$0xA070]  }
0x330: {  	v8 =	vld [tilespmem:s12+$0x4030]  }
0x331: {  	v11 =	vld [tilespmem:s12+$0x4060];
	v3 =	vmul.f32 v3, v2  }
0x332: {  	v9 =	vld [tilespmem:s12+$0x4040]  }
0x333: {  	v10 =	vld [tilespmem:s12+$0x4050];
	v3 =	vadd.f32 v3, v1  }
0x334: {  	v12 =	vld [tilespmem:s12+$0xA000];
	v4 =	vmul.f32 v4, v2  }
0x335: {  	v14 =	vld [tilespmem:s12+$0xA010];
	v5 =	vmul.f32 v5, v2;
	v7 =	vmul.f32 v3, v7  }
0x336: {  	v6 =	vmul.f32 v6, v2;
	v16 =	vmul.f32 v11, v2;
	v3 =	vld [tilespmem:s12+$0xA020]  }
0x337: {  	v13 =	vadd.f32 v4, v1;
	v15 =	vadd.f32 v5, v1;
	v4 =	vld [tilespmem:s12+$0xA030];
	[tilespmem:s12+$0x8070] =	vst v7;
	v7 =	vmul.f32 v8, v2  }
0x338: {  	v6 =	vadd.f32 v6, v1;
	v5 =	vld [tilespmem:s12+$0xA040];
	v8 =	vmul.f32 v9, v2;
	v9 =	vmul.f32 v10, v2  }
0x339: {  	v13 =	vmul.f32 v13, v12;
	v12 =	vadd.f32 v16, v1;
	v10 =	vadd.f32 v7, v1;
	v7 =	vld [tilespmem:s12+$0xA050]  }
0x33a: {  	s17 =	simm.s32 $0x400;
	s13 =	simm.s32 $0x80;
	v11 =	vld [tilespmem:s12+$0xA060];
	v14 =	vmul.f32 v15, v14;
	v8 =	vadd.f32 v8, v1;
	v9 =	vadd.f32 v9, v1  }
.LBB2_29:
0x33b: {  	p1 =	sne.s32 s17, $0x1E00;
	v15 =	vld [tilespmem:s13+$0x4070];
	[tilespmem:s12+$0x8000] =	vst v13;
	v3 =	vmul.f32 v6, v3  }
0x33c: {  	v6 =	vld [tilespmem:s13+$0x4000];
	[tilespmem:s12+$0x8010] =	vst v14;
	v4 =	vmul.f32 v10, v4  }
0x33d: {  	v10 =	vld [tilespmem:s13+$0x4010];
	[tilespmem:s12+$0x8020] =	vst v3;
	v3 =	vmul.f32 v8, v5  }
0x33e: {  	v5 =	vld [tilespmem:s13+$0x4020];
	[tilespmem:s12+$0x8030] =	vst v4;
	v4 =	vmul.f32 v9, v7  }
0x33f: {  	v7 =	vld [tilespmem:s13+$0xA070];
	[tilespmem:s12+$0x8040] =	vst v3;
	v3 =	vmul.f32 v12, v11  }
0x340: {  	v8 =	vld [tilespmem:s13+$0x4030];
	v9 =	vmul.f32 v15, v2;
	[tilespmem:s12+$0x8050] =	vst v4  }
0x341: {  	v4 =	vmul.f32 v6, v2;
	v11 =	vld [tilespmem:s13+$0x4040];
	[tilespmem:s12+$0x8060] =	vst v3;
	s12 =	smov.u32 s13  }
0x342: {  	v3 =	vmul.f32 v10, v2;
	v12 =	vld [tilespmem:s12+$0x4050];
	v6 =	vadd.f32 v9, v1  }
0x343: {  	v9 =	vadd.f32 v4, v1;
	v4 =	vmul.f32 v5, v2;
	v13 =	vld [tilespmem:s12+$0x4060]  }
0x344: {  	v14 =	vld [tilespmem:s12+$0xA000];
	v15 =	vadd.f32 v3, v1;
	v5 =	vmul.f32 v6, v7  }
0x345: {  	v16 =	vld [tilespmem:s12+$0xA010];
	v6 =	vadd.f32 v4, v1;
	v7 =	vmul.f32 v8, v2  }
.Ltmp14:
0x346: {  	v3 =	vld [tilespmem:s12+$0xA020];
	v8 =	vmul.f32 v11, v2;
	[tilespmem:s12+$0x8070] =	vst v5;
	(pc) =	sbr.rel @p1 .LBB2_29-.Ltmp14, $4  }
0x347: {  	v4 =	vld [tilespmem:s12+$0xA030];
	v10 =	vadd.f32 v7, v1;
	v11 =	vmul.f32 v12, v2  }
0x348: {  	v5 =	vld [tilespmem:s12+$0xA040];
	v8 =	vadd.f32 v8, v1;
	v12 =	vmul.f32 v13, v2  }
0x349: {  	v13 =	vmul.f32 v9, v14;
	v7 =	vld [tilespmem:s12+$0xA050];
	v9 =	vadd.f32 v11, v1  }
0x34a: {  	s13 =	sshra.s32 s17, $0x2;
	s17 =	sadd.s32 $0x200, s17;
	v14 =	vmul.f32 v15, v16;
	v11 =	vld [tilespmem:s12+$0xA060];
	v12 =	vadd.f32 v12, v1  }
0x34b: {  	v15 =	vld [tilespmem:s13+$0x4070];
	[tilespmem:s12+$0x8000] =	vst v13;
	v3 =	vmul.f32 v6, v3  }
0x34c: {  	v13 =	vld [tilespmem:s13+$0x4000];
	[tilespmem:s12+$0x8010] =	vst v14;
	v4 =	vmul.f32 v10, v4  }
0x34d: {  	v51 =	vld [tilespmem:s13+$0x4010];
	[tilespmem:s12+$0x8020] =	vst v3;
	v5 =	vmul.f32 v8, v5  }
0x34e: {  	v3 =	vld [tilespmem:s13+$0x4020];
	[tilespmem:s12+$0x8030] =	vst v4;
	v7 =	vmul.f32 v9, v7  }
0x34f: {  	v4 =	vld [tilespmem:s13+$0xA070];
	[tilespmem:s12+$0x8040] =	vst v5;
	v52 =	vmul.f32 v12, v11  }
0x350: {  	v5 =	vld [tilespmem:s13+$0x4030];
	[tilespmem:s12+$0x8050] =	vst v7  }
0x351: {  	v7 =	vld [tilespmem:s13+$0x4040];
	[tilespmem:s12+$0x8060] =	vst v52  }
0x352: {  	v8 =	vld [tilespmem:s13+$0x4050]  }
0x353: {  	v53 =	vmul.f32 v15, v2;
	v54 =	vld [tilespmem:s13+$0x4060]  }
0x354: {  	v55 =	vld [tilespmem:s13+$0xA000]  }
0x355: {  	v57 =	vmul.f32 v13, v2;
	v9 =	vadd.f32 v53, v1;
	v56 =	vld [tilespmem:s13+$0xA010]  }
0x356: {  	v58 =	vld [tilespmem:s13+$0xA020];
	v6 =	vmul.f32 v51, v2  }
0x357: {  	v60 =	vld [tilespmem:s13+$0xA030];
	v59 =	vadd.f32 v57, v1;
	v3 =	vmul.f32 v3, v2;
	v4 =	vmul.f32 v9, v4  }
0x358: {  	v14 =	vld [tilespmem:s13+$0xA040];
	v6 =	vadd.f32 v6, v1;
	v5 =	vmul.f32 v5, v2  }
0x359: {  	v61 =	vld [tilespmem:s13+$0xA050];
	v3 =	vadd.f32 v3, v1;
	[tilespmem:s13+$0x8070] =	vst v4;
	v7 =	vmul.f32 v7, v2;
	v4 =	vmul.f32 v59, v55  }
0x35a: {  	v62 =	vld [tilespmem:s13+$0xA060];
	v5 =	vadd.f32 v5, v1;
	v8 =	vmul.f32 v8, v2;
	v6 =	vmul.f32 v6, v56  }
0x35b: {  	v2 =	vmul.f32 v54, v2;
	v3 =	vmul.f32 v3, v58;
	v7 =	vadd.f32 v7, v1;
	[tilespmem:s13+$0x8000] =	vst v4  }
0x35c: {  	v63 =	vadd.f32 v8, v1;
	[tilespmem:s13+$0x8010] =	vst v6;
	v5 =	vmul.f32 v5, v60  }
0x35d: {  	v1 =	vadd.f32 v2, v1;
	[tilespmem:s13+$0x8020] =	vst v3;
	v2 =	vmul.f32 v7, v14  }
0x35e: {  	[tilespmem:s13+$0x8030] =	vst v5;
	v3 =	vmul.f32 v63, v61  }
0x35f: {  	v1 =	vmul.f32 v1, v62;
	[tilespmem:s13+$0x8040] =	vst v2  }
0x360: {  	[tilespmem:s13+$0x8050] =	vst v3  }
0x361: {  	[tilespmem:s13+$0x8060] =	vst v1  }
0x362: {  	[spmem:s5] =	stream.indirect.scatter.add.f32 [tilespmem:s16], [sflag:$0x9], $0x1, s15, s7, $0xb8;
	[tilespmem:$0x12A60] =	vst v63  }
0x363: {  	_ =	swait.ge [sflag:s9], $0x800  }
0x364: {  	[sflag:s9] =	ssyncset.done $0x0  }
0x365: {  	[sflag:s9] =	ssyncadd.s32 $0xFFFFF800  }
0x366: {  	[bflag:$0x0] =	sbarrier.arrive $0xFFFF  }
0x367: {  	s23 =	simm.s32 $0xE000;
	s17 =	rddreg [dreg:$0xb]  }
0x368: {  	[tilespmem:s23], [sflag:$0xD] =	stream.linear.gather [spmem:s17], $0x1870, $0x38;
	[tilespmem:$0x12A60] =	vst v63  }
0x369: {  	_ =	swait.ge [sflag:s24], $0x1870  }
0x36a: {  	[sflag:s24] =	ssyncset.done $0x0  }
0x36b: {  	s13 =	rddreg [dreg:$0x15];
	[sflag:s24] =	ssyncadd.s32 $0xFFFFE790  }
0x36c: {  	[hbm4b:s13+s8] =	stream.linear.scatter [tilespmem:s23], [sflag:$0xD], $0x1870, $0x38;
	[tilespmem:$0x12A60] =	vst v63  }
0x36d: {  	_ =	swait.ge [sflag:s24], $0x1870  }
0x36e: {  	s25 =	rddreg [dreg:$0x17]  }
0x36f: {  	s31 =	rddreg [dreg:$0x16];
	s13 =	sadd.s32 $0x1, s25  }
0x370: {  	p1 =	sne.s32 s13, s31  }
.Ltmp15:
0x371: {  	_ = 	snop;
	(pc) =	sbr.rel @p1 .LBB2_1-.Ltmp15, $3  }
0x372: {  	_ =	sdelay $0x1  }
0x373: {  	[sflag:s24] =	ssyncset.done $0x0  }
0x374: {  	[sflag:s24] =	ssyncadd.s32 $0xFFFFE790  }
0x375: {  	_ =	sfence.sel $0x180000  }
0x376: {  	[bflag:$0x0] =	sbarrier.arrive $0xFFFF  }
0x377: {  	_ =	strace $0x90000047  }
0x378: {  	s0 =	stileid.u32;
	[bflag:$0x2] =	sbarrier.arrive $0xFFFF  }
0x379: {  	p0 =	sne.s32 s0, $0x0;
	s0 =	rddreg [dreg:$0xa]  }
0x37a: {  	s0 =	sadd.s32 @!p0 $0x100000, s0  }
0x37b: {  	[sflag:s0] =	ssyncadd.tile.s32 @!p0 $0x1;
	_ =	shalt  }
.Lfunc_end2:
_tile_overlayer_lowered:
.L_overlay_start_2:
0x37c: {  	(tag) =	ssettag $0x2  }
0x37d: {  	s0 =	rddreg [dreg:$0x0];
	s2 =	stileid.u32  }
0x37e: {  	s1 =	rddreg [dreg:$0x1];
	p0 =	sne.s32 s2, $0x0  }
0x37f: {  	s3 =	rddreg [dreg:$0x2];
	[bflag:$0x3] =	sbarrier.arrive $0xFFFF;
	s2 =	simm.s32 @!p0 $0x1C0D  }
0x380: {  	[timem:s3], [sflag:s2] =	dma.local @!p0 [hbm:s0], s1  }
0x381: {  	s0 =	simm.s32 @!p0 $0xD  }
0x382: {  	_ =	swait.ge @!p0 [sflag:s0], s1  }
0x383: {  	s1 =	ssub.s32 @!p0 $0x0, s1;
	[sflag:s0] =	ssyncset.done @!p0 $0x0  }
0x384: {  	[sflag:s0] =	ssyncadd.s32 @!p0 s1  }
0x385: {  	[bflag:$0x3] =	sbarrier.arrive $0xFFFF  }
0x386: {  	_ =	shalt  }

</sc_bundles>
